<compile_context>
chip_gen: v7x
topology: tpu7x:2x2x1
jax: 0.10.2.dev20260603
libtpu: 0.0.44.dev20260713+nightly
codegen_flags: <defaults>
</compile_context>

<pallas_src>
import jax
import jax.numpy as jnp
from jax import lax
from jax.experimental import pallas as pl
from jax.experimental.pallas import tpu as pltpu
from jax.experimental.pallas import tpu_sc as plsc

B, S, D, E = 4, 8192, 2048, 64
NC, NS = 2, 16
NW = NC * NS
JW = NW // B
CPW = D // JW
NV = CPW // 16
RCHUNK = 64
NBUF = 4
SSC = 4096
NCHUNKS = SSC // RCHUNK
NGROUPS = NCHUNKS // NBUF
TCHUNK = 512
TGRID = (S - SSC) // TCHUNK


def _sc_reduce_body(h_hbm, out_hbm, b0, b1, b2, b3, accv, s0, s1, s2, s3):
    bufs = [b0, b1, b2, b3]
    sems = [s0, s1, s2, s3]
    c = lax.axis_index("c")
    s = lax.axis_index("s")
    w = s * NC + c
    b = w // JW
    col0 = (w % JW) * CPW

    def src(ci):
        return h_hbm.at[b, pl.ds(ci * RCHUNK, RCHUNK), pl.ds(col0, CPW)]

    for k in range(NBUF):
        pltpu.make_async_copy(src(k), bufs[k], sems[k]).start()

    def consume(k, ci, acc):
        pltpu.make_async_copy(src(ci), bufs[k], sems[k]).wait()

        def rows(r, a):
            return tuple(a[q] + bufs[k][r, pl.ds(q * 16, 16)] for q in range(NV))

        return lax.fori_loop(0, RCHUNK, rows, acc, unroll=2)

    def group(g, acc):
        for k in range(NBUF):
            ci = g * NBUF + k
            acc = consume(k, ci, acc)
            pltpu.make_async_copy(src(ci + NBUF), bufs[k], sems[k]).start()
        return acc

    acc = tuple(jnp.zeros((16,), jnp.float32) for _ in range(NV))
    acc = lax.fori_loop(0, NGROUPS - 1, group, acc)
    for k in range(NBUF):
        acc = consume(k, (NGROUPS - 1) * NBUF + k, acc)

    for q in range(NV):
        accv[pl.ds(q * 16, 16)] = acc[q]
    pltpu.sync_copy(accv, out_hbm.at[b, pl.ds(col0, CPW)])


_sc_reduce = pl.kernel(
    _sc_reduce_body,
    out_type=jax.ShapeDtypeStruct((B, D), jnp.float32),
    mesh=plsc.VectorSubcoreMesh(core_axis_name="c", subcore_axis_name="s"),
    scratch_types=(
        [pltpu.VMEM((RCHUNK, CPW), jnp.float32) for _ in range(NBUF)]
        + [pltpu.VMEM((CPW,), jnp.float32)]
        + [pltpu.SemaphoreType.DMA for _ in range(NBUF)]
    ),
)


def _tc_reduce_body(h_ref, o_ref):
    i = pl.program_id(0)

    @pl.when(i == 0)
    def _init():
        o_ref[...] = jnp.zeros_like(o_ref)

    o_ref[...] += jnp.sum(h_ref[...], axis=1)


def _tc_reduce(hidden_states):
    return pl.pallas_call(
        _tc_reduce_body,
        grid=(TGRID,),
        in_specs=[pl.BlockSpec((B, TCHUNK, D), lambda i: (0, SSC // TCHUNK + i, 0))],
        out_specs=pl.BlockSpec((B, D), lambda i: (0, 0)),
        out_shape=jax.ShapeDtypeStruct((B, D), jnp.float32),
    )(hidden_states)


def _finish_body(a_ref, b_ref, w_ref, o_ref):
    pooled = (a_ref[...] + b_ref[...]) * (1.0 / S)
    logits = lax.dot_general(
        pooled, w_ref[...],
        dimension_numbers=(((1,), (1,)), ((), ())),
        preferred_element_type=jnp.float32,
    )
    m = jnp.max(logits, axis=-1, keepdims=True)
    e = jnp.exp(logits - m)
    o_ref[...] = e / jnp.sum(e, axis=-1, keepdims=True)


def _finish(sc_sum, tc_sum, W):
    return pl.pallas_call(
        _finish_body,
        out_shape=jax.ShapeDtypeStruct((B, E), jnp.float32),
    )(sc_sum, tc_sum, W)


def kernel(hidden_states, W):
    sc_sum = _sc_reduce(hidden_states)
    tc_sum = _tc_reduce(hidden_states)
    return _finish(sc_sum, tc_sum, W)

# --- scband reference (transcript-rebuilt; emitter-appended) ---
"""Pipeline reference for scband-router-28432683500254 (READ-ONLY COPY).

The authoritative reference and input builder live on the scoring server;
editing this copy changes nothing except your own understanding.
"""

import jax, jax.numpy as jnp
import numpy as np

B, S, D = 4, 8192, 2048
E = 64

def setup_inputs(seed: int = 0) -> dict:
    key = jax.random.key(seed)
    k1, k2 = jax.random.split(key)
    hidden_states = jax.random.normal(k1, (B, S, D), dtype=jnp.float32)
    # nn.Linear(input_dim, num_experts, bias=False) -> weight shape [E, D]
    W = jax.random.normal(k2, (E, D), dtype=jnp.float32) * 0.02
    return {"hidden_states": hidden_states, "W": W}

def reference(hidden_states, W):
    pooled = jnp.mean(hidden_states, axis=1)          # [B, D]
    routing_logits = pooled @ W.T                     # [B, E]
    routing_probs = jax.nn.softmax(routing_logits, axis=-1)
    return routing_probs

if __name__ == "__main__":
    import jax
    _d = setup_inputs()
    print(jax.jit(kernel)(*tuple(_d.values())))

</pallas_src>

<mosaic_0001>
#map = affine_map<(d0, d1) -> (0, 0, 0)>
#map1 = affine_map<(d0, d1) -> (0, 0)>
module attributes {stable_mosaic.version = 14 : i64} {
  func.func @_sc_reduce_body(%arg0: i32, %arg1: i32, %arg2: memref<4x8192x2048xf32, #tpu.memory_space<hbm>>, %arg3: memref<4x2048xf32, #tpu.memory_space<hbm>>, %arg4: memref<64x256xf32, #tpu.memory_space<vmem>>, %arg5: memref<64x256xf32, #tpu.memory_space<vmem>>, %arg6: memref<64x256xf32, #tpu.memory_space<vmem>>, %arg7: memref<64x256xf32, #tpu.memory_space<vmem>>, %arg8: memref<256xf32, #tpu.memory_space<vmem>>, %arg9: memref<!tpu.dma_semaphore, #tpu.memory_space<semaphore_mem>>, %arg10: memref<!tpu.dma_semaphore, #tpu.memory_space<semaphore_mem>>, %arg11: memref<!tpu.dma_semaphore, #tpu.memory_space<semaphore_mem>>, %arg12: memref<!tpu.dma_semaphore, #tpu.memory_space<semaphore_mem>>) attributes {dimension_semantics = [#tpu.dimension_semantics<core_parallel>, #tpu.dimension_semantics<subcore_parallel>], iteration_bounds = array<i64: 2, 16>, scalar_prefetch = 0 : i64, scratch_operands = 9 : i64, tpu.core_type = #tpu.core_type<sc_vector_subcore>, window_params = [{transform_indices = #map}, {transform_indices = #map1}]} {
    %mul3A = arith.constant 2 : i32
    %mul3A_0 = arith.muli %arg1, %mul3A : i32
    %add3A = arith.addi %mul3A_0, %arg0 : i32
    %jit3A = arith.constant 8 : i32
    %div3A = arith.divsi %add3A, %jit3A : i32
    %sign3A = arith.constant 0 : i32
    %sign3A_1 = arith.cmpi sgt, %add3A, %sign3A : i32
    %sign3A_2 = arith.extui %sign3A_1 : i1 to i32
    %sign3A_3 = arith.constant 0 : i32
    %sign3A_4 = arith.cmpi slt, %add3A, %sign3A_3 : i32
    %sign3A_5 = arith.extui %sign3A_4 : i1 to i32
    %sign3A_6 = arith.subi %sign3A_2, %sign3A_5 : i32
    %sign3A_7 = arith.constant 0 : i32
    %sign3A_8 = arith.cmpi sgt, %jit3A, %sign3A_7 : i32
    %sign3A_9 = arith.extui %sign3A_8 : i1 to i32
    %sign3A_10 = arith.constant 0 : i32
    %sign3A_11 = arith.cmpi slt, %jit3A, %sign3A_10 : i32
    %sign3A_12 = arith.extui %sign3A_11 : i1 to i32
    %sign3A_13 = arith.subi %sign3A_9, %sign3A_12 : i32
    %ne3A = arith.cmpi ne, %sign3A_6, %sign3A_13 : i32
    %rem3A = arith.remsi %add3A, %jit3A : i32
    %ne3A_14 = arith.constant 0 : i32
    %ne3A_15 = arith.cmpi ne, %rem3A, %ne3A_14 : i32
    %and3A = arith.andi %ne3A, %ne3A_15 : i1
    %sub3A = arith.constant 1 : i32
    %sub3A_16 = arith.subi %div3A, %sub3A : i32
    %select_n3A = arith.select %and3A, %sub3A_16, %div3A : i32
    %jit3A_17 = arith.constant 8 : i32
    %eq3A = arith.constant 0 : i32
    %eq3A_18 = arith.cmpi eq, %jit3A_17, %eq3A : i32
    %jit3A_19 = arith.constant 1 : i32
    %select_n3A_20 = arith.select %eq3A_18, %jit3A_19, %jit3A_17 : i32
    %rem3A_21 = arith.remsi %add3A, %select_n3A_20 : i32
    %ne3A_22 = arith.constant 0 : i32
    %ne3A_23 = arith.cmpi ne, %rem3A_21, %ne3A_22 : i32
    %lt3A = arith.constant 0 : i32
    %lt3A_24 = arith.cmpi slt, %rem3A_21, %lt3A : i32
    %lt3A_25 = arith.constant 0 : i32
    %lt3A_26 = arith.cmpi slt, %select_n3A_20, %lt3A_25 : i32
    %ne3A_27 = arith.xori %lt3A_24, %lt3A_26 : i1
    %and3A_28 = arith.andi %ne3A_27, %ne3A_23 : i1
    %add3A_29 = arith.addi %rem3A_21, %select_n3A_20 : i32
    %select_n3A_30 = arith.select %and3A_28, %add3A_29, %rem3A_21 : i32
    %mul3A_31 = arith.constant 256 : i32
    %mul3A_32 = arith.muli %select_n3A_30, %mul3A_31 : i32
    %dma_start3A = arith.constant 0 : i32
    %dma_start3A_33 = tpu.memref_slice %arg2[%select_n3A, %dma_start3A, %mul3A_32] : memref<4x8192x2048xf32, #tpu.memory_space<hbm>> -> memref<1x64x256xf32, #tpu.memory_space<hbm>>
    %dma_start3A_34 = tpu.memref_squeeze %dma_start3A_33 : memref<1x64x256xf32, #tpu.memory_space<hbm>> -> memref<64x256xf32, #tpu.memory_space<hbm>>
    %dma_start3A_35 = arith.constant 0 : i32
    %dma_start3A_36 = tpu.memref_slice %arg2[%select_n3A, %dma_start3A_35, %mul3A_32] : memref<4x8192x2048xf32, #tpu.memory_space<hbm>> -> memref<1x64x256xf32, #tpu.memory_space<hbm>>
    %dma_start3A_37 = tpu.memref_squeeze %dma_start3A_36 : memref<1x64x256xf32, #tpu.memory_space<hbm>> -> memref<64x256xf32, #tpu.memory_space<hbm>>
    tpu.enqueue_dma source(%dma_start3A_37 : memref<64x256xf32, #tpu.memory_space<hbm>>) target(%arg4 : memref<64x256xf32, #tpu.memory_space<vmem>>) target_semaphore(%arg9 : memref<!tpu.dma_semaphore, #tpu.memory_space<semaphore_mem>>)
    %dma_start3A_38 = arith.constant 64 : i32
    %dma_start3A_39 = tpu.memref_slice %arg2[%select_n3A, %dma_start3A_38, %mul3A_32] : memref<4x8192x2048xf32, #tpu.memory_space<hbm>> -> memref<1x64x256xf32, #tpu.memory_space<hbm>>
    %dma_start3A_40 = tpu.memref_squeeze %dma_start3A_39 : memref<1x64x256xf32, #tpu.memory_space<hbm>> -> memref<64x256xf32, #tpu.memory_space<hbm>>
    %dma_start3A_41 = arith.constant 64 : i32
    %dma_start3A_42 = tpu.memref_slice %arg2[%select_n3A, %dma_start3A_41, %mul3A_32] : memref<4x8192x2048xf32, #tpu.memory_space<hbm>> -> memref<1x64x256xf32, #tpu.memory_space<hbm>>
    %dma_start3A_43 = tpu.memref_squeeze %dma_start3A_42 : memref<1x64x256xf32, #tpu.memory_space<hbm>> -> memref<64x256xf32, #tpu.memory_space<hbm>>
    tpu.enqueue_dma source(%dma_start3A_43 : memref<64x256xf32, #tpu.memory_space<hbm>>) target(%arg5 : memref<64x256xf32, #tpu.memory_space<vmem>>) target_semaphore(%arg10 : memref<!tpu.dma_semaphore, #tpu.memory_space<semaphore_mem>>)
    %dma_start3A_44 = arith.constant 128 : i32
    %dma_start3A_45 = tpu.memref_slice %arg2[%select_n3A, %dma_start3A_44, %mul3A_32] : memref<4x8192x2048xf32, #tpu.memory_space<hbm>> -> memref<1x64x256xf32, #tpu.memory_space<hbm>>
    %dma_start3A_46 = tpu.memref_squeeze %dma_start3A_45 : memref<1x64x256xf32, #tpu.memory_space<hbm>> -> memref<64x256xf32, #tpu.memory_space<hbm>>
    %dma_start3A_47 = arith.constant 128 : i32
    %dma_start3A_48 = tpu.memref_slice %arg2[%select_n3A, %dma_start3A_47, %mul3A_32] : memref<4x8192x2048xf32, #tpu.memory_space<hbm>> -> memref<1x64x256xf32, #tpu.memory_space<hbm>>
    %dma_start3A_49 = tpu.memref_squeeze %dma_start3A_48 : memref<1x64x256xf32, #tpu.memory_space<hbm>> -> memref<64x256xf32, #tpu.memory_space<hbm>>
    tpu.enqueue_dma source(%dma_start3A_49 : memref<64x256xf32, #tpu.memory_space<hbm>>) target(%arg6 : memref<64x256xf32, #tpu.memory_space<vmem>>) target_semaphore(%arg11 : memref<!tpu.dma_semaphore, #tpu.memory_space<semaphore_mem>>)
    %dma_start3A_50 = arith.constant 192 : i32
    %dma_start3A_51 = tpu.memref_slice %arg2[%select_n3A, %dma_start3A_50, %mul3A_32] : memref<4x8192x2048xf32, #tpu.memory_space<hbm>> -> memref<1x64x256xf32, #tpu.memory_space<hbm>>
    %dma_start3A_52 = tpu.memref_squeeze %dma_start3A_51 : memref<1x64x256xf32, #tpu.memory_space<hbm>> -> memref<64x256xf32, #tpu.memory_space<hbm>>
    %dma_start3A_53 = arith.constant 192 : i32
    %dma_start3A_54 = tpu.memref_slice %arg2[%select_n3A, %dma_start3A_53, %mul3A_32] : memref<4x8192x2048xf32, #tpu.memory_space<hbm>> -> memref<1x64x256xf32, #tpu.memory_space<hbm>>
    %dma_start3A_55 = tpu.memref_squeeze %dma_start3A_54 : memref<1x64x256xf32, #tpu.memory_space<hbm>> -> memref<64x256xf32, #tpu.memory_space<hbm>>
    tpu.enqueue_dma source(%dma_start3A_55 : memref<64x256xf32, #tpu.memory_space<hbm>>) target(%arg7 : memref<64x256xf32, #tpu.memory_space<vmem>>) target_semaphore(%arg12 : memref<!tpu.dma_semaphore, #tpu.memory_space<semaphore_mem>>)
    %broadcast_in_dim3A = arith.constant 0.000000e+00 : f32
    %broadcast_in_dim3A_56 = vector.broadcast %broadcast_in_dim3A : f32 to vector<16xf32>
    %broadcast_in_dim3A_57 = arith.constant 0.000000e+00 : f32
    %broadcast_in_dim3A_58 = vector.broadcast %broadcast_in_dim3A_57 : f32 to vector<16xf32>
    %broadcast_in_dim3A_59 = arith.constant 0.000000e+00 : f32
    %broadcast_in_dim3A_60 = vector.broadcast %broadcast_in_dim3A_59 : f32 to vector<16xf32>
    %broadcast_in_dim3A_61 = arith.constant 0.000000e+00 : f32
    %broadcast_in_dim3A_62 = vector.broadcast %broadcast_in_dim3A_61 : f32 to vector<16xf32>
    %broadcast_in_dim3A_63 = arith.constant 0.000000e+00 : f32
    %broadcast_in_dim3A_64 = vector.broadcast %broadcast_in_dim3A_63 : f32 to vector<16xf32>
    %broadcast_in_dim3A_65 = arith.constant 0.000000e+00 : f32
    %broadcast_in_dim3A_66 = vector.broadcast %broadcast_in_dim3A_65 : f32 to vector<16xf32>
    %broadcast_in_dim3A_67 = arith.constant 0.000000e+00 : f32
    %broadcast_in_dim3A_68 = vector.broadcast %broadcast_in_dim3A_67 : f32 to vector<16xf32>
    %broadcast_in_dim3A_69 = arith.constant 0.000000e+00 : f32
    %broadcast_in_dim3A_70 = vector.broadcast %broadcast_in_dim3A_69 : f32 to vector<16xf32>
    %broadcast_in_dim3A_71 = arith.constant 0.000000e+00 : f32
    %broadcast_in_dim3A_72 = vector.broadcast %broadcast_in_dim3A_71 : f32 to vector<16xf32>
    %broadcast_in_dim3A_73 = arith.constant 0.000000e+00 : f32
    %broadcast_in_dim3A_74 = vector.broadcast %broadcast_in_dim3A_73 : f32 to vector<16xf32>
    %broadcast_in_dim3A_75 = arith.constant 0.000000e+00 : f32
    %broadcast_in_dim3A_76 = vector.broadcast %broadcast_in_dim3A_75 : f32 to vector<16xf32>
    %broadcast_in_dim3A_77 = arith.constant 0.000000e+00 : f32
    %broadcast_in_dim3A_78 = vector.broadcast %broadcast_in_dim3A_77 : f32 to vector<16xf32>
    %broadcast_in_dim3A_79 = arith.constant 0.000000e+00 : f32
    %broadcast_in_dim3A_80 = vector.broadcast %broadcast_in_dim3A_79 : f32 to vector<16xf32>
    %broadcast_in_dim3A_81 = arith.constant 0.000000e+00 : f32
    %broadcast_in_dim3A_82 = vector.broadcast %broadcast_in_dim3A_81 : f32 to vector<16xf32>
    %broadcast_in_dim3A_83 = arith.constant 0.000000e+00 : f32
    %broadcast_in_dim3A_84 = vector.broadcast %broadcast_in_dim3A_83 : f32 to vector<16xf32>
    %broadcast_in_dim3A_85 = arith.constant 0.000000e+00 : f32
    %broadcast_in_dim3A_86 = vector.broadcast %broadcast_in_dim3A_85 : f32 to vector<16xf32>
    %scan3A = arith.constant 0 : i32
    %scan3A_87 = arith.constant 15 : i32
    %scan3A_88 = arith.addi %scan3A, %scan3A_87 : i32
    %scan3A_89 = arith.constant 1 : i32
    %scan3A_90:16 = scf.for %scan3A_202 = %scan3A to %scan3A_88 step %scan3A_89 iter_args(%scan3A_203 = %broadcast_in_dim3A_56, %scan3A_204 = %broadcast_in_dim3A_58, %scan3A_205 = %broadcast_in_dim3A_60, %scan3A_206 = %broadcast_in_dim3A_62, %scan3A_207 = %broadcast_in_dim3A_64, %scan3A_208 = %broadcast_in_dim3A_66, %scan3A_209 = %broadcast_in_dim3A_68, %scan3A_210 = %broadcast_in_dim3A_70, %scan3A_211 = %broadcast_in_dim3A_72, %scan3A_212 = %broadcast_in_dim3A_74, %scan3A_213 = %broadcast_in_dim3A_76, %scan3A_214 = %broadcast_in_dim3A_78, %scan3A_215 = %broadcast_in_dim3A_80, %scan3A_216 = %broadcast_in_dim3A_82, %scan3A_217 = %broadcast_in_dim3A_84, %scan3A_218 = %broadcast_in_dim3A_86) -> (vector<16xf32>, vector<16xf32>, vector<16xf32>, vector<16xf32>, vector<16xf32>, vector<16xf32>, vector<16xf32>, vector<16xf32>, vector<16xf32>, vector<16xf32>, vector<16xf32>, vector<16xf32>, vector<16xf32>, vector<16xf32>, vector<16xf32>, vector<16xf32>)  : i32 {
      %mul3A_219 = arith.constant 4 : i32
      %mul3A_220 = arith.muli %scan3A_202, %mul3A_219 : i32
      %add3A_221 = arith.constant 0 : i32
      %add3A_222 = arith.addi %mul3A_220, %add3A_221 : i32
      %mul3A_223 = arith.constant 64 : i32
      %mul3A_224 = arith.muli %add3A_222, %mul3A_223 : i32
      %dma_wait3A_225 = tpu.memref_slice %arg2[%select_n3A, %mul3A_224, %mul3A_32] : memref<4x8192x2048xf32, #tpu.memory_space<hbm>> -> memref<1x64x256xf32, #tpu.memory_space<hbm>>
      %dma_wait3A_226 = tpu.memref_squeeze %dma_wait3A_225 : memref<1x64x256xf32, #tpu.memory_space<hbm>> -> memref<64x256xf32, #tpu.memory_space<hbm>>
      %dma_wait3A_227 = tpu.memref_slice %arg2[%select_n3A, %mul3A_224, %mul3A_32] : memref<4x8192x2048xf32, #tpu.memory_space<hbm>> -> memref<1x64x256xf32, #tpu.memory_space<hbm>>
      %dma_wait3A_228 = tpu.memref_squeeze %dma_wait3A_227 : memref<1x64x256xf32, #tpu.memory_space<hbm>> -> memref<64x256xf32, #tpu.memory_space<hbm>>
      tpu.wait_dma2 semaphore(%arg9 : memref<!tpu.dma_semaphore, #tpu.memory_space<semaphore_mem>>) src(%dma_wait3A_228 : memref<64x256xf32, #tpu.memory_space<hbm>>) dst(%arg4 : memref<64x256xf32, #tpu.memory_space<vmem>>)
      %scan3A_229 = arith.constant 0 : i32
      %scan3A_230 = arith.constant 64 : i32
      %scan3A_231 = arith.addi %scan3A_229, %scan3A_230 : i32
      %scan3A_232 = arith.constant 2 : i32
      %scan3A_233:16 = scf.for %scan3A_315 = %scan3A_229 to %scan3A_231 step %scan3A_232 iter_args(%scan3A_316 = %scan3A_203, %scan3A_317 = %scan3A_204, %scan3A_318 = %scan3A_205, %scan3A_319 = %scan3A_206, %scan3A_320 = %scan3A_207, %scan3A_321 = %scan3A_208, %scan3A_322 = %scan3A_209, %scan3A_323 = %scan3A_210, %scan3A_324 = %scan3A_211, %scan3A_325 = %scan3A_212, %scan3A_326 = %scan3A_213, %scan3A_327 = %scan3A_214, %scan3A_328 = %scan3A_215, %scan3A_329 = %scan3A_216, %scan3A_330 = %scan3A_217, %scan3A_331 = %scan3A_218) -> (vector<16xf32>, vector<16xf32>, vector<16xf32>, vector<16xf32>, vector<16xf32>, vector<16xf32>, vector<16xf32>, vector<16xf32>, vector<16xf32>, vector<16xf32>, vector<16xf32>, vector<16xf32>, vector<16xf32>, vector<16xf32>, vector<16xf32>, vector<16xf32>)  : i32 {
        %get3A = arith.index_cast %scan3A_315 : i32 to index
        %get3A_332 = arith.constant 0 : index
        %get3A_333 = tpu.vector_load %arg4[%get3A, %get3A_332] {strides = array<i32>} : memref<64x256xf32, #tpu.memory_space<vmem>>, vector<1x16xf32>,
        %get3A_334 = vector.shape_cast %get3A_333 : vector<1x16xf32> to vector<16xf32>
        %add3A_335 = arith.addf %scan3A_316, %get3A_334 : vector<16xf32>
        %get3A_336 = arith.index_cast %scan3A_315 : i32 to index
        %get3A_337 = arith.constant 16 : index
        %get3A_338 = tpu.vector_load %arg4[%get3A_336, %get3A_337] {strides = array<i32>} : memref<64x256xf32, #tpu.memory_space<vmem>>, vector<1x16xf32>,
        %get3A_339 = vector.shape_cast %get3A_338 : vector<1x16xf32> to vector<16xf32>
        %add3A_340 = arith.addf %scan3A_317, %get3A_339 : vector<16xf32>
        %get3A_341 = arith.index_cast %scan3A_315 : i32 to index
        %get3A_342 = arith.constant 32 : index
        %get3A_343 = tpu.vector_load %arg4[%get3A_341, %get3A_342] {strides = array<i32>} : memref<64x256xf32, #tpu.memory_space<vmem>>, vector<1x16xf32>,
        %get3A_344 = vector.shape_cast %get3A_343 : vector<1x16xf32> to vector<16xf32>
        %add3A_345 = arith.addf %scan3A_318, %get3A_344 : vector<16xf32>
        %get3A_346 = arith.index_cast %scan3A_315 : i32 to index
        %get3A_347 = arith.constant 48 : index
        %get3A_348 = tpu.vector_load %arg4[%get3A_346, %get3A_347] {strides = array<i32>} : memref<64x256xf32, #tpu.memory_space<vmem>>, vector<1x16xf32>,
        %get3A_349 = vector.shape_cast %get3A_348 : vector<1x16xf32> to vector<16xf32>
        %add3A_350 = arith.addf %scan3A_319, %get3A_349 : vector<16xf32>
        %get3A_351 = arith.index_cast %scan3A_315 : i32 to index
        %get3A_352 = arith.constant 64 : index
        %get3A_353 = tpu.vector_load %arg4[%get3A_351, %get3A_352] {strides = array<i32>} : memref<64x256xf32, #tpu.memory_space<vmem>>, vector<1x16xf32>,
        %get3A_354 = vector.shape_cast %get3A_353 : vector<1x16xf32> to vector<16xf32>
        %add3A_355 = arith.addf %scan3A_320, %get3A_354 : vector<16xf32>
        %get3A_356 = arith.index_cast %scan3A_315 : i32 to index
        %get3A_357 = arith.constant 80 : index
        %get3A_358 = tpu.vector_load %arg4[%get3A_356, %get3A_357] {strides = array<i32>} : memref<64x256xf32, #tpu.memory_space<vmem>>, vector<1x16xf32>,
        %get3A_359 = vector.shape_cast %get3A_358 : vector<1x16xf32> to vector<16xf32>
        %add3A_360 = arith.addf %scan3A_321, %get3A_359 : vector<16xf32>
        %get3A_361 = arith.index_cast %scan3A_315 : i32 to index
        %get3A_362 = arith.constant 96 : index
        %get3A_363 = tpu.vector_load %arg4[%get3A_361, %get3A_362] {strides = array<i32>} : memref<64x256xf32, #tpu.memory_space<vmem>>, vector<1x16xf32>,
        %get3A_364 = vector.shape_cast %get3A_363 : vector<1x16xf32> to vector<16xf32>
        %add3A_365 = arith.addf %scan3A_322, %get3A_364 : vector<16xf32>
        %get3A_366 = arith.index_cast %scan3A_315 : i32 to index
        %get3A_367 = arith.constant 112 : index
        %get3A_368 = tpu.vector_load %arg4[%get3A_366, %get3A_367] {strides = array<i32>} : memref<64x256xf32, #tpu.memory_space<vmem>>, vector<1x16xf32>,
        %get3A_369 = vector.shape_cast %get3A_368 : vector<1x16xf32> to vector<16xf32>
        %add3A_370 = arith.addf %scan3A_323, %get3A_369 : vector<16xf32>
        %get3A_371 = arith.index_cast %scan3A_315 : i32 to index
        %get3A_372 = arith.constant 128 : index
        %get3A_373 = tpu.vector_load %arg4[%get3A_371, %get3A_372] {strides = array<i32>} : memref<64x256xf32, #tpu.memory_space<vmem>>, vector<1x16xf32>,
        %get3A_374 = vector.shape_cast %get3A_373 : vector<1x16xf32> to vector<16xf32>
        %add3A_375 = arith.addf %scan3A_324, %get3A_374 : vector<16xf32>
        %get3A_376 = arith.index_cast %scan3A_315 : i32 to index
        %get3A_377 = arith.constant 144 : index
        %get3A_378 = tpu.vector_load %arg4[%get3A_376, %get3A_377] {strides = array<i32>} : memref<64x256xf32, #tpu.memory_space<vmem>>, vector<1x16xf32>,
        %get3A_379 = vector.shape_cast %get3A_378 : vector<1x16xf32> to vector<16xf32>
        %add3A_380 = arith.addf %scan3A_325, %get3A_379 : vector<16xf32>
        %get3A_381 = arith.index_cast %scan3A_315 : i32 to index
        %get3A_382 = arith.constant 160 : index
        %get3A_383 = tpu.vector_load %arg4[%get3A_381, %get3A_382] {strides = array<i32>} : memref<64x256xf32, #tpu.memory_space<vmem>>, vector<1x16xf32>,
        %get3A_384 = vector.shape_cast %get3A_383 : vector<1x16xf32> to vector<16xf32>
        %add3A_385 = arith.addf %scan3A_326, %get3A_384 : vector<16xf32>
        %get3A_386 = arith.index_cast %scan3A_315 : i32 to index
        %get3A_387 = arith.constant 176 : index
        %get3A_388 = tpu.vector_load %arg4[%get3A_386, %get3A_387] {strides = array<i32>} : memref<64x256xf32, #tpu.memory_space<vmem>>, vector<1x16xf32>,
        %get3A_389 = vector.shape_cast %get3A_388 : vector<1x16xf32> to vector<16xf32>
        %add3A_390 = arith.addf %scan3A_327, %get3A_389 : vector<16xf32>
        %get3A_391 = arith.index_cast %scan3A_315 : i32 to index
        %get3A_392 = arith.constant 192 : index
        %get3A_393 = tpu.vector_load %arg4[%get3A_391, %get3A_392] {strides = array<i32>} : memref<64x256xf32, #tpu.memory_space<vmem>>, vector<1x16xf32>,
        %get3A_394 = vector.shape_cast %get3A_393 : vector<1x16xf32> to vector<16xf32>
        %add3A_395 = arith.addf %scan3A_328, %get3A_394 : vector<16xf32>
        %get3A_396 = arith.index_cast %scan3A_315 : i32 to index
        %get3A_397 = arith.constant 208 : index
        %get3A_398 = tpu.vector_load %arg4[%get3A_396, %get3A_397] {strides = array<i32>} : memref<64x256xf32, #tpu.memory_space<vmem>>, vector<1x16xf32>,
        %get3A_399 = vector.shape_cast %get3A_398 : vector<1x16xf32> to vector<16xf32>
        %add3A_400 = arith.addf %scan3A_329, %get3A_399 : vector<16xf32>
        %get3A_401 = arith.index_cast %scan3A_315 : i32 to index
        %get3A_402 = arith.constant 224 : index
        %get3A_403 = tpu.vector_load %arg4[%get3A_401, %get3A_402] {strides = array<i32>} : memref<64x256xf32, #tpu.memory_space<vmem>>, vector<1x16xf32>,
        %get3A_404 = vector.shape_cast %get3A_403 : vector<1x16xf32> to vector<16xf32>
        %add3A_405 = arith.addf %scan3A_330, %get3A_404 : vector<16xf32>
        %get3A_406 = arith.index_cast %scan3A_315 : i32 to index
        %get3A_407 = arith.constant 240 : index
        %get3A_408 = tpu.vector_load %arg4[%get3A_406, %get3A_407] {strides = array<i32>} : memref<64x256xf32, #tpu.memory_space<vmem>>, vector<1x16xf32>,
        %get3A_409 = vector.shape_cast %get3A_408 : vector<1x16xf32> to vector<16xf32>
        %add3A_410 = arith.addf %scan3A_331, %get3A_409 : vector<16xf32>
        %scan3A_411 = arith.constant 1 : i32
        %scan3A_412 = arith.addi %scan3A_315, %scan3A_411 : i32
        %get3A_413 = arith.index_cast %scan3A_412 : i32 to index
        %get3A_414 = arith.constant 0 : index
        %get3A_415 = tpu.vector_load %arg4[%get3A_413, %get3A_414] {strides = array<i32>} : memref<64x256xf32, #tpu.memory_space<vmem>>, vector<1x16xf32>,
        %get3A_416 = vector.shape_cast %get3A_415 : vector<1x16xf32> to vector<16xf32>
        %add3A_417 = arith.addf %add3A_335, %get3A_416 : vector<16xf32>
        %get3A_418 = arith.index_cast %scan3A_412 : i32 to index
        %get3A_419 = arith.constant 16 : index
        %get3A_420 = tpu.vector_load %arg4[%get3A_418, %get3A_419] {strides = array<i32>} : memref<64x256xf32, #tpu.memory_space<vmem>>, vector<1x16xf32>,
        %get3A_421 = vector.shape_cast %get3A_420 : vector<1x16xf32> to vector<16xf32>
        %add3A_422 = arith.addf %add3A_340, %get3A_421 : vector<16xf32>
        %get3A_423 = arith.index_cast %scan3A_412 : i32 to index
        %get3A_424 = arith.constant 32 : index
        %get3A_425 = tpu.vector_load %arg4[%get3A_423, %get3A_424] {strides = array<i32>} : memref<64x256xf32, #tpu.memory_space<vmem>>, vector<1x16xf32>,
        %get3A_426 = vector.shape_cast %get3A_425 : vector<1x16xf32> to vector<16xf32>
        %add3A_427 = arith.addf %add3A_345, %get3A_426 : vector<16xf32>
        %get3A_428 = arith.index_cast %scan3A_412 : i32 to index
        %get3A_429 = arith.constant 48 : index
        %get3A_430 = tpu.vector_load %arg4[%get3A_428, %get3A_429] {strides = array<i32>} : memref<64x256xf32, #tpu.memory_space<vmem>>, vector<1x16xf32>,
        %get3A_431 = vector.shape_cast %get3A_430 : vector<1x16xf32> to vector<16xf32>
        %add3A_432 = arith.addf %add3A_350, %get3A_431 : vector<16xf32>
        %get3A_433 = arith.index_cast %scan3A_412 : i32 to index
        %get3A_434 = arith.constant 64 : index
        %get3A_435 = tpu.vector_load %arg4[%get3A_433, %get3A_434] {strides = array<i32>} : memref<64x256xf32, #tpu.memory_space<vmem>>, vector<1x16xf32>,
        %get3A_436 = vector.shape_cast %get3A_435 : vector<1x16xf32> to vector<16xf32>
        %add3A_437 = arith.addf %add3A_355, %get3A_436 : vector<16xf32>
        %get3A_438 = arith.index_cast %scan3A_412 : i32 to index
        %get3A_439 = arith.constant 80 : index
        %get3A_440 = tpu.vector_load %arg4[%get3A_438, %get3A_439] {strides = array<i32>} : memref<64x256xf32, #tpu.memory_space<vmem>>, vector<1x16xf32>,
        %get3A_441 = vector.shape_cast %get3A_440 : vector<1x16xf32> to vector<16xf32>
        %add3A_442 = arith.addf %add3A_360, %get3A_441 : vector<16xf32>
        %get3A_443 = arith.index_cast %scan3A_412 : i32 to index
        %get3A_444 = arith.constant 96 : index
        %get3A_445 = tpu.vector_load %arg4[%get3A_443, %get3A_444] {strides = array<i32>} : memref<64x256xf32, #tpu.memory_space<vmem>>, vector<1x16xf32>,
        %get3A_446 = vector.shape_cast %get3A_445 : vector<1x16xf32> to vector<16xf32>
        %add3A_447 = arith.addf %add3A_365, %get3A_446 : vector<16xf32>
        %get3A_448 = arith.index_cast %scan3A_412 : i32 to index
        %get3A_449 = arith.constant 112 : index
        %get3A_450 = tpu.vector_load %arg4[%get3A_448, %get3A_449] {strides = array<i32>} : memref<64x256xf32, #tpu.memory_space<vmem>>, vector<1x16xf32>,
        %get3A_451 = vector.shape_cast %get3A_450 : vector<1x16xf32> to vector<16xf32>
        %add3A_452 = arith.addf %add3A_370, %get3A_451 : vector<16xf32>
        %get3A_453 = arith.index_cast %scan3A_412 : i32 to index
        %get3A_454 = arith.constant 128 : index
        %get3A_455 = tpu.vector_load %arg4[%get3A_453, %get3A_454] {strides = array<i32>} : memref<64x256xf32, #tpu.memory_space<vmem>>, vector<1x16xf32>,
        %get3A_456 = vector.shape_cast %get3A_455 : vector<1x16xf32> to vector<16xf32>
        %add3A_457 = arith.addf %add3A_375, %get3A_456 : vector<16xf32>
        %get3A_458 = arith.index_cast %scan3A_412 : i32 to index
        %get3A_459 = arith.constant 144 : index
        %get3A_460 = tpu.vector_load %arg4[%get3A_458, %get3A_459] {strides = array<i32>} : memref<64x256xf32, #tpu.memory_space<vmem>>, vector<1x16xf32>,
        %get3A_461 = vector.shape_cast %get3A_460 : vector<1x16xf32> to vector<16xf32>
        %add3A_462 = arith.addf %add3A_380, %get3A_461 : vector<16xf32>
        %get3A_463 = arith.index_cast %scan3A_412 : i32 to index
        %get3A_464 = arith.constant 160 : index
        %get3A_465 = tpu.vector_load %arg4[%get3A_463, %get3A_464] {strides = array<i32>} : memref<64x256xf32, #tpu.memory_space<vmem>>, vector<1x16xf32>,
        %get3A_466 = vector.shape_cast %get3A_465 : vector<1x16xf32> to vector<16xf32>
        %add3A_467 = arith.addf %add3A_385, %get3A_466 : vector<16xf32>
        %get3A_468 = arith.index_cast %scan3A_412 : i32 to index
        %get3A_469 = arith.constant 176 : index
        %get3A_470 = tpu.vector_load %arg4[%get3A_468, %get3A_469] {strides = array<i32>} : memref<64x256xf32, #tpu.memory_space<vmem>>, vector<1x16xf32>,
        %get3A_471 = vector.shape_cast %get3A_470 : vector<1x16xf32> to vector<16xf32>
        %add3A_472 = arith.addf %add3A_390, %get3A_471 : vector<16xf32>
        %get3A_473 = arith.index_cast %scan3A_412 : i32 to index
        %get3A_474 = arith.constant 192 : index
        %get3A_475 = tpu.vector_load %arg4[%get3A_473, %get3A_474] {strides = array<i32>} : memref<64x256xf32, #tpu.memory_space<vmem>>, vector<1x16xf32>,
        %get3A_476 = vector.shape_cast %get3A_475 : vector<1x16xf32> to vector<16xf32>
        %add3A_477 = arith.addf %add3A_395, %get3A_476 : vector<16xf32>
        %get3A_478 = arith.index_cast %scan3A_412 : i32 to index
        %get3A_479 = arith.constant 208 : index
        %get3A_480 = tpu.vector_load %arg4[%get3A_478, %get3A_479] {strides = array<i32>} : memref<64x256xf32, #tpu.memory_space<vmem>>, vector<1x16xf32>,
        %get3A_481 = vector.shape_cast %get3A_480 : vector<1x16xf32> to vector<16xf32>
        %add3A_482 = arith.addf %add3A_400, %get3A_481 : vector<16xf32>
        %get3A_483 = arith.index_cast %scan3A_412 : i32 to index
        %get3A_484 = arith.constant 224 : index
        %get3A_485 = tpu.vector_load %arg4[%get3A_483, %get3A_484] {strides = array<i32>} : memref<64x256xf32, #tpu.memory_space<vmem>>, vector<1x16xf32>,
        %get3A_486 = vector.shape_cast %get3A_485 : vector<1x16xf32> to vector<16xf32>
        %add3A_487 = arith.addf %add3A_405, %get3A_486 : vector<16xf32>
        %get3A_488 = arith.index_cast %scan3A_412 : i32 to index
        %get3A_489 = arith.constant 240 : index
        %get3A_490 = tpu.vector_load %arg4[%get3A_488, %get3A_489] {strides = array<i32>} : memref<64x256xf32, #tpu.memory_space<vmem>>, vector<1x16xf32>,
        %get3A_491 = vector.shape_cast %get3A_490 : vector<1x16xf32> to vector<16xf32>
        %add3A_492 = arith.addf %add3A_410, %get3A_491 : vector<16xf32>
        scf.yield %add3A_417, %add3A_422, %add3A_427, %add3A_432, %add3A_437, %add3A_442, %add3A_447, %add3A_452, %add3A_457, %add3A_462, %add3A_467, %add3A_472, %add3A_477, %add3A_482, %add3A_487, %add3A_492 : vector<16xf32>, vector<16xf32>, vector<16xf32>, vector<16xf32>, vector<16xf32>, vector<16xf32>, vector<16xf32>, vector<16xf32>, vector<16xf32>, vector<16xf32>, vector<16xf32>, vector<16xf32>, vector<16xf32>, vector<16xf32>, vector<16xf32>, vector<16xf32>
      }
      %scan3A_234 = arith.constant 64 : i32
      %add3A_235 = arith.constant 4 : i32
      %add3A_236 = arith.addi %add3A_222, %add3A_235 : i32
      %mul3A_237 = arith.constant 64 : i32
      %mul3A_238 = arith.muli %add3A_236, %mul3A_237 : i32
      %dma_start3A_239 = tpu.memref_slice %arg2[%select_n3A, %mul3A_238, %mul3A_32] : memref<4x8192x2048xf32, #tpu.memory_space<hbm>> -> memref<1x64x256xf32, #tpu.memory_space<hbm>>
      %dma_start3A_240 = tpu.memref_squeeze %dma_start3A_239 : memref<1x64x256xf32, #tpu.memory_space<hbm>> -> memref<64x256xf32, #tpu.memory_space<hbm>>
      %dma_start3A_241 = tpu.memref_slice %arg2[%select_n3A, %mul3A_238, %mul3A_32] : memref<4x8192x2048xf32, #tpu.memory_space<hbm>> -> memref<1x64x256xf32, #tpu.memory_space<hbm>>
      %dma_start3A_242 = tpu.memref_squeeze %dma_start3A_241 : memref<1x64x256xf32, #tpu.memory_space<hbm>> -> memref<64x256xf32, #tpu.memory_space<hbm>>
      tpu.enqueue_dma source(%dma_start3A_242 : memref<64x256xf32, #tpu.memory_space<hbm>>) target(%arg4 : memref<64x256xf32, #tpu.memory_space<vmem>>) target_semaphore(%arg9 : memref<!tpu.dma_semaphore, #tpu.memory_space<semaphore_mem>>)
      %mul3A_243 = arith.constant 4 : i32
      %mul3A_244 = arith.muli %scan3A_202, %mul3A_243 : i32
      %add3A_245 = arith.constant 1 : i32
      %add3A_246 = arith.addi %mul3A_244, %add3A_245 : i32
      %mul3A_247 = arith.constant 64 : i32
      %mul3A_248 = arith.muli %add3A_246, %mul3A_247 : i32
      %dma_wait3A_249 = tpu.memref_slice %arg2[%select_n3A, %mul3A_248, %mul3A_32] : memref<4x8192x2048xf32, #tpu.memory_space<hbm>> -> memref<1x64x256xf32, #tpu.memory_space<hbm>>
      %dma_wait3A_250 = tpu.memref_squeeze %dma_wait3A_249 : memref<1x64x256xf32, #tpu.memory_space<hbm>> -> memref<64x256xf32, #tpu.memory_space<hbm>>
      %dma_wait3A_251 = tpu.memref_slice %arg2[%select_n3A, %mul3A_248, %mul3A_32] : memref<4x8192x2048xf32, #tpu.memory_space<hbm>> -> memref<1x64x256xf32, #tpu.memory_space<hbm>>
      %dma_wait3A_252 = tpu.memref_squeeze %dma_wait3A_251 : memref<1x64x256xf32, #tpu.memory_space<hbm>> -> memref<64x256xf32, #tpu.memory_space<hbm>>
      tpu.wait_dma2 semaphore(%arg10 : memref<!tpu.dma_semaphore, #tpu.memory_space<semaphore_mem>>) src(%dma_wait3A_252 : memref<64x256xf32, #tpu.memory_space<hbm>>) dst(%arg5 : memref<64x256xf32, #tpu.memory_space<vmem>>)
      %scan3A_253 = arith.constant 0 : i32
      %scan3A_254 = arith.constant 64 : i32
      %scan3A_255 = arith.addi %scan3A_253, %scan3A_254 : i32
      %scan3A_256 = arith.constant 2 : i32
      %scan3A_257:16 = scf.for %scan3A_315 = %scan3A_253 to %scan3A_255 step %scan3A_256 iter_args(%scan3A_316 = %scan3A_233#0, %scan3A_317 = %scan3A_233#1, %scan3A_318 = %scan3A_233#2, %scan3A_319 = %scan3A_233#3, %scan3A_320 = %scan3A_233#4, %scan3A_321 = %scan3A_233#5, %scan3A_322 = %scan3A_233#6, %scan3A_323 = %scan3A_233#7, %scan3A_324 = %scan3A_233#8, %scan3A_325 = %scan3A_233#9, %scan3A_326 = %scan3A_233#10, %scan3A_327 = %scan3A_233#11, %scan3A_328 = %scan3A_233#12, %scan3A_329 = %scan3A_233#13, %scan3A_330 = %scan3A_233#14, %scan3A_331 = %scan3A_233#15) -> (vector<16xf32>, vector<16xf32>, vector<16xf32>, vector<16xf32>, vector<16xf32>, vector<16xf32>, vector<16xf32>, vector<16xf32>, vector<16xf32>, vector<16xf32>, vector<16xf32>, vector<16xf32>, vector<16xf32>, vector<16xf32>, vector<16xf32>, vector<16xf32>)  : i32 {
        %get3A = arith.index_cast %scan3A_315 : i32 to index
        %get3A_332 = arith.constant 0 : index
        %get3A_333 = tpu.vector_load %arg5[%get3A, %get3A_332] {strides = array<i32>} : memref<64x256xf32, #tpu.memory_space<vmem>>, vector<1x16xf32>,
        %get3A_334 = vector.shape_cast %get3A_333 : vector<1x16xf32> to vector<16xf32>
        %add3A_335 = arith.addf %scan3A_316, %get3A_334 : vector<16xf32>
        %get3A_336 = arith.index_cast %scan3A_315 : i32 to index
        %get3A_337 = arith.constant 16 : index
        %get3A_338 = tpu.vector_load %arg5[%get3A_336, %get3A_337] {strides = array<i32>} : memref<64x256xf32, #tpu.memory_space<vmem>>, vector<1x16xf32>,
        %get3A_339 = vector.shape_cast %get3A_338 : vector<1x16xf32> to vector<16xf32>
        %add3A_340 = arith.addf %scan3A_317, %get3A_339 : vector<16xf32>
        %get3A_341 = arith.index_cast %scan3A_315 : i32 to index
        %get3A_342 = arith.constant 32 : index
        %get3A_343 = tpu.vector_load %arg5[%get3A_341, %get3A_342] {strides = array<i32>} : memref<64x256xf32, #tpu.memory_space<vmem>>, vector<1x16xf32>,
        %get3A_344 = vector.shape_cast %get3A_343 : vector<1x16xf32> to vector<16xf32>
        %add3A_345 = arith.addf %scan3A_318, %get3A_344 : vector<16xf32>
        %get3A_346 = arith.index_cast %scan3A_315 : i32 to index
        %get3A_347 = arith.constant 48 : index
        %get3A_348 = tpu.vector_load %arg5[%get3A_346, %get3A_347] {strides = array<i32>} : memref<64x256xf32, #tpu.memory_space<vmem>>, vector<1x16xf32>,
        %get3A_349 = vector.shape_cast %get3A_348 : vector<1x16xf32> to vector<16xf32>
        %add3A_350 = arith.addf %scan3A_319, %get3A_349 : vector<16xf32>
        %get3A_351 = arith.index_cast %scan3A_315 : i32 to index
        %get3A_352 = arith.constant 64 : index
        %get3A_353 = tpu.vector_load %arg5[%get3A_351, %get3A_352] {strides = array<i32>} : memref<64x256xf32, #tpu.memory_space<vmem>>, vector<1x16xf32>,
        %get3A_354 = vector.shape_cast %get3A_353 : vector<1x16xf32> to vector<16xf32>
        %add3A_355 = arith.addf %scan3A_320, %get3A_354 : vector<16xf32>
        %get3A_356 = arith.index_cast %scan3A_315 : i32 to index
        %get3A_357 = arith.constant 80 : index
        %get3A_358 = tpu.vector_load %arg5[%get3A_356, %get3A_357] {strides = array<i32>} : memref<64x256xf32, #tpu.memory_space<vmem>>, vector<1x16xf32>,
        %get3A_359 = vector.shape_cast %get3A_358 : vector<1x16xf32> to vector<16xf32>
        %add3A_360 = arith.addf %scan3A_321, %get3A_359 : vector<16xf32>
        %get3A_361 = arith.index_cast %scan3A_315 : i32 to index
        %get3A_362 = arith.constant 96 : index
        %get3A_363 = tpu.vector_load %arg5[%get3A_361, %get3A_362] {strides = array<i32>} : memref<64x256xf32, #tpu.memory_space<vmem>>, vector<1x16xf32>,
        %get3A_364 = vector.shape_cast %get3A_363 : vector<1x16xf32> to vector<16xf32>
        %add3A_365 = arith.addf %scan3A_322, %get3A_364 : vector<16xf32>
        %get3A_366 = arith.index_cast %scan3A_315 : i32 to index
        %get3A_367 = arith.constant 112 : index
        %get3A_368 = tpu.vector_load %arg5[%get3A_366, %get3A_367] {strides = array<i32>} : memref<64x256xf32, #tpu.memory_space<vmem>>, vector<1x16xf32>,
        %get3A_369 = vector.shape_cast %get3A_368 : vector<1x16xf32> to vector<16xf32>
        %add3A_370 = arith.addf %scan3A_323, %get3A_369 : vector<16xf32>
        %get3A_371 = arith.index_cast %scan3A_315 : i32 to index
        %get3A_372 = arith.constant 128 : index
        %get3A_373 = tpu.vector_load %arg5[%get3A_371, %get3A_372] {strides = array<i32>} : memref<64x256xf32, #tpu.memory_space<vmem>>, vector<1x16xf32>,
        %get3A_374 = vector.shape_cast %get3A_373 : vector<1x16xf32> to vector<16xf32>
        %add3A_375 = arith.addf %scan3A_324, %get3A_374 : vector<16xf32>
        %get3A_376 = arith.index_cast %scan3A_315 : i32 to index
        %get3A_377 = arith.constant 144 : index
        %get3A_378 = tpu.vector_load %arg5[%get3A_376, %get3A_377] {strides = array<i32>} : memref<64x256xf32, #tpu.memory_space<vmem>>, vector<1x16xf32>,
        %get3A_379 = vector.shape_cast %get3A_378 : vector<1x16xf32> to vector<16xf32>
        %add3A_380 = arith.addf %scan3A_325, %get3A_379 : vector<16xf32>
        %get3A_381 = arith.index_cast %scan3A_315 : i32 to index
        %get3A_382 = arith.constant 160 : index
        %get3A_383 = tpu.vector_load %arg5[%get3A_381, %get3A_382] {strides = array<i32>} : memref<64x256xf32, #tpu.memory_space<vmem>>, vector<1x16xf32>,
        %get3A_384 = vector.shape_cast %get3A_383 : vector<1x16xf32> to vector<16xf32>
        %add3A_385 = arith.addf %scan3A_326, %get3A_384 : vector<16xf32>
        %get3A_386 = arith.index_cast %scan3A_315 : i32 to index
        %get3A_387 = arith.constant 176 : index
        %get3A_388 = tpu.vector_load %arg5[%get3A_386, %get3A_387] {strides = array<i32>} : memref<64x256xf32, #tpu.memory_space<vmem>>, vector<1x16xf32>,
        %get3A_389 = vector.shape_cast %get3A_388 : vector<1x16xf32> to vector<16xf32>
        %add3A_390 = arith.addf %scan3A_327, %get3A_389 : vector<16xf32>
        %get3A_391 = arith.index_cast %scan3A_315 : i32 to index
        %get3A_392 = arith.constant 192 : index
        %get3A_393 = tpu.vector_load %arg5[%get3A_391, %get3A_392] {strides = array<i32>} : memref<64x256xf32, #tpu.memory_space<vmem>>, vector<1x16xf32>,
        %get3A_394 = vector.shape_cast %get3A_393 : vector<1x16xf32> to vector<16xf32>
        %add3A_395 = arith.addf %scan3A_328, %get3A_394 : vector<16xf32>
        %get3A_396 = arith.index_cast %scan3A_315 : i32 to index
        %get3A_397 = arith.constant 208 : index
        %get3A_398 = tpu.vector_load %arg5[%get3A_396, %get3A_397] {strides = array<i32>} : memref<64x256xf32, #tpu.memory_space<vmem>>, vector<1x16xf32>,
        %get3A_399 = vector.shape_cast %get3A_398 : vector<1x16xf32> to vector<16xf32>
        %add3A_400 = arith.addf %scan3A_329, %get3A_399 : vector<16xf32>
        %get3A_401 = arith.index_cast %scan3A_315 : i32 to index
        %get3A_402 = arith.constant 224 : index
        %get3A_403 = tpu.vector_load %arg5[%get3A_401, %get3A_402] {strides = array<i32>} : memref<64x256xf32, #tpu.memory_space<vmem>>, vector<1x16xf32>,
        %get3A_404 = vector.shape_cast %get3A_403 : vector<1x16xf32> to vector<16xf32>
        %add3A_405 = arith.addf %scan3A_330, %get3A_404 : vector<16xf32>
        %get3A_406 = arith.index_cast %scan3A_315 : i32 to index
        %get3A_407 = arith.constant 240 : index
        %get3A_408 = tpu.vector_load %arg5[%get3A_406, %get3A_407] {strides = array<i32>} : memref<64x256xf32, #tpu.memory_space<vmem>>, vector<1x16xf32>,
        %get3A_409 = vector.shape_cast %get3A_408 : vector<1x16xf32> to vector<16xf32>
        %add3A_410 = arith.addf %scan3A_331, %get3A_409 : vector<16xf32>
        %scan3A_411 = arith.constant 1 : i32
        %scan3A_412 = arith.addi %scan3A_315, %scan3A_411 : i32
        %get3A_413 = arith.index_cast %scan3A_412 : i32 to index
        %get3A_414 = arith.constant 0 : index
        %get3A_415 = tpu.vector_load %arg5[%get3A_413, %get3A_414] {strides = array<i32>} : memref<64x256xf32, #tpu.memory_space<vmem>>, vector<1x16xf32>,
        %get3A_416 = vector.shape_cast %get3A_415 : vector<1x16xf32> to vector<16xf32>
        %add3A_417 = arith.addf %add3A_335, %get3A_416 : vector<16xf32>
        %get3A_418 = arith.index_cast %scan3A_412 : i32 to index
        %get3A_419 = arith.constant 16 : index
        %get3A_420 = tpu.vector_load %arg5[%get3A_418, %get3A_419] {strides = array<i32>} : memref<64x256xf32, #tpu.memory_space<vmem>>, vector<1x16xf32>,
        %get3A_421 = vector.shape_cast %get3A_420 : vector<1x16xf32> to vector<16xf32>
        %add3A_422 = arith.addf %add3A_340, %get3A_421 : vector<16xf32>
        %get3A_423 = arith.index_cast %scan3A_412 : i32 to index
        %get3A_424 = arith.constant 32 : index
        %get3A_425 = tpu.vector_load %arg5[%get3A_423, %get3A_424] {strides = array<i32>} : memref<64x256xf32, #tpu.memory_space<vmem>>, vector<1x16xf32>,
        %get3A_426 = vector.shape_cast %get3A_425 : vector<1x16xf32> to vector<16xf32>
        %add3A_427 = arith.addf %add3A_345, %get3A_426 : vector<16xf32>
        %get3A_428 = arith.index_cast %scan3A_412 : i32 to index
        %get3A_429 = arith.constant 48 : index
        %get3A_430 = tpu.vector_load %arg5[%get3A_428, %get3A_429] {strides = array<i32>} : memref<64x256xf32, #tpu.memory_space<vmem>>, vector<1x16xf32>,
        %get3A_431 = vector.shape_cast %get3A_430 : vector<1x16xf32> to vector<16xf32>
        %add3A_432 = arith.addf %add3A_350, %get3A_431 : vector<16xf32>
        %get3A_433 = arith.index_cast %scan3A_412 : i32 to index
        %get3A_434 = arith.constant 64 : index
        %get3A_435 = tpu.vector_load %arg5[%get3A_433, %get3A_434] {strides = array<i32>} : memref<64x256xf32, #tpu.memory_space<vmem>>, vector<1x16xf32>,
        %get3A_436 = vector.shape_cast %get3A_435 : vector<1x16xf32> to vector<16xf32>
        %add3A_437 = arith.addf %add3A_355, %get3A_436 : vector<16xf32>
        %get3A_438 = arith.index_cast %scan3A_412 : i32 to index
        %get3A_439 = arith.constant 80 : index
        %get3A_440 = tpu.vector_load %arg5[%get3A_438, %get3A_439] {strides = array<i32>} : memref<64x256xf32, #tpu.memory_space<vmem>>, vector<1x16xf32>,
        %get3A_441 = vector.shape_cast %get3A_440 : vector<1x16xf32> to vector<16xf32>
        %add3A_442 = arith.addf %add3A_360, %get3A_441 : vector<16xf32>
        %get3A_443 = arith.index_cast %scan3A_412 : i32 to index
        %get3A_444 = arith.constant 96 : index
        %get3A_445 = tpu.vector_load %arg5[%get3A_443, %get3A_444] {strides = array<i32>} : memref<64x256xf32, #tpu.memory_space<vmem>>, vector<1x16xf32>,
        %get3A_446 = vector.shape_cast %get3A_445 : vector<1x16xf32> to vector<16xf32>
        %add3A_447 = arith.addf %add3A_365, %get3A_446 : vector<16xf32>
        %get3A_448 = arith.index_cast %scan3A_412 : i32 to index
        %get3A_449 = arith.constant 112 : index
        %get3A_450 = tpu.vector_load %arg5[%get3A_448, %get3A_449] {strides = array<i32>} : memref<64x256xf32, #tpu.memory_space<vmem>>, vector<1x16xf32>,
        %get3A_451 = vector.shape_cast %get3A_450 : vector<1x16xf32> to vector<16xf32>
        %add3A_452 = arith.addf %add3A_370, %get3A_451 : vector<16xf32>
        %get3A_453 = arith.index_cast %scan3A_412 : i32 to index
        %get3A_454 = arith.constant 128 : index
        %get3A_455 = tpu.vector_load %arg5[%get3A_453, %get3A_454] {strides = array<i32>} : memref<64x256xf32, #tpu.memory_space<vmem>>, vector<1x16xf32>,
        %get3A_456 = vector.shape_cast %get3A_455 : vector<1x16xf32> to vector<16xf32>
        %add3A_457 = arith.addf %add3A_375, %get3A_456 : vector<16xf32>
        %get3A_458 = arith.index_cast %scan3A_412 : i32 to index
        %get3A_459 = arith.constant 144 : index
        %get3A_460 = tpu.vector_load %arg5[%get3A_458, %get3A_459] {strides = array<i32>} : memref<64x256xf32, #tpu.memory_space<vmem>>, vector<1x16xf32>,
        %get3A_461 = vector.shape_cast %get3A_460 : vector<1x16xf32> to vector<16xf32>
        %add3A_462 = arith.addf %add3A_380, %get3A_461 : vector<16xf32>
        %get3A_463 = arith.index_cast %scan3A_412 : i32 to index
        %get3A_464 = arith.constant 160 : index
        %get3A_465 = tpu.vector_load %arg5[%get3A_463, %get3A_464] {strides = array<i32>} : memref<64x256xf32, #tpu.memory_space<vmem>>, vector<1x16xf32>,
        %get3A_466 = vector.shape_cast %get3A_465 : vector<1x16xf32> to vector<16xf32>
        %add3A_467 = arith.addf %add3A_385, %get3A_466 : vector<16xf32>
        %get3A_468 = arith.index_cast %scan3A_412 : i32 to index
        %get3A_469 = arith.constant 176 : index
        %get3A_470 = tpu.vector_load %arg5[%get3A_468, %get3A_469] {strides = array<i32>} : memref<64x256xf32, #tpu.memory_space<vmem>>, vector<1x16xf32>,
        %get3A_471 = vector.shape_cast %get3A_470 : vector<1x16xf32> to vector<16xf32>
        %add3A_472 = arith.addf %add3A_390, %get3A_471 : vector<16xf32>
        %get3A_473 = arith.index_cast %scan3A_412 : i32 to index
        %get3A_474 = arith.constant 192 : index
        %get3A_475 = tpu.vector_load %arg5[%get3A_473, %get3A_474] {strides = array<i32>} : memref<64x256xf32, #tpu.memory_space<vmem>>, vector<1x16xf32>,
        %get3A_476 = vector.shape_cast %get3A_475 : vector<1x16xf32> to vector<16xf32>
        %add3A_477 = arith.addf %add3A_395, %get3A_476 : vector<16xf32>
        %get3A_478 = arith.index_cast %scan3A_412 : i32 to index
        %get3A_479 = arith.constant 208 : index
        %get3A_480 = tpu.vector_load %arg5[%get3A_478, %get3A_479] {strides = array<i32>} : memref<64x256xf32, #tpu.memory_space<vmem>>, vector<1x16xf32>,
        %get3A_481 = vector.shape_cast %get3A_480 : vector<1x16xf32> to vector<16xf32>
        %add3A_482 = arith.addf %add3A_400, %get3A_481 : vector<16xf32>
        %get3A_483 = arith.index_cast %scan3A_412 : i32 to index
        %get3A_484 = arith.constant 224 : index
        %get3A_485 = tpu.vector_load %arg5[%get3A_483, %get3A_484] {strides = array<i32>} : memref<64x256xf32, #tpu.memory_space<vmem>>, vector<1x16xf32>,
        %get3A_486 = vector.shape_cast %get3A_485 : vector<1x16xf32> to vector<16xf32>
        %add3A_487 = arith.addf %add3A_405, %get3A_486 : vector<16xf32>
        %get3A_488 = arith.index_cast %scan3A_412 : i32 to index
        %get3A_489 = arith.constant 240 : index
        %get3A_490 = tpu.vector_load %arg5[%get3A_488, %get3A_489] {strides = array<i32>} : memref<64x256xf32, #tpu.memory_space<vmem>>, vector<1x16xf32>,
        %get3A_491 = vector.shape_cast %get3A_490 : vector<1x16xf32> to vector<16xf32>
        %add3A_492 = arith.addf %add3A_410, %get3A_491 : vector<16xf32>
        scf.yield %add3A_417, %add3A_422, %add3A_427, %add3A_432, %add3A_437, %add3A_442, %add3A_447, %add3A_452, %add3A_457, %add3A_462, %add3A_467, %add3A_472, %add3A_477, %add3A_482, %add3A_487, %add3A_492 : vector<16xf32>, vector<16xf32>, vector<16xf32>, vector<16xf32>, vector<16xf32>, vector<16xf32>, vector<16xf32>, vector<16xf32>, vector<16xf32>, vector<16xf32>, vector<16xf32>, vector<16xf32>, vector<16xf32>, vector<16xf32>, vector<16xf32>, vector<16xf32>
      }
      %scan3A_258 = arith.constant 64 : i32
      %add3A_259 = arith.constant 4 : i32
      %add3A_260 = arith.addi %add3A_246, %add3A_259 : i32
      %mul3A_261 = arith.constant 64 : i32
      %mul3A_262 = arith.muli %add3A_260, %mul3A_261 : i32
      %dma_start3A_263 = tpu.memref_slice %arg2[%select_n3A, %mul3A_262, %mul3A_32] : memref<4x8192x2048xf32, #tpu.memory_space<hbm>> -> memref<1x64x256xf32, #tpu.memory_space<hbm>>
      %dma_start3A_264 = tpu.memref_squeeze %dma_start3A_263 : memref<1x64x256xf32, #tpu.memory_space<hbm>> -> memref<64x256xf32, #tpu.memory_space<hbm>>
      %dma_start3A_265 = tpu.memref_slice %arg2[%select_n3A, %mul3A_262, %mul3A_32] : memref<4x8192x2048xf32, #tpu.memory_space<hbm>> -> memref<1x64x256xf32, #tpu.memory_space<hbm>>
      %dma_start3A_266 = tpu.memref_squeeze %dma_start3A_265 : memref<1x64x256xf32, #tpu.memory_space<hbm>> -> memref<64x256xf32, #tpu.memory_space<hbm>>
      tpu.enqueue_dma source(%dma_start3A_266 : memref<64x256xf32, #tpu.memory_space<hbm>>) target(%arg5 : memref<64x256xf32, #tpu.memory_space<vmem>>) target_semaphore(%arg10 : memref<!tpu.dma_semaphore, #tpu.memory_space<semaphore_mem>>)
      %mul3A_267 = arith.constant 4 : i32
      %mul3A_268 = arith.muli %scan3A_202, %mul3A_267 : i32
      %add3A_269 = arith.constant 2 : i32
      %add3A_270 = arith.addi %mul3A_268, %add3A_269 : i32
      %mul3A_271 = arith.constant 64 : i32
      %mul3A_272 = arith.muli %add3A_270, %mul3A_271 : i32
      %dma_wait3A_273 = tpu.memref_slice %arg2[%select_n3A, %mul3A_272, %mul3A_32] : memref<4x8192x2048xf32, #tpu.memory_space<hbm>> -> memref<1x64x256xf32, #tpu.memory_space<hbm>>
      %dma_wait3A_274 = tpu.memref_squeeze %dma_wait3A_273 : memref<1x64x256xf32, #tpu.memory_space<hbm>> -> memref<64x256xf32, #tpu.memory_space<hbm>>
      %dma_wait3A_275 = tpu.memref_slice %arg2[%select_n3A, %mul3A_272, %mul3A_32] : memref<4x8192x2048xf32, #tpu.memory_space<hbm>> -> memref<1x64x256xf32, #tpu.memory_space<hbm>>
      %dma_wait3A_276 = tpu.memref_squeeze %dma_wait3A_275 : memref<1x64x256xf32, #tpu.memory_space<hbm>> -> memref<64x256xf32, #tpu.memory_space<hbm>>
      tpu.wait_dma2 semaphore(%arg11 : memref<!tpu.dma_semaphore, #tpu.memory_space<semaphore_mem>>) src(%dma_wait3A_276 : memref<64x256xf32, #tpu.memory_space<hbm>>) dst(%arg6 : memref<64x256xf32, #tpu.memory_space<vmem>>)
      %scan3A_277 = arith.constant 0 : i32
      %scan3A_278 = arith.constant 64 : i32
      %scan3A_279 = arith.addi %scan3A_277, %scan3A_278 : i32
      %scan3A_280 = arith.constant 2 : i32
      %scan3A_281:16 = scf.for %scan3A_315 = %scan3A_277 to %scan3A_279 step %scan3A_280 iter_args(%scan3A_316 = %scan3A_257#0, %scan3A_317 = %scan3A_257#1, %scan3A_318 = %scan3A_257#2, %scan3A_319 = %scan3A_257#3, %scan3A_320 = %scan3A_257#4, %scan3A_321 = %scan3A_257#5, %scan3A_322 = %scan3A_257#6, %scan3A_323 = %scan3A_257#7, %scan3A_324 = %scan3A_257#8, %scan3A_325 = %scan3A_257#9, %scan3A_326 = %scan3A_257#10, %scan3A_327 = %scan3A_257#11, %scan3A_328 = %scan3A_257#12, %scan3A_329 = %scan3A_257#13, %scan3A_330 = %scan3A_257#14, %scan3A_331 = %scan3A_257#15) -> (vector<16xf32>, vector<16xf32>, vector<16xf32>, vector<16xf32>, vector<16xf32>, vector<16xf32>, vector<16xf32>, vector<16xf32>, vector<16xf32>, vector<16xf32>, vector<16xf32>, vector<16xf32>, vector<16xf32>, vector<16xf32>, vector<16xf32>, vector<16xf32>)  : i32 {
        %get3A = arith.index_cast %scan3A_315 : i32 to index
        %get3A_332 = arith.constant 0 : index
        %get3A_333 = tpu.vector_load %arg6[%get3A, %get3A_332] {strides = array<i32>} : memref<64x256xf32, #tpu.memory_space<vmem>>, vector<1x16xf32>,
        %get3A_334 = vector.shape_cast %get3A_333 : vector<1x16xf32> to vector<16xf32>
        %add3A_335 = arith.addf %scan3A_316, %get3A_334 : vector<16xf32>
        %get3A_336 = arith.index_cast %scan3A_315 : i32 to index
        %get3A_337 = arith.constant 16 : index
        %get3A_338 = tpu.vector_load %arg6[%get3A_336, %get3A_337] {strides = array<i32>} : memref<64x256xf32, #tpu.memory_space<vmem>>, vector<1x16xf32>,
        %get3A_339 = vector.shape_cast %get3A_338 : vector<1x16xf32> to vector<16xf32>
        %add3A_340 = arith.addf %scan3A_317, %get3A_339 : vector<16xf32>
        %get3A_341 = arith.index_cast %scan3A_315 : i32 to index
        %get3A_342 = arith.constant 32 : index
        %get3A_343 = tpu.vector_load %arg6[%get3A_341, %get3A_342] {strides = array<i32>} : memref<64x256xf32, #tpu.memory_space<vmem>>, vector<1x16xf32>,
        %get3A_344 = vector.shape_cast %get3A_343 : vector<1x16xf32> to vector<16xf32>
        %add3A_345 = arith.addf %scan3A_318, %get3A_344 : vector<16xf32>
        %get3A_346 = arith.index_cast %scan3A_315 : i32 to index
        %get3A_347 = arith.constant 48 : index
        %get3A_348 = tpu.vector_load %arg6[%get3A_346, %get3A_347] {strides = array<i32>} : memref<64x256xf32, #tpu.memory_space<vmem>>, vector<1x16xf32>,
        %get3A_349 = vector.shape_cast %get3A_348 : vector<1x16xf32> to vector<16xf32>
        %add3A_350 = arith.addf %scan3A_319, %get3A_349 : vector<16xf32>
        %get3A_351 = arith.index_cast %scan3A_315 : i32 to index
        %get3A_352 = arith.constant 64 : index
        %get3A_353 = tpu.vector_load %arg6[%get3A_351, %get3A_352] {strides = array<i32>} : memref<64x256xf32, #tpu.memory_space<vmem>>, vector<1x16xf32>,
        %get3A_354 = vector.shape_cast %get3A_353 : vector<1x16xf32> to vector<16xf32>
        %add3A_355 = arith.addf %scan3A_320, %get3A_354 : vector<16xf32>
        %get3A_356 = arith.index_cast %scan3A_315 : i32 to index
        %get3A_357 = arith.constant 80 : index
        %get3A_358 = tpu.vector_load %arg6[%get3A_356, %get3A_357] {strides = array<i32>} : memref<64x256xf32, #tpu.memory_space<vmem>>, vector<1x16xf32>,
        %get3A_359 = vector.shape_cast %get3A_358 : vector<1x16xf32> to vector<16xf32>
        %add3A_360 = arith.addf %scan3A_321, %get3A_359 : vector<16xf32>
        %get3A_361 = arith.index_cast %scan3A_315 : i32 to index
        %get3A_362 = arith.constant 96 : index
        %get3A_363 = tpu.vector_load %arg6[%get3A_361, %get3A_362] {strides = array<i32>} : memref<64x256xf32, #tpu.memory_space<vmem>>, vector<1x16xf32>,
        %get3A_364 = vector.shape_cast %get3A_363 : vector<1x16xf32> to vector<16xf32>
        %add3A_365 = arith.addf %scan3A_322, %get3A_364 : vector<16xf32>
        %get3A_366 = arith.index_cast %scan3A_315 : i32 to index
        %get3A_367 = arith.constant 112 : index
        %get3A_368 = tpu.vector_load %arg6[%get3A_366, %get3A_367] {strides = array<i32>} : memref<64x256xf32, #tpu.memory_space<vmem>>, vector<1x16xf32>,
        %get3A_369 = vector.shape_cast %get3A_368 : vector<1x16xf32> to vector<16xf32>
        %add3A_370 = arith.addf %scan3A_323, %get3A_369 : vector<16xf32>
        %get3A_371 = arith.index_cast %scan3A_315 : i32 to index
        %get3A_372 = arith.constant 128 : index
        %get3A_373 = tpu.vector_load %arg6[%get3A_371, %get3A_372] {strides = array<i32>} : memref<64x256xf32, #tpu.memory_space<vmem>>, vector<1x16xf32>,
        %get3A_374 = vector.shape_cast %get3A_373 : vector<1x16xf32> to vector<16xf32>
        %add3A_375 = arith.addf %scan3A_324, %get3A_374 : vector<16xf32>
        %get3A_376 = arith.index_cast %scan3A_315 : i32 to index
        %get3A_377 = arith.constant 144 : index
        %get3A_378 = tpu.vector_load %arg6[%get3A_376, %get3A_377] {strides = array<i32>} : memref<64x256xf32, #tpu.memory_space<vmem>>, vector<1x16xf32>,
        %get3A_379 = vector.shape_cast %get3A_378 : vector<1x16xf32> to vector<16xf32>
        %add3A_380 = arith.addf %scan3A_325, %get3A_379 : vector<16xf32>
        %get3A_381 = arith.index_cast %scan3A_315 : i32 to index
        %get3A_382 = arith.constant 160 : index
        %get3A_383 = tpu.vector_load %arg6[%get3A_381, %get3A_382] {strides = array<i32>} : memref<64x256xf32, #tpu.memory_space<vmem>>, vector<1x16xf32>,
        %get3A_384 = vector.shape_cast %get3A_383 : vector<1x16xf32> to vector<16xf32>
        %add3A_385 = arith.addf %scan3A_326, %get3A_384 : vector<16xf32>
        %get3A_386 = arith.index_cast %scan3A_315 : i32 to index
        %get3A_387 = arith.constant 176 : index
        %get3A_388 = tpu.vector_load %arg6[%get3A_386, %get3A_387] {strides = array<i32>} : memref<64x256xf32, #tpu.memory_space<vmem>>, vector<1x16xf32>,
        %get3A_389 = vector.shape_cast %get3A_388 : vector<1x16xf32> to vector<16xf32>
        %add3A_390 = arith.addf %scan3A_327, %get3A_389 : vector<16xf32>
        %get3A_391 = arith.index_cast %scan3A_315 : i32 to index
        %get3A_392 = arith.constant 192 : index
        %get3A_393 = tpu.vector_load %arg6[%get3A_391, %get3A_392] {strides = array<i32>} : memref<64x256xf32, #tpu.memory_space<vmem>>, vector<1x16xf32>,
        %get3A_394 = vector.shape_cast %get3A_393 : vector<1x16xf32> to vector<16xf32>
        %add3A_395 = arith.addf %scan3A_328, %get3A_394 : vector<16xf32>
        %get3A_396 = arith.index_cast %scan3A_315 : i32 to index
        %get3A_397 = arith.constant 208 : index
        %get3A_398 = tpu.vector_load %arg6[%get3A_396, %get3A_397] {strides = array<i32>} : memref<64x256xf32, #tpu.memory_space<vmem>>, vector<1x16xf32>,
        %get3A_399 = vector.shape_cast %get3A_398 : vector<1x16xf32> to vector<16xf32>
        %add3A_400 = arith.addf %scan3A_329, %get3A_399 : vector<16xf32>
        %get3A_401 = arith.index_cast %scan3A_315 : i32 to index
        %get3A_402 = arith.constant 224 : index
        %get3A_403 = tpu.vector_load %arg6[%get3A_401, %get3A_402] {strides = array<i32>} : memref<64x256xf32, #tpu.memory_space<vmem>>, vector<1x16xf32>,
        %get3A_404 = vector.shape_cast %get3A_403 : vector<1x16xf32> to vector<16xf32>
        %add3A_405 = arith.addf %scan3A_330, %get3A_404 : vector<16xf32>
        %get3A_406 = arith.index_cast %scan3A_315 : i32 to index
        %get3A_407 = arith.constant 240 : index
        %get3A_408 = tpu.vector_load %arg6[%get3A_406, %get3A_407] {strides = array<i32>} : memref<64x256xf32, #tpu.memory_space<vmem>>, vector<1x16xf32>,
        %get3A_409 = vector.shape_cast %get3A_408 : vector<1x16xf32> to vector<16xf32>
        %add3A_410 = arith.addf %scan3A_331, %get3A_409 : vector<16xf32>
        %scan3A_411 = arith.constant 1 : i32
        %scan3A_412 = arith.addi %scan3A_315, %scan3A_411 : i32
        %get3A_413 = arith.index_cast %scan3A_412 : i32 to index
        %get3A_414 = arith.constant 0 : index
        %get3A_415 = tpu.vector_load %arg6[%get3A_413, %get3A_414] {strides = array<i32>} : memref<64x256xf32, #tpu.memory_space<vmem>>, vector<1x16xf32>,
        %get3A_416 = vector.shape_cast %get3A_415 : vector<1x16xf32> to vector<16xf32>
        %add3A_417 = arith.addf %add3A_335, %get3A_416 : vector<16xf32>
        %get3A_418 = arith.index_cast %scan3A_412 : i32 to index
        %get3A_419 = arith.constant 16 : index
        %get3A_420 = tpu.vector_load %arg6[%get3A_418, %get3A_419] {strides = array<i32>} : memref<64x256xf32, #tpu.memory_space<vmem>>, vector<1x16xf32>,
        %get3A_421 = vector.shape_cast %get3A_420 : vector<1x16xf32> to vector<16xf32>
        %add3A_422 = arith.addf %add3A_340, %get3A_421 : vector<16xf32>
        %get3A_423 = arith.index_cast %scan3A_412 : i32 to index
        %get3A_424 = arith.constant 32 : index
        %get3A_425 = tpu.vector_load %arg6[%get3A_423, %get3A_424] {strides = array<i32>} : memref<64x256xf32, #tpu.memory_space<vmem>>, vector<1x16xf32>,
        %get3A_426 = vector.shape_cast %get3A_425 : vector<1x16xf32> to vector<16xf32>
        %add3A_427 = arith.addf %add3A_345, %get3A_426 : vector<16xf32>
        %get3A_428 = arith.index_cast %scan3A_412 : i32 to index
        %get3A_429 = arith.constant 48 : index
        %get3A_430 = tpu.vector_load %arg6[%get3A_428, %get3A_429] {strides = array<i32>} : memref<64x256xf32, #tpu.memory_space<vmem>>, vector<1x16xf32>,
        %get3A_431 = vector.shape_cast %get3A_430 : vector<1x16xf32> to vector<16xf32>
        %add3A_432 = arith.addf %add3A_350, %get3A_431 : vector<16xf32>
        %get3A_433 = arith.index_cast %scan3A_412 : i32 to index
        %get3A_434 = arith.constant 64 : index
        %get3A_435 = tpu.vector_load %arg6[%get3A_433, %get3A_434] {strides = array<i32>} : memref<64x256xf32, #tpu.memory_space<vmem>>, vector<1x16xf32>,
        %get3A_436 = vector.shape_cast %get3A_435 : vector<1x16xf32> to vector<16xf32>
        %add3A_437 = arith.addf %add3A_355, %get3A_436 : vector<16xf32>
        %get3A_438 = arith.index_cast %scan3A_412 : i32 to index
        %get3A_439 = arith.constant 80 : index
        %get3A_440 = tpu.vector_load %arg6[%get3A_438, %get3A_439] {strides = array<i32>} : memref<64x256xf32, #tpu.memory_space<vmem>>, vector<1x16xf32>,
        %get3A_441 = vector.shape_cast %get3A_440 : vector<1x16xf32> to vector<16xf32>
        %add3A_442 = arith.addf %add3A_360, %get3A_441 : vector<16xf32>
        %get3A_443 = arith.index_cast %scan3A_412 : i32 to index
        %get3A_444 = arith.constant 96 : index
        %get3A_445 = tpu.vector_load %arg6[%get3A_443, %get3A_444] {strides = array<i32>} : memref<64x256xf32, #tpu.memory_space<vmem>>, vector<1x16xf32>,
        %get3A_446 = vector.shape_cast %get3A_445 : vector<1x16xf32> to vector<16xf32>
        %add3A_447 = arith.addf %add3A_365, %get3A_446 : vector<16xf32>
        %get3A_448 = arith.index_cast %scan3A_412 : i32 to index
        %get3A_449 = arith.constant 112 : index
        %get3A_450 = tpu.vector_load %arg6[%get3A_448, %get3A_449] {strides = array<i32>} : memref<64x256xf32, #tpu.memory_space<vmem>>, vector<1x16xf32>,
        %get3A_451 = vector.shape_cast %get3A_450 : vector<1x16xf32> to vector<16xf32>
        %add3A_452 = arith.addf %add3A_370, %get3A_451 : vector<16xf32>
        %get3A_453 = arith.index_cast %scan3A_412 : i32 to index
        %get3A_454 = arith.constant 128 : index
        %get3A_455 = tpu.vector_load %arg6[%get3A_453, %get3A_454] {strides = array<i32>} : memref<64x256xf32, #tpu.memory_space<vmem>>, vector<1x16xf32>,
        %get3A_456 = vector.shape_cast %get3A_455 : vector<1x16xf32> to vector<16xf32>
        %add3A_457 = arith.addf %add3A_375, %get3A_456 : vector<16xf32>
        %get3A_458 = arith.index_cast %scan3A_412 : i32 to index
        %get3A_459 = arith.constant 144 : index
        %get3A_460 = tpu.vector_load %arg6[%get3A_458, %get3A_459] {strides = array<i32>} : memref<64x256xf32, #tpu.memory_space<vmem>>, vector<1x16xf32>,
        %get3A_461 = vector.shape_cast %get3A_460 : vector<1x16xf32> to vector<16xf32>
        %add3A_462 = arith.addf %add3A_380, %get3A_461 : vector<16xf32>
        %get3A_463 = arith.index_cast %scan3A_412 : i32 to index
        %get3A_464 = arith.constant 160 : index
        %get3A_465 = tpu.vector_load %arg6[%get3A_463, %get3A_464] {strides = array<i32>} : memref<64x256xf32, #tpu.memory_space<vmem>>, vector<1x16xf32>,
        %get3A_466 = vector.shape_cast %get3A_465 : vector<1x16xf32> to vector<16xf32>
        %add3A_467 = arith.addf %add3A_385, %get3A_466 : vector<16xf32>
        %get3A_468 = arith.index_cast %scan3A_412 : i32 to index
        %get3A_469 = arith.constant 176 : index
        %get3A_470 = tpu.vector_load %arg6[%get3A_468, %get3A_469] {strides = array<i32>} : memref<64x256xf32, #tpu.memory_space<vmem>>, vector<1x16xf32>,
        %get3A_471 = vector.shape_cast %get3A_470 : vector<1x16xf32> to vector<16xf32>
        %add3A_472 = arith.addf %add3A_390, %get3A_471 : vector<16xf32>
        %get3A_473 = arith.index_cast %scan3A_412 : i32 to index
        %get3A_474 = arith.constant 192 : index
        %get3A_475 = tpu.vector_load %arg6[%get3A_473, %get3A_474] {strides = array<i32>} : memref<64x256xf32, #tpu.memory_space<vmem>>, vector<1x16xf32>,
        %get3A_476 = vector.shape_cast %get3A_475 : vector<1x16xf32> to vector<16xf32>
        %add3A_477 = arith.addf %add3A_395, %get3A_476 : vector<16xf32>
        %get3A_478 = arith.index_cast %scan3A_412 : i32 to index
        %get3A_479 = arith.constant 208 : index
        %get3A_480 = tpu.vector_load %arg6[%get3A_478, %get3A_479] {strides = array<i32>} : memref<64x256xf32, #tpu.memory_space<vmem>>, vector<1x16xf32>,
        %get3A_481 = vector.shape_cast %get3A_480 : vector<1x16xf32> to vector<16xf32>
        %add3A_482 = arith.addf %add3A_400, %get3A_481 : vector<16xf32>
        %get3A_483 = arith.index_cast %scan3A_412 : i32 to index
        %get3A_484 = arith.constant 224 : index
        %get3A_485 = tpu.vector_load %arg6[%get3A_483, %get3A_484] {strides = array<i32>} : memref<64x256xf32, #tpu.memory_space<vmem>>, vector<1x16xf32>,
        %get3A_486 = vector.shape_cast %get3A_485 : vector<1x16xf32> to vector<16xf32>
        %add3A_487 = arith.addf %add3A_405, %get3A_486 : vector<16xf32>
        %get3A_488 = arith.index_cast %scan3A_412 : i32 to index
        %get3A_489 = arith.constant 240 : index
        %get3A_490 = tpu.vector_load %arg6[%get3A_488, %get3A_489] {strides = array<i32>} : memref<64x256xf32, #tpu.memory_space<vmem>>, vector<1x16xf32>,
        %get3A_491 = vector.shape_cast %get3A_490 : vector<1x16xf32> to vector<16xf32>
        %add3A_492 = arith.addf %add3A_410, %get3A_491 : vector<16xf32>
        scf.yield %add3A_417, %add3A_422, %add3A_427, %add3A_432, %add3A_437, %add3A_442, %add3A_447, %add3A_452, %add3A_457, %add3A_462, %add3A_467, %add3A_472, %add3A_477, %add3A_482, %add3A_487, %add3A_492 : vector<16xf32>, vector<16xf32>, vector<16xf32>, vector<16xf32>, vector<16xf32>, vector<16xf32>, vector<16xf32>, vector<16xf32>, vector<16xf32>, vector<16xf32>, vector<16xf32>, vector<16xf32>, vector<16xf32>, vector<16xf32>, vector<16xf32>, vector<16xf32>
      }
      %scan3A_282 = arith.constant 64 : i32
      %add3A_283 = arith.constant 4 : i32
      %add3A_284 = arith.addi %add3A_270, %add3A_283 : i32
      %mul3A_285 = arith.constant 64 : i32
      %mul3A_286 = arith.muli %add3A_284, %mul3A_285 : i32
      %dma_start3A_287 = tpu.memref_slice %arg2[%select_n3A, %mul3A_286, %mul3A_32] : memref<4x8192x2048xf32, #tpu.memory_space<hbm>> -> memref<1x64x256xf32, #tpu.memory_space<hbm>>
      %dma_start3A_288 = tpu.memref_squeeze %dma_start3A_287 : memref<1x64x256xf32, #tpu.memory_space<hbm>> -> memref<64x256xf32, #tpu.memory_space<hbm>>
      %dma_start3A_289 = tpu.memref_slice %arg2[%select_n3A, %mul3A_286, %mul3A_32] : memref<4x8192x2048xf32, #tpu.memory_space<hbm>> -> memref<1x64x256xf32, #tpu.memory_space<hbm>>
      %dma_start3A_290 = tpu.memref_squeeze %dma_start3A_289 : memref<1x64x256xf32, #tpu.memory_space<hbm>> -> memref<64x256xf32, #tpu.memory_space<hbm>>
      tpu.enqueue_dma source(%dma_start3A_290 : memref<64x256xf32, #tpu.memory_space<hbm>>) target(%arg6 : memref<64x256xf32, #tpu.memory_space<vmem>>) target_semaphore(%arg11 : memref<!tpu.dma_semaphore, #tpu.memory_space<semaphore_mem>>)
      %mul3A_291 = arith.constant 4 : i32
      %mul3A_292 = arith.muli %scan3A_202, %mul3A_291 : i32
      %add3A_293 = arith.constant 3 : i32
      %add3A_294 = arith.addi %mul3A_292, %add3A_293 : i32
      %mul3A_295 = arith.constant 64 : i32
      %mul3A_296 = arith.muli %add3A_294, %mul3A_295 : i32
      %dma_wait3A_297 = tpu.memref_slice %arg2[%select_n3A, %mul3A_296, %mul3A_32] : memref<4x8192x2048xf32, #tpu.memory_space<hbm>> -> memref<1x64x256xf32, #tpu.memory_space<hbm>>
      %dma_wait3A_298 = tpu.memref_squeeze %dma_wait3A_297 : memref<1x64x256xf32, #tpu.memory_space<hbm>> -> memref<64x256xf32, #tpu.memory_space<hbm>>
      %dma_wait3A_299 = tpu.memref_slice %arg2[%select_n3A, %mul3A_296, %mul3A_32] : memref<4x8192x2048xf32, #tpu.memory_space<hbm>> -> memref<1x64x256xf32, #tpu.memory_space<hbm>>
      %dma_wait3A_300 = tpu.memref_squeeze %dma_wait3A_299 : memref<1x64x256xf32, #tpu.memory_space<hbm>> -> memref<64x256xf32, #tpu.memory_space<hbm>>
      tpu.wait_dma2 semaphore(%arg12 : memref<!tpu.dma_semaphore, #tpu.memory_space<semaphore_mem>>) src(%dma_wait3A_300 : memref<64x256xf32, #tpu.memory_space<hbm>>) dst(%arg7 : memref<64x256xf32, #tpu.memory_space<vmem>>)
      %scan3A_301 = arith.constant 0 : i32
      %scan3A_302 = arith.constant 64 : i32
      %scan3A_303 = arith.addi %scan3A_301, %scan3A_302 : i32
      %scan3A_304 = arith.constant 2 : i32
      %scan3A_305:16 = scf.for %scan3A_315 = %scan3A_301 to %scan3A_303 step %scan3A_304 iter_args(%scan3A_316 = %scan3A_281#0, %scan3A_317 = %scan3A_281#1, %scan3A_318 = %scan3A_281#2, %scan3A_319 = %scan3A_281#3, %scan3A_320 = %scan3A_281#4, %scan3A_321 = %scan3A_281#5, %scan3A_322 = %scan3A_281#6, %scan3A_323 = %scan3A_281#7, %scan3A_324 = %scan3A_281#8, %scan3A_325 = %scan3A_281#9, %scan3A_326 = %scan3A_281#10, %scan3A_327 = %scan3A_281#11, %scan3A_328 = %scan3A_281#12, %scan3A_329 = %scan3A_281#13, %scan3A_330 = %scan3A_281#14, %scan3A_331 = %scan3A_281#15) -> (vector<16xf32>, vector<16xf32>, vector<16xf32>, vector<16xf32>, vector<16xf32>, vector<16xf32>, vector<16xf32>, vector<16xf32>, vector<16xf32>, vector<16xf32>, vector<16xf32>, vector<16xf32>, vector<16xf32>, vector<16xf32>, vector<16xf32>, vector<16xf32>)  : i32 {
        %get3A = arith.index_cast %scan3A_315 : i32 to index
        %get3A_332 = arith.constant 0 : index
        %get3A_333 = tpu.vector_load %arg7[%get3A, %get3A_332] {strides = array<i32>} : memref<64x256xf32, #tpu.memory_space<vmem>>, vector<1x16xf32>,
        %get3A_334 = vector.shape_cast %get3A_333 : vector<1x16xf32> to vector<16xf32>
        %add3A_335 = arith.addf %scan3A_316, %get3A_334 : vector<16xf32>
        %get3A_336 = arith.index_cast %scan3A_315 : i32 to index
        %get3A_337 = arith.constant 16 : index
        %get3A_338 = tpu.vector_load %arg7[%get3A_336, %get3A_337] {strides = array<i32>} : memref<64x256xf32, #tpu.memory_space<vmem>>, vector<1x16xf32>,
        %get3A_339 = vector.shape_cast %get3A_338 : vector<1x16xf32> to vector<16xf32>
        %add3A_340 = arith.addf %scan3A_317, %get3A_339 : vector<16xf32>
        %get3A_341 = arith.index_cast %scan3A_315 : i32 to index
        %get3A_342 = arith.constant 32 : index
        %get3A_343 = tpu.vector_load %arg7[%get3A_341, %get3A_342] {strides = array<i32>} : memref<64x256xf32, #tpu.memory_space<vmem>>, vector<1x16xf32>,
        %get3A_344 = vector.shape_cast %get3A_343 : vector<1x16xf32> to vector<16xf32>
        %add3A_345 = arith.addf %scan3A_318, %get3A_344 : vector<16xf32>
        %get3A_346 = arith.index_cast %scan3A_315 : i32 to index
        %get3A_347 = arith.constant 48 : index
        %get3A_348 = tpu.vector_load %arg7[%get3A_346, %get3A_347] {strides = array<i32>} : memref<64x256xf32, #tpu.memory_space<vmem>>, vector<1x16xf32>,
        %get3A_349 = vector.shape_cast %get3A_348 : vector<1x16xf32> to vector<16xf32>
        %add3A_350 = arith.addf %scan3A_319, %get3A_349 : vector<16xf32>
        %get3A_351 = arith.index_cast %scan3A_315 : i32 to index
        %get3A_352 = arith.constant 64 : index
        %get3A_353 = tpu.vector_load %arg7[%get3A_351, %get3A_352] {strides = array<i32>} : memref<64x256xf32, #tpu.memory_space<vmem>>, vector<1x16xf32>,
        %get3A_354 = vector.shape_cast %get3A_353 : vector<1x16xf32> to vector<16xf32>
        %add3A_355 = arith.addf %scan3A_320, %get3A_354 : vector<16xf32>
        %get3A_356 = arith.index_cast %scan3A_315 : i32 to index
        %get3A_357 = arith.constant 80 : index
        %get3A_358 = tpu.vector_load %arg7[%get3A_356, %get3A_357] {strides = array<i32>} : memref<64x256xf32, #tpu.memory_space<vmem>>, vector<1x16xf32>,
        %get3A_359 = vector.shape_cast %get3A_358 : vector<1x16xf32> to vector<16xf32>
        %add3A_360 = arith.addf %scan3A_321, %get3A_359 : vector<16xf32>
        %get3A_361 = arith.index_cast %scan3A_315 : i32 to index
        %get3A_362 = arith.constant 96 : index
        %get3A_363 = tpu.vector_load %arg7[%get3A_361, %get3A_362] {strides = array<i32>} : memref<64x256xf32, #tpu.memory_space<vmem>>, vector<1x16xf32>,
        %get3A_364 = vector.shape_cast %get3A_363 : vector<1x16xf32> to vector<16xf32>
        %add3A_365 = arith.addf %scan3A_322, %get3A_364 : vector<16xf32>
        %get3A_366 = arith.index_cast %scan3A_315 : i32 to index
        %get3A_367 = arith.constant 112 : index
        %get3A_368 = tpu.vector_load %arg7[%get3A_366, %get3A_367] {strides = array<i32>} : memref<64x256xf32, #tpu.memory_space<vmem>>, vector<1x16xf32>,
        %get3A_369 = vector.shape_cast %get3A_368 : vector<1x16xf32> to vector<16xf32>
        %add3A_370 = arith.addf %scan3A_323, %get3A_369 : vector<16xf32>
        %get3A_371 = arith.index_cast %scan3A_315 : i32 to index
        %get3A_372 = arith.constant 128 : index
        %get3A_373 = tpu.vector_load %arg7[%get3A_371, %get3A_372] {strides = array<i32>} : memref<64x256xf32, #tpu.memory_space<vmem>>, vector<1x16xf32>,
        %get3A_374 = vector.shape_cast %get3A_373 : vector<1x16xf32> to vector<16xf32>
        %add3A_375 = arith.addf %scan3A_324, %get3A_374 : vector<16xf32>
        %get3A_376 = arith.index_cast %scan3A_315 : i32 to index
        %get3A_377 = arith.constant 144 : index
        %get3A_378 = tpu.vector_load %arg7[%get3A_376, %get3A_377] {strides = array<i32>} : memref<64x256xf32, #tpu.memory_space<vmem>>, vector<1x16xf32>,
        %get3A_379 = vector.shape_cast %get3A_378 : vector<1x16xf32> to vector<16xf32>
        %add3A_380 = arith.addf %scan3A_325, %get3A_379 : vector<16xf32>
        %get3A_381 = arith.index_cast %scan3A_315 : i32 to index
        %get3A_382 = arith.constant 160 : index
        %get3A_383 = tpu.vector_load %arg7[%get3A_381, %get3A_382] {strides = array<i32>} : memref<64x256xf32, #tpu.memory_space<vmem>>, vector<1x16xf32>,
        %get3A_384 = vector.shape_cast %get3A_383 : vector<1x16xf32> to vector<16xf32>
        %add3A_385 = arith.addf %scan3A_326, %get3A_384 : vector<16xf32>
        %get3A_386 = arith.index_cast %scan3A_315 : i32 to index
        %get3A_387 = arith.constant 176 : index
        %get3A_388 = tpu.vector_load %arg7[%get3A_386, %get3A_387] {strides = array<i32>} : memref<64x256xf32, #tpu.memory_space<vmem>>, vector<1x16xf32>,
        %get3A_389 = vector.shape_cast %get3A_388 : vector<1x16xf32> to vector<16xf32>
        %add3A_390 = arith.addf %scan3A_327, %get3A_389 : vector<16xf32>
        %get3A_391 = arith.index_cast %scan3A_315 : i32 to index
        %get3A_392 = arith.constant 192 : index
        %get3A_393 = tpu.vector_load %arg7[%get3A_391, %get3A_392] {strides = array<i32>} : memref<64x256xf32, #tpu.memory_space<vmem>>, vector<1x16xf32>,
        %get3A_394 = vector.shape_cast %get3A_393 : vector<1x16xf32> to vector<16xf32>
        %add3A_395 = arith.addf %scan3A_328, %get3A_394 : vector<16xf32>
        %get3A_396 = arith.index_cast %scan3A_315 : i32 to index
        %get3A_397 = arith.constant 208 : index
        %get3A_398 = tpu.vector_load %arg7[%get3A_396, %get3A_397] {strides = array<i32>} : memref<64x256xf32, #tpu.memory_space<vmem>>, vector<1x16xf32>,
        %get3A_399 = vector.shape_cast %get3A_398 : vector<1x16xf32> to vector<16xf32>
        %add3A_400 = arith.addf %scan3A_329, %get3A_399 : vector<16xf32>
        %get3A_401 = arith.index_cast %scan3A_315 : i32 to index
        %get3A_402 = arith.constant 224 : index
        %get3A_403 = tpu.vector_load %arg7[%get3A_401, %get3A_402] {strides = array<i32>} : memref<64x256xf32, #tpu.memory_space<vmem>>, vector<1x16xf32>,
        %get3A_404 = vector.shape_cast %get3A_403 : vector<1x16xf32> to vector<16xf32>
        %add3A_405 = arith.addf %scan3A_330, %get3A_404 : vector<16xf32>
        %get3A_406 = arith.index_cast %scan3A_315 : i32 to index
        %get3A_407 = arith.constant 240 : index
        %get3A_408 = tpu.vector_load %arg7[%get3A_406, %get3A_407] {strides = array<i32>} : memref<64x256xf32, #tpu.memory_space<vmem>>, vector<1x16xf32>,
        %get3A_409 = vector.shape_cast %get3A_408 : vector<1x16xf32> to vector<16xf32>
        %add3A_410 = arith.addf %scan3A_331, %get3A_409 : vector<16xf32>
        %scan3A_411 = arith.constant 1 : i32
        %scan3A_412 = arith.addi %scan3A_315, %scan3A_411 : i32
        %get3A_413 = arith.index_cast %scan3A_412 : i32 to index
        %get3A_414 = arith.constant 0 : index
        %get3A_415 = tpu.vector_load %arg7[%get3A_413, %get3A_414] {strides = array<i32>} : memref<64x256xf32, #tpu.memory_space<vmem>>, vector<1x16xf32>,
        %get3A_416 = vector.shape_cast %get3A_415 : vector<1x16xf32> to vector<16xf32>
        %add3A_417 = arith.addf %add3A_335, %get3A_416 : vector<16xf32>
        %get3A_418 = arith.index_cast %scan3A_412 : i32 to index
        %get3A_419 = arith.constant 16 : index
        %get3A_420 = tpu.vector_load %arg7[%get3A_418, %get3A_419] {strides = array<i32>} : memref<64x256xf32, #tpu.memory_space<vmem>>, vector<1x16xf32>,
        %get3A_421 = vector.shape_cast %get3A_420 : vector<1x16xf32> to vector<16xf32>
        %add3A_422 = arith.addf %add3A_340, %get3A_421 : vector<16xf32>
        %get3A_423 = arith.index_cast %scan3A_412 : i32 to index
        %get3A_424 = arith.constant 32 : index
        %get3A_425 = tpu.vector_load %arg7[%get3A_423, %get3A_424] {strides = array<i32>} : memref<64x256xf32, #tpu.memory_space<vmem>>, vector<1x16xf32>,
        %get3A_426 = vector.shape_cast %get3A_425 : vector<1x16xf32> to vector<16xf32>
        %add3A_427 = arith.addf %add3A_345, %get3A_426 : vector<16xf32>
        %get3A_428 = arith.index_cast %scan3A_412 : i32 to index
        %get3A_429 = arith.constant 48 : index
        %get3A_430 = tpu.vector_load %arg7[%get3A_428, %get3A_429] {strides = array<i32>} : memref<64x256xf32, #tpu.memory_space<vmem>>, vector<1x16xf32>,
        %get3A_431 = vector.shape_cast %get3A_430 : vector<1x16xf32> to vector<16xf32>
        %add3A_432 = arith.addf %add3A_350, %get3A_431 : vector<16xf32>
        %get3A_433 = arith.index_cast %scan3A_412 : i32 to index
        %get3A_434 = arith.constant 64 : index
        %get3A_435 = tpu.vector_load %arg7[%get3A_433, %get3A_434] {strides = array<i32>} : memref<64x256xf32, #tpu.memory_space<vmem>>, vector<1x16xf32>,
        %get3A_436 = vector.shape_cast %get3A_435 : vector<1x16xf32> to vector<16xf32>
        %add3A_437 = arith.addf %add3A_355, %get3A_436 : vector<16xf32>
        %get3A_438 = arith.index_cast %scan3A_412 : i32 to index
        %get3A_439 = arith.constant 80 : index
        %get3A_440 = tpu.vector_load %arg7[%get3A_438, %get3A_439] {strides = array<i32>} : memref<64x256xf32, #tpu.memory_space<vmem>>, vector<1x16xf32>,
        %get3A_441 = vector.shape_cast %get3A_440 : vector<1x16xf32> to vector<16xf32>
        %add3A_442 = arith.addf %add3A_360, %get3A_441 : vector<16xf32>
        %get3A_443 = arith.index_cast %scan3A_412 : i32 to index
        %get3A_444 = arith.constant 96 : index
        %get3A_445 = tpu.vector_load %arg7[%get3A_443, %get3A_444] {strides = array<i32>} : memref<64x256xf32, #tpu.memory_space<vmem>>, vector<1x16xf32>,
        %get3A_446 = vector.shape_cast %get3A_445 : vector<1x16xf32> to vector<16xf32>
        %add3A_447 = arith.addf %add3A_365, %get3A_446 : vector<16xf32>
        %get3A_448 = arith.index_cast %scan3A_412 : i32 to index
        %get3A_449 = arith.constant 112 : index
        %get3A_450 = tpu.vector_load %arg7[%get3A_448, %get3A_449] {strides = array<i32>} : memref<64x256xf32, #tpu.memory_space<vmem>>, vector<1x16xf32>,
        %get3A_451 = vector.shape_cast %get3A_450 : vector<1x16xf32> to vector<16xf32>
        %add3A_452 = arith.addf %add3A_370, %get3A_451 : vector<16xf32>
        %get3A_453 = arith.index_cast %scan3A_412 : i32 to index
        %get3A_454 = arith.constant 128 : index
        %get3A_455 = tpu.vector_load %arg7[%get3A_453, %get3A_454] {strides = array<i32>} : memref<64x256xf32, #tpu.memory_space<vmem>>, vector<1x16xf32>,
        %get3A_456 = vector.shape_cast %get3A_455 : vector<1x16xf32> to vector<16xf32>
        %add3A_457 = arith.addf %add3A_375, %get3A_456 : vector<16xf32>
        %get3A_458 = arith.index_cast %scan3A_412 : i32 to index
        %get3A_459 = arith.constant 144 : index
        %get3A_460 = tpu.vector_load %arg7[%get3A_458, %get3A_459] {strides = array<i32>} : memref<64x256xf32, #tpu.memory_space<vmem>>, vector<1x16xf32>,
        %get3A_461 = vector.shape_cast %get3A_460 : vector<1x16xf32> to vector<16xf32>
        %add3A_462 = arith.addf %add3A_380, %get3A_461 : vector<16xf32>
        %get3A_463 = arith.index_cast %scan3A_412 : i32 to index
        %get3A_464 = arith.constant 160 : index
        %get3A_465 = tpu.vector_load %arg7[%get3A_463, %get3A_464] {strides = array<i32>} : memref<64x256xf32, #tpu.memory_space<vmem>>, vector<1x16xf32>,
        %get3A_466 = vector.shape_cast %get3A_465 : vector<1x16xf32> to vector<16xf32>
        %add3A_467 = arith.addf %add3A_385, %get3A_466 : vector<16xf32>
        %get3A_468 = arith.index_cast %scan3A_412 : i32 to index
        %get3A_469 = arith.constant 176 : index
        %get3A_470 = tpu.vector_load %arg7[%get3A_468, %get3A_469] {strides = array<i32>} : memref<64x256xf32, #tpu.memory_space<vmem>>, vector<1x16xf32>,
        %get3A_471 = vector.shape_cast %get3A_470 : vector<1x16xf32> to vector<16xf32>
        %add3A_472 = arith.addf %add3A_390, %get3A_471 : vector<16xf32>
        %get3A_473 = arith.index_cast %scan3A_412 : i32 to index
        %get3A_474 = arith.constant 192 : index
        %get3A_475 = tpu.vector_load %arg7[%get3A_473, %get3A_474] {strides = array<i32>} : memref<64x256xf32, #tpu.memory_space<vmem>>, vector<1x16xf32>,
        %get3A_476 = vector.shape_cast %get3A_475 : vector<1x16xf32> to vector<16xf32>
        %add3A_477 = arith.addf %add3A_395, %get3A_476 : vector<16xf32>
        %get3A_478 = arith.index_cast %scan3A_412 : i32 to index
        %get3A_479 = arith.constant 208 : index
        %get3A_480 = tpu.vector_load %arg7[%get3A_478, %get3A_479] {strides = array<i32>} : memref<64x256xf32, #tpu.memory_space<vmem>>, vector<1x16xf32>,
        %get3A_481 = vector.shape_cast %get3A_480 : vector<1x16xf32> to vector<16xf32>
        %add3A_482 = arith.addf %add3A_400, %get3A_481 : vector<16xf32>
        %get3A_483 = arith.index_cast %scan3A_412 : i32 to index
        %get3A_484 = arith.constant 224 : index
        %get3A_485 = tpu.vector_load %arg7[%get3A_483, %get3A_484] {strides = array<i32>} : memref<64x256xf32, #tpu.memory_space<vmem>>, vector<1x16xf32>,
        %get3A_486 = vector.shape_cast %get3A_485 : vector<1x16xf32> to vector<16xf32>
        %add3A_487 = arith.addf %add3A_405, %get3A_486 : vector<16xf32>
        %get3A_488 = arith.index_cast %scan3A_412 : i32 to index
        %get3A_489 = arith.constant 240 : index
        %get3A_490 = tpu.vector_load %arg7[%get3A_488, %get3A_489] {strides = array<i32>} : memref<64x256xf32, #tpu.memory_space<vmem>>, vector<1x16xf32>,
        %get3A_491 = vector.shape_cast %get3A_490 : vector<1x16xf32> to vector<16xf32>
        %add3A_492 = arith.addf %add3A_410, %get3A_491 : vector<16xf32>
        scf.yield %add3A_417, %add3A_422, %add3A_427, %add3A_432, %add3A_437, %add3A_442, %add3A_447, %add3A_452, %add3A_457, %add3A_462, %add3A_467, %add3A_472, %add3A_477, %add3A_482, %add3A_487, %add3A_492 : vector<16xf32>, vector<16xf32>, vector<16xf32>, vector<16xf32>, vector<16xf32>, vector<16xf32>, vector<16xf32>, vector<16xf32>, vector<16xf32>, vector<16xf32>, vector<16xf32>, vector<16xf32>, vector<16xf32>, vector<16xf32>, vector<16xf32>, vector<16xf32>
      }
      %scan3A_306 = arith.constant 64 : i32
      %add3A_307 = arith.constant 4 : i32
      %add3A_308 = arith.addi %add3A_294, %add3A_307 : i32
      %mul3A_309 = arith.constant 64 : i32
      %mul3A_310 = arith.muli %add3A_308, %mul3A_309 : i32
      %dma_start3A_311 = tpu.memref_slice %arg2[%select_n3A, %mul3A_310, %mul3A_32] : memref<4x8192x2048xf32, #tpu.memory_space<hbm>> -> memref<1x64x256xf32, #tpu.memory_space<hbm>>
      %dma_start3A_312 = tpu.memref_squeeze %dma_start3A_311 : memref<1x64x256xf32, #tpu.memory_space<hbm>> -> memref<64x256xf32, #tpu.memory_space<hbm>>
      %dma_start3A_313 = tpu.memref_slice %arg2[%select_n3A, %mul3A_310, %mul3A_32] : memref<4x8192x2048xf32, #tpu.memory_space<hbm>> -> memref<1x64x256xf32, #tpu.memory_space<hbm>>
      %dma_start3A_314 = tpu.memref_squeeze %dma_start3A_313 : memref<1x64x256xf32, #tpu.memory_space<hbm>> -> memref<64x256xf32, #tpu.memory_space<hbm>>
      tpu.enqueue_dma source(%dma_start3A_314 : memref<64x256xf32, #tpu.memory_space<hbm>>) target(%arg7 : memref<64x256xf32, #tpu.memory_space<vmem>>) target_semaphore(%arg12 : memref<!tpu.dma_semaphore, #tpu.memory_space<semaphore_mem>>)
      scf.yield %scan3A_305#0, %scan3A_305#1, %scan3A_305#2, %scan3A_305#3, %scan3A_305#4, %scan3A_305#5, %scan3A_305#6, %scan3A_305#7, %scan3A_305#8, %scan3A_305#9, %scan3A_305#10, %scan3A_305#11, %scan3A_305#12, %scan3A_305#13, %scan3A_305#14, %scan3A_305#15 : vector<16xf32>, vector<16xf32>, vector<16xf32>, vector<16xf32>, vector<16xf32>, vector<16xf32>, vector<16xf32>, vector<16xf32>, vector<16xf32>, vector<16xf32>, vector<16xf32>, vector<16xf32>, vector<16xf32>, vector<16xf32>, vector<16xf32>, vector<16xf32>
    }
    %scan3A_91 = arith.constant 15 : i32
    %dma_wait3A = arith.constant 3840 : i32
    %dma_wait3A_92 = tpu.memref_slice %arg2[%select_n3A, %dma_wait3A, %mul3A_32] : memref<4x8192x2048xf32, #tpu.memory_space<hbm>> -> memref<1x64x256xf32, #tpu.memory_space<hbm>>
    %dma_wait3A_93 = tpu.memref_squeeze %dma_wait3A_92 : memref<1x64x256xf32, #tpu.memory_space<hbm>> -> memref<64x256xf32, #tpu.memory_space<hbm>>
    %dma_wait3A_94 = arith.constant 3840 : i32
    %dma_wait3A_95 = tpu.memref_slice %arg2[%select_n3A, %dma_wait3A_94, %mul3A_32] : memref<4x8192x2048xf32, #tpu.memory_space<hbm>> -> memref<1x64x256xf32, #tpu.memory_space<hbm>>
    %dma_wait3A_96 = tpu.memref_squeeze %dma_wait3A_95 : memref<1x64x256xf32, #tpu.memory_space<hbm>> -> memref<64x256xf32, #tpu.memory_space<hbm>>
    tpu.wait_dma2 semaphore(%arg9 : memref<!tpu.dma_semaphore, #tpu.memory_space<semaphore_mem>>) src(%dma_wait3A_96 : memref<64x256xf32, #tpu.memory_space<hbm>>) dst(%arg4 : memref<64x256xf32, #tpu.memory_space<vmem>>)
    %scan3A_97 = arith.constant 0 : i32
    %scan3A_98 = arith.constant 64 : i32
    %scan3A_99 = arith.addi %scan3A_97, %scan3A_98 : i32
    %scan3A_100 = arith.constant 2 : i32
    %scan3A_101:16 = scf.for %scan3A_202 = %scan3A_97 to %scan3A_99 step %scan3A_100 iter_args(%scan3A_203 = %scan3A_90#0, %scan3A_204 = %scan3A_90#1, %scan3A_205 = %scan3A_90#2, %scan3A_206 = %scan3A_90#3, %scan3A_207 = %scan3A_90#4, %scan3A_208 = %scan3A_90#5, %scan3A_209 = %scan3A_90#6, %scan3A_210 = %scan3A_90#7, %scan3A_211 = %scan3A_90#8, %scan3A_212 = %scan3A_90#9, %scan3A_213 = %scan3A_90#10, %scan3A_214 = %scan3A_90#11, %scan3A_215 = %scan3A_90#12, %scan3A_216 = %scan3A_90#13, %scan3A_217 = %scan3A_90#14, %scan3A_218 = %scan3A_90#15) -> (vector<16xf32>, vector<16xf32>, vector<16xf32>, vector<16xf32>, vector<16xf32>, vector<16xf32>, vector<16xf32>, vector<16xf32>, vector<16xf32>, vector<16xf32>, vector<16xf32>, vector<16xf32>, vector<16xf32>, vector<16xf32>, vector<16xf32>, vector<16xf32>)  : i32 {
      %get3A = arith.index_cast %scan3A_202 : i32 to index
      %get3A_219 = arith.constant 0 : index
      %get3A_220 = tpu.vector_load %arg4[%get3A, %get3A_219] {strides = array<i32>} : memref<64x256xf32, #tpu.memory_space<vmem>>, vector<1x16xf32>,
      %get3A_221 = vector.shape_cast %get3A_220 : vector<1x16xf32> to vector<16xf32>
      %add3A_222 = arith.addf %scan3A_203, %get3A_221 : vector<16xf32>
      %get3A_223 = arith.index_cast %scan3A_202 : i32 to index
      %get3A_224 = arith.constant 16 : index
      %get3A_225 = tpu.vector_load %arg4[%get3A_223, %get3A_224] {strides = array<i32>} : memref<64x256xf32, #tpu.memory_space<vmem>>, vector<1x16xf32>,
      %get3A_226 = vector.shape_cast %get3A_225 : vector<1x16xf32> to vector<16xf32>
      %add3A_227 = arith.addf %scan3A_204, %get3A_226 : vector<16xf32>
      %get3A_228 = arith.index_cast %scan3A_202 : i32 to index
      %get3A_229 = arith.constant 32 : index
      %get3A_230 = tpu.vector_load %arg4[%get3A_228, %get3A_229] {strides = array<i32>} : memref<64x256xf32, #tpu.memory_space<vmem>>, vector<1x16xf32>,
      %get3A_231 = vector.shape_cast %get3A_230 : vector<1x16xf32> to vector<16xf32>
      %add3A_232 = arith.addf %scan3A_205, %get3A_231 : vector<16xf32>
      %get3A_233 = arith.index_cast %scan3A_202 : i32 to index
      %get3A_234 = arith.constant 48 : index
      %get3A_235 = tpu.vector_load %arg4[%get3A_233, %get3A_234] {strides = array<i32>} : memref<64x256xf32, #tpu.memory_space<vmem>>, vector<1x16xf32>,
      %get3A_236 = vector.shape_cast %get3A_235 : vector<1x16xf32> to vector<16xf32>
      %add3A_237 = arith.addf %scan3A_206, %get3A_236 : vector<16xf32>
      %get3A_238 = arith.index_cast %scan3A_202 : i32 to index
      %get3A_239 = arith.constant 64 : index
      %get3A_240 = tpu.vector_load %arg4[%get3A_238, %get3A_239] {strides = array<i32>} : memref<64x256xf32, #tpu.memory_space<vmem>>, vector<1x16xf32>,
      %get3A_241 = vector.shape_cast %get3A_240 : vector<1x16xf32> to vector<16xf32>
      %add3A_242 = arith.addf %scan3A_207, %get3A_241 : vector<16xf32>
      %get3A_243 = arith.index_cast %scan3A_202 : i32 to index
      %get3A_244 = arith.constant 80 : index
      %get3A_245 = tpu.vector_load %arg4[%get3A_243, %get3A_244] {strides = array<i32>} : memref<64x256xf32, #tpu.memory_space<vmem>>, vector<1x16xf32>,
      %get3A_246 = vector.shape_cast %get3A_245 : vector<1x16xf32> to vector<16xf32>
      %add3A_247 = arith.addf %scan3A_208, %get3A_246 : vector<16xf32>
      %get3A_248 = arith.index_cast %scan3A_202 : i32 to index
      %get3A_249 = arith.constant 96 : index
      %get3A_250 = tpu.vector_load %arg4[%get3A_248, %get3A_249] {strides = array<i32>} : memref<64x256xf32, #tpu.memory_space<vmem>>, vector<1x16xf32>,
      %get3A_251 = vector.shape_cast %get3A_250 : vector<1x16xf32> to vector<16xf32>
      %add3A_252 = arith.addf %scan3A_209, %get3A_251 : vector<16xf32>
      %get3A_253 = arith.index_cast %scan3A_202 : i32 to index
      %get3A_254 = arith.constant 112 : index
      %get3A_255 = tpu.vector_load %arg4[%get3A_253, %get3A_254] {strides = array<i32>} : memref<64x256xf32, #tpu.memory_space<vmem>>, vector<1x16xf32>,
      %get3A_256 = vector.shape_cast %get3A_255 : vector<1x16xf32> to vector<16xf32>
      %add3A_257 = arith.addf %scan3A_210, %get3A_256 : vector<16xf32>
      %get3A_258 = arith.index_cast %scan3A_202 : i32 to index
      %get3A_259 = arith.constant 128 : index
      %get3A_260 = tpu.vector_load %arg4[%get3A_258, %get3A_259] {strides = array<i32>} : memref<64x256xf32, #tpu.memory_space<vmem>>, vector<1x16xf32>,
      %get3A_261 = vector.shape_cast %get3A_260 : vector<1x16xf32> to vector<16xf32>
      %add3A_262 = arith.addf %scan3A_211, %get3A_261 : vector<16xf32>
      %get3A_263 = arith.index_cast %scan3A_202 : i32 to index
      %get3A_264 = arith.constant 144 : index
      %get3A_265 = tpu.vector_load %arg4[%get3A_263, %get3A_264] {strides = array<i32>} : memref<64x256xf32, #tpu.memory_space<vmem>>, vector<1x16xf32>,
      %get3A_266 = vector.shape_cast %get3A_265 : vector<1x16xf32> to vector<16xf32>
      %add3A_267 = arith.addf %scan3A_212, %get3A_266 : vector<16xf32>
      %get3A_268 = arith.index_cast %scan3A_202 : i32 to index
      %get3A_269 = arith.constant 160 : index
      %get3A_270 = tpu.vector_load %arg4[%get3A_268, %get3A_269] {strides = array<i32>} : memref<64x256xf32, #tpu.memory_space<vmem>>, vector<1x16xf32>,
      %get3A_271 = vector.shape_cast %get3A_270 : vector<1x16xf32> to vector<16xf32>
      %add3A_272 = arith.addf %scan3A_213, %get3A_271 : vector<16xf32>
      %get3A_273 = arith.index_cast %scan3A_202 : i32 to index
      %get3A_274 = arith.constant 176 : index
      %get3A_275 = tpu.vector_load %arg4[%get3A_273, %get3A_274] {strides = array<i32>} : memref<64x256xf32, #tpu.memory_space<vmem>>, vector<1x16xf32>,
      %get3A_276 = vector.shape_cast %get3A_275 : vector<1x16xf32> to vector<16xf32>
      %add3A_277 = arith.addf %scan3A_214, %get3A_276 : vector<16xf32>
      %get3A_278 = arith.index_cast %scan3A_202 : i32 to index
      %get3A_279 = arith.constant 192 : index
      %get3A_280 = tpu.vector_load %arg4[%get3A_278, %get3A_279] {strides = array<i32>} : memref<64x256xf32, #tpu.memory_space<vmem>>, vector<1x16xf32>,
      %get3A_281 = vector.shape_cast %get3A_280 : vector<1x16xf32> to vector<16xf32>
      %add3A_282 = arith.addf %scan3A_215, %get3A_281 : vector<16xf32>
      %get3A_283 = arith.index_cast %scan3A_202 : i32 to index
      %get3A_284 = arith.constant 208 : index
      %get3A_285 = tpu.vector_load %arg4[%get3A_283, %get3A_284] {strides = array<i32>} : memref<64x256xf32, #tpu.memory_space<vmem>>, vector<1x16xf32>,
      %get3A_286 = vector.shape_cast %get3A_285 : vector<1x16xf32> to vector<16xf32>
      %add3A_287 = arith.addf %scan3A_216, %get3A_286 : vector<16xf32>
      %get3A_288 = arith.index_cast %scan3A_202 : i32 to index
      %get3A_289 = arith.constant 224 : index
      %get3A_290 = tpu.vector_load %arg4[%get3A_288, %get3A_289] {strides = array<i32>} : memref<64x256xf32, #tpu.memory_space<vmem>>, vector<1x16xf32>,
      %get3A_291 = vector.shape_cast %get3A_290 : vector<1x16xf32> to vector<16xf32>
      %add3A_292 = arith.addf %scan3A_217, %get3A_291 : vector<16xf32>
      %get3A_293 = arith.index_cast %scan3A_202 : i32 to index
      %get3A_294 = arith.constant 240 : index
      %get3A_295 = tpu.vector_load %arg4[%get3A_293, %get3A_294] {strides = array<i32>} : memref<64x256xf32, #tpu.memory_space<vmem>>, vector<1x16xf32>,
      %get3A_296 = vector.shape_cast %get3A_295 : vector<1x16xf32> to vector<16xf32>
      %add3A_297 = arith.addf %scan3A_218, %get3A_296 : vector<16xf32>
      %scan3A_298 = arith.constant 1 : i32
      %scan3A_299 = arith.addi %scan3A_202, %scan3A_298 : i32
      %get3A_300 = arith.index_cast %scan3A_299 : i32 to index
      %get3A_301 = arith.constant 0 : index
      %get3A_302 = tpu.vector_load %arg4[%get3A_300, %get3A_301] {strides = array<i32>} : memref<64x256xf32, #tpu.memory_space<vmem>>, vector<1x16xf32>,
      %get3A_303 = vector.shape_cast %get3A_302 : vector<1x16xf32> to vector<16xf32>
      %add3A_304 = arith.addf %add3A_222, %get3A_303 : vector<16xf32>
      %get3A_305 = arith.index_cast %scan3A_299 : i32 to index
      %get3A_306 = arith.constant 16 : index
      %get3A_307 = tpu.vector_load %arg4[%get3A_305, %get3A_306] {strides = array<i32>} : memref<64x256xf32, #tpu.memory_space<vmem>>, vector<1x16xf32>,
      %get3A_308 = vector.shape_cast %get3A_307 : vector<1x16xf32> to vector<16xf32>
      %add3A_309 = arith.addf %add3A_227, %get3A_308 : vector<16xf32>
      %get3A_310 = arith.index_cast %scan3A_299 : i32 to index
      %get3A_311 = arith.constant 32 : index
      %get3A_312 = tpu.vector_load %arg4[%get3A_310, %get3A_311] {strides = array<i32>} : memref<64x256xf32, #tpu.memory_space<vmem>>, vector<1x16xf32>,
      %get3A_313 = vector.shape_cast %get3A_312 : vector<1x16xf32> to vector<16xf32>
      %add3A_314 = arith.addf %add3A_232, %get3A_313 : vector<16xf32>
      %get3A_315 = arith.index_cast %scan3A_299 : i32 to index
      %get3A_316 = arith.constant 48 : index
      %get3A_317 = tpu.vector_load %arg4[%get3A_315, %get3A_316] {strides = array<i32>} : memref<64x256xf32, #tpu.memory_space<vmem>>, vector<1x16xf32>,
      %get3A_318 = vector.shape_cast %get3A_317 : vector<1x16xf32> to vector<16xf32>
      %add3A_319 = arith.addf %add3A_237, %get3A_318 : vector<16xf32>
      %get3A_320 = arith.index_cast %scan3A_299 : i32 to index
      %get3A_321 = arith.constant 64 : index
      %get3A_322 = tpu.vector_load %arg4[%get3A_320, %get3A_321] {strides = array<i32>} : memref<64x256xf32, #tpu.memory_space<vmem>>, vector<1x16xf32>,
      %get3A_323 = vector.shape_cast %get3A_322 : vector<1x16xf32> to vector<16xf32>
      %add3A_324 = arith.addf %add3A_242, %get3A_323 : vector<16xf32>
      %get3A_325 = arith.index_cast %scan3A_299 : i32 to index
      %get3A_326 = arith.constant 80 : index
      %get3A_327 = tpu.vector_load %arg4[%get3A_325, %get3A_326] {strides = array<i32>} : memref<64x256xf32, #tpu.memory_space<vmem>>, vector<1x16xf32>,
      %get3A_328 = vector.shape_cast %get3A_327 : vector<1x16xf32> to vector<16xf32>
      %add3A_329 = arith.addf %add3A_247, %get3A_328 : vector<16xf32>
      %get3A_330 = arith.index_cast %scan3A_299 : i32 to index
      %get3A_331 = arith.constant 96 : index
      %get3A_332 = tpu.vector_load %arg4[%get3A_330, %get3A_331] {strides = array<i32>} : memref<64x256xf32, #tpu.memory_space<vmem>>, vector<1x16xf32>,
      %get3A_333 = vector.shape_cast %get3A_332 : vector<1x16xf32> to vector<16xf32>
      %add3A_334 = arith.addf %add3A_252, %get3A_333 : vector<16xf32>
      %get3A_335 = arith.index_cast %scan3A_299 : i32 to index
      %get3A_336 = arith.constant 112 : index
      %get3A_337 = tpu.vector_load %arg4[%get3A_335, %get3A_336] {strides = array<i32>} : memref<64x256xf32, #tpu.memory_space<vmem>>, vector<1x16xf32>,
      %get3A_338 = vector.shape_cast %get3A_337 : vector<1x16xf32> to vector<16xf32>
      %add3A_339 = arith.addf %add3A_257, %get3A_338 : vector<16xf32>
      %get3A_340 = arith.index_cast %scan3A_299 : i32 to index
      %get3A_341 = arith.constant 128 : index
      %get3A_342 = tpu.vector_load %arg4[%get3A_340, %get3A_341] {strides = array<i32>} : memref<64x256xf32, #tpu.memory_space<vmem>>, vector<1x16xf32>,
      %get3A_343 = vector.shape_cast %get3A_342 : vector<1x16xf32> to vector<16xf32>
      %add3A_344 = arith.addf %add3A_262, %get3A_343 : vector<16xf32>
      %get3A_345 = arith.index_cast %scan3A_299 : i32 to index
      %get3A_346 = arith.constant 144 : index
      %get3A_347 = tpu.vector_load %arg4[%get3A_345, %get3A_346] {strides = array<i32>} : memref<64x256xf32, #tpu.memory_space<vmem>>, vector<1x16xf32>,
      %get3A_348 = vector.shape_cast %get3A_347 : vector<1x16xf32> to vector<16xf32>
      %add3A_349 = arith.addf %add3A_267, %get3A_348 : vector<16xf32>
      %get3A_350 = arith.index_cast %scan3A_299 : i32 to index
      %get3A_351 = arith.constant 160 : index
      %get3A_352 = tpu.vector_load %arg4[%get3A_350, %get3A_351] {strides = array<i32>} : memref<64x256xf32, #tpu.memory_space<vmem>>, vector<1x16xf32>,
      %get3A_353 = vector.shape_cast %get3A_352 : vector<1x16xf32> to vector<16xf32>
      %add3A_354 = arith.addf %add3A_272, %get3A_353 : vector<16xf32>
      %get3A_355 = arith.index_cast %scan3A_299 : i32 to index
      %get3A_356 = arith.constant 176 : index
      %get3A_357 = tpu.vector_load %arg4[%get3A_355, %get3A_356] {strides = array<i32>} : memref<64x256xf32, #tpu.memory_space<vmem>>, vector<1x16xf32>,
      %get3A_358 = vector.shape_cast %get3A_357 : vector<1x16xf32> to vector<16xf32>
      %add3A_359 = arith.addf %add3A_277, %get3A_358 : vector<16xf32>
      %get3A_360 = arith.index_cast %scan3A_299 : i32 to index
      %get3A_361 = arith.constant 192 : index
      %get3A_362 = tpu.vector_load %arg4[%get3A_360, %get3A_361] {strides = array<i32>} : memref<64x256xf32, #tpu.memory_space<vmem>>, vector<1x16xf32>,
      %get3A_363 = vector.shape_cast %get3A_362 : vector<1x16xf32> to vector<16xf32>
      %add3A_364 = arith.addf %add3A_282, %get3A_363 : vector<16xf32>
      %get3A_365 = arith.index_cast %scan3A_299 : i32 to index
      %get3A_366 = arith.constant 208 : index
      %get3A_367 = tpu.vector_load %arg4[%get3A_365, %get3A_366] {strides = array<i32>} : memref<64x256xf32, #tpu.memory_space<vmem>>, vector<1x16xf32>,
      %get3A_368 = vector.shape_cast %get3A_367 : vector<1x16xf32> to vector<16xf32>
      %add3A_369 = arith.addf %add3A_287, %get3A_368 : vector<16xf32>
      %get3A_370 = arith.index_cast %scan3A_299 : i32 to index
      %get3A_371 = arith.constant 224 : index
      %get3A_372 = tpu.vector_load %arg4[%get3A_370, %get3A_371] {strides = array<i32>} : memref<64x256xf32, #tpu.memory_space<vmem>>, vector<1x16xf32>,
      %get3A_373 = vector.shape_cast %get3A_372 : vector<1x16xf32> to vector<16xf32>
      %add3A_374 = arith.addf %add3A_292, %get3A_373 : vector<16xf32>
      %get3A_375 = arith.index_cast %scan3A_299 : i32 to index
      %get3A_376 = arith.constant 240 : index
      %get3A_377 = tpu.vector_load %arg4[%get3A_375, %get3A_376] {strides = array<i32>} : memref<64x256xf32, #tpu.memory_space<vmem>>, vector<1x16xf32>,
      %get3A_378 = vector.shape_cast %get3A_377 : vector<1x16xf32> to vector<16xf32>
      %add3A_379 = arith.addf %add3A_297, %get3A_378 : vector<16xf32>
      scf.yield %add3A_304, %add3A_309, %add3A_314, %add3A_319, %add3A_324, %add3A_329, %add3A_334, %add3A_339, %add3A_344, %add3A_349, %add3A_354, %add3A_359, %add3A_364, %add3A_369, %add3A_374, %add3A_379 : vector<16xf32>, vector<16xf32>, vector<16xf32>, vector<16xf32>, vector<16xf32>, vector<16xf32>, vector<16xf32>, vector<16xf32>, vector<16xf32>, vector<16xf32>, vector<16xf32>, vector<16xf32>, vector<16xf32>, vector<16xf32>, vector<16xf32>, vector<16xf32>
    }
    %scan3A_102 = arith.constant 64 : i32
    %dma_wait3A_103 = arith.constant 3904 : i32
    %dma_wait3A_104 = tpu.memref_slice %arg2[%select_n3A, %dma_wait3A_103, %mul3A_32] : memref<4x8192x2048xf32, #tpu.memory_space<hbm>> -> memref<1x64x256xf32, #tpu.memory_space<hbm>>
    %dma_wait3A_105 = tpu.memref_squeeze %dma_wait3A_104 : memref<1x64x256xf32, #tpu.memory_space<hbm>> -> memref<64x256xf32, #tpu.memory_space<hbm>>
    %dma_wait3A_106 = arith.constant 3904 : i32
    %dma_wait3A_107 = tpu.memref_slice %arg2[%select_n3A, %dma_wait3A_106, %mul3A_32] : memref<4x8192x2048xf32, #tpu.memory_space<hbm>> -> memref<1x64x256xf32, #tpu.memory_space<hbm>>
    %dma_wait3A_108 = tpu.memref_squeeze %dma_wait3A_107 : memref<1x64x256xf32, #tpu.memory_space<hbm>> -> memref<64x256xf32, #tpu.memory_space<hbm>>
    tpu.wait_dma2 semaphore(%arg10 : memref<!tpu.dma_semaphore, #tpu.memory_space<semaphore_mem>>) src(%dma_wait3A_108 : memref<64x256xf32, #tpu.memory_space<hbm>>) dst(%arg5 : memref<64x256xf32, #tpu.memory_space<vmem>>)
    %scan3A_109 = arith.constant 0 : i32
    %scan3A_110 = arith.constant 64 : i32
    %scan3A_111 = arith.addi %scan3A_109, %scan3A_110 : i32
    %scan3A_112 = arith.constant 2 : i32
    %scan3A_113:16 = scf.for %scan3A_202 = %scan3A_109 to %scan3A_111 step %scan3A_112 iter_args(%scan3A_203 = %scan3A_101#0, %scan3A_204 = %scan3A_101#1, %scan3A_205 = %scan3A_101#2, %scan3A_206 = %scan3A_101#3, %scan3A_207 = %scan3A_101#4, %scan3A_208 = %scan3A_101#5, %scan3A_209 = %scan3A_101#6, %scan3A_210 = %scan3A_101#7, %scan3A_211 = %scan3A_101#8, %scan3A_212 = %scan3A_101#9, %scan3A_213 = %scan3A_101#10, %scan3A_214 = %scan3A_101#11, %scan3A_215 = %scan3A_101#12, %scan3A_216 = %scan3A_101#13, %scan3A_217 = %scan3A_101#14, %scan3A_218 = %scan3A_101#15) -> (vector<16xf32>, vector<16xf32>, vector<16xf32>, vector<16xf32>, vector<16xf32>, vector<16xf32>, vector<16xf32>, vector<16xf32>, vector<16xf32>, vector<16xf32>, vector<16xf32>, vector<16xf32>, vector<16xf32>, vector<16xf32>, vector<16xf32>, vector<16xf32>)  : i32 {
      %get3A = arith.index_cast %scan3A_202 : i32 to index
      %get3A_219 = arith.constant 0 : index
      %get3A_220 = tpu.vector_load %arg5[%get3A, %get3A_219] {strides = array<i32>} : memref<64x256xf32, #tpu.memory_space<vmem>>, vector<1x16xf32>,
      %get3A_221 = vector.shape_cast %get3A_220 : vector<1x16xf32> to vector<16xf32>
      %add3A_222 = arith.addf %scan3A_203, %get3A_221 : vector<16xf32>
      %get3A_223 = arith.index_cast %scan3A_202 : i32 to index
      %get3A_224 = arith.constant 16 : index
      %get3A_225 = tpu.vector_load %arg5[%get3A_223, %get3A_224] {strides = array<i32>} : memref<64x256xf32, #tpu.memory_space<vmem>>, vector<1x16xf32>,
      %get3A_226 = vector.shape_cast %get3A_225 : vector<1x16xf32> to vector<16xf32>
      %add3A_227 = arith.addf %scan3A_204, %get3A_226 : vector<16xf32>
      %get3A_228 = arith.index_cast %scan3A_202 : i32 to index
      %get3A_229 = arith.constant 32 : index
      %get3A_230 = tpu.vector_load %arg5[%get3A_228, %get3A_229] {strides = array<i32>} : memref<64x256xf32, #tpu.memory_space<vmem>>, vector<1x16xf32>,
      %get3A_231 = vector.shape_cast %get3A_230 : vector<1x16xf32> to vector<16xf32>
      %add3A_232 = arith.addf %scan3A_205, %get3A_231 : vector<16xf32>
      %get3A_233 = arith.index_cast %scan3A_202 : i32 to index
      %get3A_234 = arith.constant 48 : index
      %get3A_235 = tpu.vector_load %arg5[%get3A_233, %get3A_234] {strides = array<i32>} : memref<64x256xf32, #tpu.memory_space<vmem>>, vector<1x16xf32>,
      %get3A_236 = vector.shape_cast %get3A_235 : vector<1x16xf32> to vector<16xf32>
      %add3A_237 = arith.addf %scan3A_206, %get3A_236 : vector<16xf32>
      %get3A_238 = arith.index_cast %scan3A_202 : i32 to index
      %get3A_239 = arith.constant 64 : index
      %get3A_240 = tpu.vector_load %arg5[%get3A_238, %get3A_239] {strides = array<i32>} : memref<64x256xf32, #tpu.memory_space<vmem>>, vector<1x16xf32>,
      %get3A_241 = vector.shape_cast %get3A_240 : vector<1x16xf32> to vector<16xf32>
      %add3A_242 = arith.addf %scan3A_207, %get3A_241 : vector<16xf32>
      %get3A_243 = arith.index_cast %scan3A_202 : i32 to index
      %get3A_244 = arith.constant 80 : index
      %get3A_245 = tpu.vector_load %arg5[%get3A_243, %get3A_244] {strides = array<i32>} : memref<64x256xf32, #tpu.memory_space<vmem>>, vector<1x16xf32>,
      %get3A_246 = vector.shape_cast %get3A_245 : vector<1x16xf32> to vector<16xf32>
      %add3A_247 = arith.addf %scan3A_208, %get3A_246 : vector<16xf32>
      %get3A_248 = arith.index_cast %scan3A_202 : i32 to index
      %get3A_249 = arith.constant 96 : index
      %get3A_250 = tpu.vector_load %arg5[%get3A_248, %get3A_249] {strides = array<i32>} : memref<64x256xf32, #tpu.memory_space<vmem>>, vector<1x16xf32>,
      %get3A_251 = vector.shape_cast %get3A_250 : vector<1x16xf32> to vector<16xf32>
      %add3A_252 = arith.addf %scan3A_209, %get3A_251 : vector<16xf32>
      %get3A_253 = arith.index_cast %scan3A_202 : i32 to index
      %get3A_254 = arith.constant 112 : index
      %get3A_255 = tpu.vector_load %arg5[%get3A_253, %get3A_254] {strides = array<i32>} : memref<64x256xf32, #tpu.memory_space<vmem>>, vector<1x16xf32>,
      %get3A_256 = vector.shape_cast %get3A_255 : vector<1x16xf32> to vector<16xf32>
      %add3A_257 = arith.addf %scan3A_210, %get3A_256 : vector<16xf32>
      %get3A_258 = arith.index_cast %scan3A_202 : i32 to index
      %get3A_259 = arith.constant 128 : index
      %get3A_260 = tpu.vector_load %arg5[%get3A_258, %get3A_259] {strides = array<i32>} : memref<64x256xf32, #tpu.memory_space<vmem>>, vector<1x16xf32>,
      %get3A_261 = vector.shape_cast %get3A_260 : vector<1x16xf32> to vector<16xf32>
      %add3A_262 = arith.addf %scan3A_211, %get3A_261 : vector<16xf32>
      %get3A_263 = arith.index_cast %scan3A_202 : i32 to index
      %get3A_264 = arith.constant 144 : index
      %get3A_265 = tpu.vector_load %arg5[%get3A_263, %get3A_264] {strides = array<i32>} : memref<64x256xf32, #tpu.memory_space<vmem>>, vector<1x16xf32>,
      %get3A_266 = vector.shape_cast %get3A_265 : vector<1x16xf32> to vector<16xf32>
      %add3A_267 = arith.addf %scan3A_212, %get3A_266 : vector<16xf32>
      %get3A_268 = arith.index_cast %scan3A_202 : i32 to index
      %get3A_269 = arith.constant 160 : index
      %get3A_270 = tpu.vector_load %arg5[%get3A_268, %get3A_269] {strides = array<i32>} : memref<64x256xf32, #tpu.memory_space<vmem>>, vector<1x16xf32>,
      %get3A_271 = vector.shape_cast %get3A_270 : vector<1x16xf32> to vector<16xf32>
      %add3A_272 = arith.addf %scan3A_213, %get3A_271 : vector<16xf32>
      %get3A_273 = arith.index_cast %scan3A_202 : i32 to index
      %get3A_274 = arith.constant 176 : index
      %get3A_275 = tpu.vector_load %arg5[%get3A_273, %get3A_274] {strides = array<i32>} : memref<64x256xf32, #tpu.memory_space<vmem>>, vector<1x16xf32>,
      %get3A_276 = vector.shape_cast %get3A_275 : vector<1x16xf32> to vector<16xf32>
      %add3A_277 = arith.addf %scan3A_214, %get3A_276 : vector<16xf32>
      %get3A_278 = arith.index_cast %scan3A_202 : i32 to index
      %get3A_279 = arith.constant 192 : index
      %get3A_280 = tpu.vector_load %arg5[%get3A_278, %get3A_279] {strides = array<i32>} : memref<64x256xf32, #tpu.memory_space<vmem>>, vector<1x16xf32>,
      %get3A_281 = vector.shape_cast %get3A_280 : vector<1x16xf32> to vector<16xf32>
      %add3A_282 = arith.addf %scan3A_215, %get3A_281 : vector<16xf32>
      %get3A_283 = arith.index_cast %scan3A_202 : i32 to index
      %get3A_284 = arith.constant 208 : index
      %get3A_285 = tpu.vector_load %arg5[%get3A_283, %get3A_284] {strides = array<i32>} : memref<64x256xf32, #tpu.memory_space<vmem>>, vector<1x16xf32>,
      %get3A_286 = vector.shape_cast %get3A_285 : vector<1x16xf32> to vector<16xf32>
      %add3A_287 = arith.addf %scan3A_216, %get3A_286 : vector<16xf32>
      %get3A_288 = arith.index_cast %scan3A_202 : i32 to index
      %get3A_289 = arith.constant 224 : index
      %get3A_290 = tpu.vector_load %arg5[%get3A_288, %get3A_289] {strides = array<i32>} : memref<64x256xf32, #tpu.memory_space<vmem>>, vector<1x16xf32>,
      %get3A_291 = vector.shape_cast %get3A_290 : vector<1x16xf32> to vector<16xf32>
      %add3A_292 = arith.addf %scan3A_217, %get3A_291 : vector<16xf32>
      %get3A_293 = arith.index_cast %scan3A_202 : i32 to index
      %get3A_294 = arith.constant 240 : index
      %get3A_295 = tpu.vector_load %arg5[%get3A_293, %get3A_294] {strides = array<i32>} : memref<64x256xf32, #tpu.memory_space<vmem>>, vector<1x16xf32>,
      %get3A_296 = vector.shape_cast %get3A_295 : vector<1x16xf32> to vector<16xf32>
      %add3A_297 = arith.addf %scan3A_218, %get3A_296 : vector<16xf32>
      %scan3A_298 = arith.constant 1 : i32
      %scan3A_299 = arith.addi %scan3A_202, %scan3A_298 : i32
      %get3A_300 = arith.index_cast %scan3A_299 : i32 to index
      %get3A_301 = arith.constant 0 : index
      %get3A_302 = tpu.vector_load %arg5[%get3A_300, %get3A_301] {strides = array<i32>} : memref<64x256xf32, #tpu.memory_space<vmem>>, vector<1x16xf32>,
      %get3A_303 = vector.shape_cast %get3A_302 : vector<1x16xf32> to vector<16xf32>
      %add3A_304 = arith.addf %add3A_222, %get3A_303 : vector<16xf32>
      %get3A_305 = arith.index_cast %scan3A_299 : i32 to index
      %get3A_306 = arith.constant 16 : index
      %get3A_307 = tpu.vector_load %arg5[%get3A_305, %get3A_306] {strides = array<i32>} : memref<64x256xf32, #tpu.memory_space<vmem>>, vector<1x16xf32>,
      %get3A_308 = vector.shape_cast %get3A_307 : vector<1x16xf32> to vector<16xf32>
      %add3A_309 = arith.addf %add3A_227, %get3A_308 : vector<16xf32>
      %get3A_310 = arith.index_cast %scan3A_299 : i32 to index
      %get3A_311 = arith.constant 32 : index
      %get3A_312 = tpu.vector_load %arg5[%get3A_310, %get3A_311] {strides = array<i32>} : memref<64x256xf32, #tpu.memory_space<vmem>>, vector<1x16xf32>,
      %get3A_313 = vector.shape_cast %get3A_312 : vector<1x16xf32> to vector<16xf32>
      %add3A_314 = arith.addf %add3A_232, %get3A_313 : vector<16xf32>
      %get3A_315 = arith.index_cast %scan3A_299 : i32 to index
      %get3A_316 = arith.constant 48 : index
      %get3A_317 = tpu.vector_load %arg5[%get3A_315, %get3A_316] {strides = array<i32>} : memref<64x256xf32, #tpu.memory_space<vmem>>, vector<1x16xf32>,
      %get3A_318 = vector.shape_cast %get3A_317 : vector<1x16xf32> to vector<16xf32>
      %add3A_319 = arith.addf %add3A_237, %get3A_318 : vector<16xf32>
      %get3A_320 = arith.index_cast %scan3A_299 : i32 to index
      %get3A_321 = arith.constant 64 : index
      %get3A_322 = tpu.vector_load %arg5[%get3A_320, %get3A_321] {strides = array<i32>} : memref<64x256xf32, #tpu.memory_space<vmem>>, vector<1x16xf32>,
      %get3A_323 = vector.shape_cast %get3A_322 : vector<1x16xf32> to vector<16xf32>
      %add3A_324 = arith.addf %add3A_242, %get3A_323 : vector<16xf32>
      %get3A_325 = arith.index_cast %scan3A_299 : i32 to index
      %get3A_326 = arith.constant 80 : index
      %get3A_327 = tpu.vector_load %arg5[%get3A_325, %get3A_326] {strides = array<i32>} : memref<64x256xf32, #tpu.memory_space<vmem>>, vector<1x16xf32>,
      %get3A_328 = vector.shape_cast %get3A_327 : vector<1x16xf32> to vector<16xf32>
      %add3A_329 = arith.addf %add3A_247, %get3A_328 : vector<16xf32>
      %get3A_330 = arith.index_cast %scan3A_299 : i32 to index
      %get3A_331 = arith.constant 96 : index
      %get3A_332 = tpu.vector_load %arg5[%get3A_330, %get3A_331] {strides = array<i32>} : memref<64x256xf32, #tpu.memory_space<vmem>>, vector<1x16xf32>,
      %get3A_333 = vector.shape_cast %get3A_332 : vector<1x16xf32> to vector<16xf32>
      %add3A_334 = arith.addf %add3A_252, %get3A_333 : vector<16xf32>
      %get3A_335 = arith.index_cast %scan3A_299 : i32 to index
      %get3A_336 = arith.constant 112 : index
      %get3A_337 = tpu.vector_load %arg5[%get3A_335, %get3A_336] {strides = array<i32>} : memref<64x256xf32, #tpu.memory_space<vmem>>, vector<1x16xf32>,
      %get3A_338 = vector.shape_cast %get3A_337 : vector<1x16xf32> to vector<16xf32>
      %add3A_339 = arith.addf %add3A_257, %get3A_338 : vector<16xf32>
      %get3A_340 = arith.index_cast %scan3A_299 : i32 to index
      %get3A_341 = arith.constant 128 : index
      %get3A_342 = tpu.vector_load %arg5[%get3A_340, %get3A_341] {strides = array<i32>} : memref<64x256xf32, #tpu.memory_space<vmem>>, vector<1x16xf32>,
      %get3A_343 = vector.shape_cast %get3A_342 : vector<1x16xf32> to vector<16xf32>
      %add3A_344 = arith.addf %add3A_262, %get3A_343 : vector<16xf32>
      %get3A_345 = arith.index_cast %scan3A_299 : i32 to index
      %get3A_346 = arith.constant 144 : index
      %get3A_347 = tpu.vector_load %arg5[%get3A_345, %get3A_346] {strides = array<i32>} : memref<64x256xf32, #tpu.memory_space<vmem>>, vector<1x16xf32>,
      %get3A_348 = vector.shape_cast %get3A_347 : vector<1x16xf32> to vector<16xf32>
      %add3A_349 = arith.addf %add3A_267, %get3A_348 : vector<16xf32>
      %get3A_350 = arith.index_cast %scan3A_299 : i32 to index
      %get3A_351 = arith.constant 160 : index
      %get3A_352 = tpu.vector_load %arg5[%get3A_350, %get3A_351] {strides = array<i32>} : memref<64x256xf32, #tpu.memory_space<vmem>>, vector<1x16xf32>,
      %get3A_353 = vector.shape_cast %get3A_352 : vector<1x16xf32> to vector<16xf32>
      %add3A_354 = arith.addf %add3A_272, %get3A_353 : vector<16xf32>
      %get3A_355 = arith.index_cast %scan3A_299 : i32 to index
      %get3A_356 = arith.constant 176 : index
      %get3A_357 = tpu.vector_load %arg5[%get3A_355, %get3A_356] {strides = array<i32>} : memref<64x256xf32, #tpu.memory_space<vmem>>, vector<1x16xf32>,
      %get3A_358 = vector.shape_cast %get3A_357 : vector<1x16xf32> to vector<16xf32>
      %add3A_359 = arith.addf %add3A_277, %get3A_358 : vector<16xf32>
      %get3A_360 = arith.index_cast %scan3A_299 : i32 to index
      %get3A_361 = arith.constant 192 : index
      %get3A_362 = tpu.vector_load %arg5[%get3A_360, %get3A_361] {strides = array<i32>} : memref<64x256xf32, #tpu.memory_space<vmem>>, vector<1x16xf32>,
      %get3A_363 = vector.shape_cast %get3A_362 : vector<1x16xf32> to vector<16xf32>
      %add3A_364 = arith.addf %add3A_282, %get3A_363 : vector<16xf32>
      %get3A_365 = arith.index_cast %scan3A_299 : i32 to index
      %get3A_366 = arith.constant 208 : index
      %get3A_367 = tpu.vector_load %arg5[%get3A_365, %get3A_366] {strides = array<i32>} : memref<64x256xf32, #tpu.memory_space<vmem>>, vector<1x16xf32>,
      %get3A_368 = vector.shape_cast %get3A_367 : vector<1x16xf32> to vector<16xf32>
      %add3A_369 = arith.addf %add3A_287, %get3A_368 : vector<16xf32>
      %get3A_370 = arith.index_cast %scan3A_299 : i32 to index
      %get3A_371 = arith.constant 224 : index
      %get3A_372 = tpu.vector_load %arg5[%get3A_370, %get3A_371] {strides = array<i32>} : memref<64x256xf32, #tpu.memory_space<vmem>>, vector<1x16xf32>,
      %get3A_373 = vector.shape_cast %get3A_372 : vector<1x16xf32> to vector<16xf32>
      %add3A_374 = arith.addf %add3A_292, %get3A_373 : vector<16xf32>
      %get3A_375 = arith.index_cast %scan3A_299 : i32 to index
      %get3A_376 = arith.constant 240 : index
      %get3A_377 = tpu.vector_load %arg5[%get3A_375, %get3A_376] {strides = array<i32>} : memref<64x256xf32, #tpu.memory_space<vmem>>, vector<1x16xf32>,
      %get3A_378 = vector.shape_cast %get3A_377 : vector<1x16xf32> to vector<16xf32>
      %add3A_379 = arith.addf %add3A_297, %get3A_378 : vector<16xf32>
      scf.yield %add3A_304, %add3A_309, %add3A_314, %add3A_319, %add3A_324, %add3A_329, %add3A_334, %add3A_339, %add3A_344, %add3A_349, %add3A_354, %add3A_359, %add3A_364, %add3A_369, %add3A_374, %add3A_379 : vector<16xf32>, vector<16xf32>, vector<16xf32>, vector<16xf32>, vector<16xf32>, vector<16xf32>, vector<16xf32>, vector<16xf32>, vector<16xf32>, vector<16xf32>, vector<16xf32>, vector<16xf32>, vector<16xf32>, vector<16xf32>, vector<16xf32>, vector<16xf32>
    }
    %scan3A_114 = arith.constant 64 : i32
    %dma_wait3A_115 = arith.constant 3968 : i32
    %dma_wait3A_116 = tpu.memref_slice %arg2[%select_n3A, %dma_wait3A_115, %mul3A_32] : memref<4x8192x2048xf32, #tpu.memory_space<hbm>> -> memref<1x64x256xf32, #tpu.memory_space<hbm>>
    %dma_wait3A_117 = tpu.memref_squeeze %dma_wait3A_116 : memref<1x64x256xf32, #tpu.memory_space<hbm>> -> memref<64x256xf32, #tpu.memory_space<hbm>>
    %dma_wait3A_118 = arith.constant 3968 : i32
    %dma_wait3A_119 = tpu.memref_slice %arg2[%select_n3A, %dma_wait3A_118, %mul3A_32] : memref<4x8192x2048xf32, #tpu.memory_space<hbm>> -> memref<1x64x256xf32, #tpu.memory_space<hbm>>
    %dma_wait3A_120 = tpu.memref_squeeze %dma_wait3A_119 : memref<1x64x256xf32, #tpu.memory_space<hbm>> -> memref<64x256xf32, #tpu.memory_space<hbm>>
    tpu.wait_dma2 semaphore(%arg11 : memref<!tpu.dma_semaphore, #tpu.memory_space<semaphore_mem>>) src(%dma_wait3A_120 : memref<64x256xf32, #tpu.memory_space<hbm>>) dst(%arg6 : memref<64x256xf32, #tpu.memory_space<vmem>>)
    %scan3A_121 = arith.constant 0 : i32
    %scan3A_122 = arith.constant 64 : i32
    %scan3A_123 = arith.addi %scan3A_121, %scan3A_122 : i32
    %scan3A_124 = arith.constant 2 : i32
    %scan3A_125:16 = scf.for %scan3A_202 = %scan3A_121 to %scan3A_123 step %scan3A_124 iter_args(%scan3A_203 = %scan3A_113#0, %scan3A_204 = %scan3A_113#1, %scan3A_205 = %scan3A_113#2, %scan3A_206 = %scan3A_113#3, %scan3A_207 = %scan3A_113#4, %scan3A_208 = %scan3A_113#5, %scan3A_209 = %scan3A_113#6, %scan3A_210 = %scan3A_113#7, %scan3A_211 = %scan3A_113#8, %scan3A_212 = %scan3A_113#9, %scan3A_213 = %scan3A_113#10, %scan3A_214 = %scan3A_113#11, %scan3A_215 = %scan3A_113#12, %scan3A_216 = %scan3A_113#13, %scan3A_217 = %scan3A_113#14, %scan3A_218 = %scan3A_113#15) -> (vector<16xf32>, vector<16xf32>, vector<16xf32>, vector<16xf32>, vector<16xf32>, vector<16xf32>, vector<16xf32>, vector<16xf32>, vector<16xf32>, vector<16xf32>, vector<16xf32>, vector<16xf32>, vector<16xf32>, vector<16xf32>, vector<16xf32>, vector<16xf32>)  : i32 {
      %get3A = arith.index_cast %scan3A_202 : i32 to index
      %get3A_219 = arith.constant 0 : index
      %get3A_220 = tpu.vector_load %arg6[%get3A, %get3A_219] {strides = array<i32>} : memref<64x256xf32, #tpu.memory_space<vmem>>, vector<1x16xf32>,
      %get3A_221 = vector.shape_cast %get3A_220 : vector<1x16xf32> to vector<16xf32>
      %add3A_222 = arith.addf %scan3A_203, %get3A_221 : vector<16xf32>
      %get3A_223 = arith.index_cast %scan3A_202 : i32 to index
      %get3A_224 = arith.constant 16 : index
      %get3A_225 = tpu.vector_load %arg6[%get3A_223, %get3A_224] {strides = array<i32>} : memref<64x256xf32, #tpu.memory_space<vmem>>, vector<1x16xf32>,
      %get3A_226 = vector.shape_cast %get3A_225 : vector<1x16xf32> to vector<16xf32>
      %add3A_227 = arith.addf %scan3A_204, %get3A_226 : vector<16xf32>
      %get3A_228 = arith.index_cast %scan3A_202 : i32 to index
      %get3A_229 = arith.constant 32 : index
      %get3A_230 = tpu.vector_load %arg6[%get3A_228, %get3A_229] {strides = array<i32>} : memref<64x256xf32, #tpu.memory_space<vmem>>, vector<1x16xf32>,
      %get3A_231 = vector.shape_cast %get3A_230 : vector<1x16xf32> to vector<16xf32>
      %add3A_232 = arith.addf %scan3A_205, %get3A_231 : vector<16xf32>
      %get3A_233 = arith.index_cast %scan3A_202 : i32 to index
      %get3A_234 = arith.constant 48 : index
      %get3A_235 = tpu.vector_load %arg6[%get3A_233, %get3A_234] {strides = array<i32>} : memref<64x256xf32, #tpu.memory_space<vmem>>, vector<1x16xf32>,
      %get3A_236 = vector.shape_cast %get3A_235 : vector<1x16xf32> to vector<16xf32>
      %add3A_237 = arith.addf %scan3A_206, %get3A_236 : vector<16xf32>
      %get3A_238 = arith.index_cast %scan3A_202 : i32 to index
      %get3A_239 = arith.constant 64 : index
      %get3A_240 = tpu.vector_load %arg6[%get3A_238, %get3A_239] {strides = array<i32>} : memref<64x256xf32, #tpu.memory_space<vmem>>, vector<1x16xf32>,
      %get3A_241 = vector.shape_cast %get3A_240 : vector<1x16xf32> to vector<16xf32>
      %add3A_242 = arith.addf %scan3A_207, %get3A_241 : vector<16xf32>
      %get3A_243 = arith.index_cast %scan3A_202 : i32 to index
      %get3A_244 = arith.constant 80 : index
      %get3A_245 = tpu.vector_load %arg6[%get3A_243, %get3A_244] {strides = array<i32>} : memref<64x256xf32, #tpu.memory_space<vmem>>, vector<1x16xf32>,
      %get3A_246 = vector.shape_cast %get3A_245 : vector<1x16xf32> to vector<16xf32>
      %add3A_247 = arith.addf %scan3A_208, %get3A_246 : vector<16xf32>
      %get3A_248 = arith.index_cast %scan3A_202 : i32 to index
      %get3A_249 = arith.constant 96 : index
      %get3A_250 = tpu.vector_load %arg6[%get3A_248, %get3A_249] {strides = array<i32>} : memref<64x256xf32, #tpu.memory_space<vmem>>, vector<1x16xf32>,
      %get3A_251 = vector.shape_cast %get3A_250 : vector<1x16xf32> to vector<16xf32>
      %add3A_252 = arith.addf %scan3A_209, %get3A_251 : vector<16xf32>
      %get3A_253 = arith.index_cast %scan3A_202 : i32 to index
      %get3A_254 = arith.constant 112 : index
      %get3A_255 = tpu.vector_load %arg6[%get3A_253, %get3A_254] {strides = array<i32>} : memref<64x256xf32, #tpu.memory_space<vmem>>, vector<1x16xf32>,
      %get3A_256 = vector.shape_cast %get3A_255 : vector<1x16xf32> to vector<16xf32>
      %add3A_257 = arith.addf %scan3A_210, %get3A_256 : vector<16xf32>
      %get3A_258 = arith.index_cast %scan3A_202 : i32 to index
      %get3A_259 = arith.constant 128 : index
      %get3A_260 = tpu.vector_load %arg6[%get3A_258, %get3A_259] {strides = array<i32>} : memref<64x256xf32, #tpu.memory_space<vmem>>, vector<1x16xf32>,
      %get3A_261 = vector.shape_cast %get3A_260 : vector<1x16xf32> to vector<16xf32>
      %add3A_262 = arith.addf %scan3A_211, %get3A_261 : vector<16xf32>
      %get3A_263 = arith.index_cast %scan3A_202 : i32 to index
      %get3A_264 = arith.constant 144 : index
      %get3A_265 = tpu.vector_load %arg6[%get3A_263, %get3A_264] {strides = array<i32>} : memref<64x256xf32, #tpu.memory_space<vmem>>, vector<1x16xf32>,
      %get3A_266 = vector.shape_cast %get3A_265 : vector<1x16xf32> to vector<16xf32>
      %add3A_267 = arith.addf %scan3A_212, %get3A_266 : vector<16xf32>
      %get3A_268 = arith.index_cast %scan3A_202 : i32 to index
      %get3A_269 = arith.constant 160 : index
      %get3A_270 = tpu.vector_load %arg6[%get3A_268, %get3A_269] {strides = array<i32>} : memref<64x256xf32, #tpu.memory_space<vmem>>, vector<1x16xf32>,
      %get3A_271 = vector.shape_cast %get3A_270 : vector<1x16xf32> to vector<16xf32>
      %add3A_272 = arith.addf %scan3A_213, %get3A_271 : vector<16xf32>
      %get3A_273 = arith.index_cast %scan3A_202 : i32 to index
      %get3A_274 = arith.constant 176 : index
      %get3A_275 = tpu.vector_load %arg6[%get3A_273, %get3A_274] {strides = array<i32>} : memref<64x256xf32, #tpu.memory_space<vmem>>, vector<1x16xf32>,
      %get3A_276 = vector.shape_cast %get3A_275 : vector<1x16xf32> to vector<16xf32>
      %add3A_277 = arith.addf %scan3A_214, %get3A_276 : vector<16xf32>
      %get3A_278 = arith.index_cast %scan3A_202 : i32 to index
      %get3A_279 = arith.constant 192 : index
      %get3A_280 = tpu.vector_load %arg6[%get3A_278, %get3A_279] {strides = array<i32>} : memref<64x256xf32, #tpu.memory_space<vmem>>, vector<1x16xf32>,
      %get3A_281 = vector.shape_cast %get3A_280 : vector<1x16xf32> to vector<16xf32>
      %add3A_282 = arith.addf %scan3A_215, %get3A_281 : vector<16xf32>
      %get3A_283 = arith.index_cast %scan3A_202 : i32 to index
      %get3A_284 = arith.constant 208 : index
      %get3A_285 = tpu.vector_load %arg6[%get3A_283, %get3A_284] {strides = array<i32>} : memref<64x256xf32, #tpu.memory_space<vmem>>, vector<1x16xf32>,
      %get3A_286 = vector.shape_cast %get3A_285 : vector<1x16xf32> to vector<16xf32>
      %add3A_287 = arith.addf %scan3A_216, %get3A_286 : vector<16xf32>
      %get3A_288 = arith.index_cast %scan3A_202 : i32 to index
      %get3A_289 = arith.constant 224 : index
      %get3A_290 = tpu.vector_load %arg6[%get3A_288, %get3A_289] {strides = array<i32>} : memref<64x256xf32, #tpu.memory_space<vmem>>, vector<1x16xf32>,
      %get3A_291 = vector.shape_cast %get3A_290 : vector<1x16xf32> to vector<16xf32>
      %add3A_292 = arith.addf %scan3A_217, %get3A_291 : vector<16xf32>
      %get3A_293 = arith.index_cast %scan3A_202 : i32 to index
      %get3A_294 = arith.constant 240 : index
      %get3A_295 = tpu.vector_load %arg6[%get3A_293, %get3A_294] {strides = array<i32>} : memref<64x256xf32, #tpu.memory_space<vmem>>, vector<1x16xf32>,
      %get3A_296 = vector.shape_cast %get3A_295 : vector<1x16xf32> to vector<16xf32>
      %add3A_297 = arith.addf %scan3A_218, %get3A_296 : vector<16xf32>
      %scan3A_298 = arith.constant 1 : i32
      %scan3A_299 = arith.addi %scan3A_202, %scan3A_298 : i32
      %get3A_300 = arith.index_cast %scan3A_299 : i32 to index
      %get3A_301 = arith.constant 0 : index
      %get3A_302 = tpu.vector_load %arg6[%get3A_300, %get3A_301] {strides = array<i32>} : memref<64x256xf32, #tpu.memory_space<vmem>>, vector<1x16xf32>,
      %get3A_303 = vector.shape_cast %get3A_302 : vector<1x16xf32> to vector<16xf32>
      %add3A_304 = arith.addf %add3A_222, %get3A_303 : vector<16xf32>
      %get3A_305 = arith.index_cast %scan3A_299 : i32 to index
      %get3A_306 = arith.constant 16 : index
      %get3A_307 = tpu.vector_load %arg6[%get3A_305, %get3A_306] {strides = array<i32>} : memref<64x256xf32, #tpu.memory_space<vmem>>, vector<1x16xf32>,
      %get3A_308 = vector.shape_cast %get3A_307 : vector<1x16xf32> to vector<16xf32>
      %add3A_309 = arith.addf %add3A_227, %get3A_308 : vector<16xf32>
      %get3A_310 = arith.index_cast %scan3A_299 : i32 to index
      %get3A_311 = arith.constant 32 : index
      %get3A_312 = tpu.vector_load %arg6[%get3A_310, %get3A_311] {strides = array<i32>} : memref<64x256xf32, #tpu.memory_space<vmem>>, vector<1x16xf32>,
      %get3A_313 = vector.shape_cast %get3A_312 : vector<1x16xf32> to vector<16xf32>
      %add3A_314 = arith.addf %add3A_232, %get3A_313 : vector<16xf32>
      %get3A_315 = arith.index_cast %scan3A_299 : i32 to index
      %get3A_316 = arith.constant 48 : index
      %get3A_317 = tpu.vector_load %arg6[%get3A_315, %get3A_316] {strides = array<i32>} : memref<64x256xf32, #tpu.memory_space<vmem>>, vector<1x16xf32>,
      %get3A_318 = vector.shape_cast %get3A_317 : vector<1x16xf32> to vector<16xf32>
      %add3A_319 = arith.addf %add3A_237, %get3A_318 : vector<16xf32>
      %get3A_320 = arith.index_cast %scan3A_299 : i32 to index
      %get3A_321 = arith.constant 64 : index
      %get3A_322 = tpu.vector_load %arg6[%get3A_320, %get3A_321] {strides = array<i32>} : memref<64x256xf32, #tpu.memory_space<vmem>>, vector<1x16xf32>,
      %get3A_323 = vector.shape_cast %get3A_322 : vector<1x16xf32> to vector<16xf32>
      %add3A_324 = arith.addf %add3A_242, %get3A_323 : vector<16xf32>
      %get3A_325 = arith.index_cast %scan3A_299 : i32 to index
      %get3A_326 = arith.constant 80 : index
      %get3A_327 = tpu.vector_load %arg6[%get3A_325, %get3A_326] {strides = array<i32>} : memref<64x256xf32, #tpu.memory_space<vmem>>, vector<1x16xf32>,
      %get3A_328 = vector.shape_cast %get3A_327 : vector<1x16xf32> to vector<16xf32>
      %add3A_329 = arith.addf %add3A_247, %get3A_328 : vector<16xf32>
      %get3A_330 = arith.index_cast %scan3A_299 : i32 to index
      %get3A_331 = arith.constant 96 : index
      %get3A_332 = tpu.vector_load %arg6[%get3A_330, %get3A_331] {strides = array<i32>} : memref<64x256xf32, #tpu.memory_space<vmem>>, vector<1x16xf32>,
      %get3A_333 = vector.shape_cast %get3A_332 : vector<1x16xf32> to vector<16xf32>
      %add3A_334 = arith.addf %add3A_252, %get3A_333 : vector<16xf32>
      %get3A_335 = arith.index_cast %scan3A_299 : i32 to index
      %get3A_336 = arith.constant 112 : index
      %get3A_337 = tpu.vector_load %arg6[%get3A_335, %get3A_336] {strides = array<i32>} : memref<64x256xf32, #tpu.memory_space<vmem>>, vector<1x16xf32>,
      %get3A_338 = vector.shape_cast %get3A_337 : vector<1x16xf32> to vector<16xf32>
      %add3A_339 = arith.addf %add3A_257, %get3A_338 : vector<16xf32>
      %get3A_340 = arith.index_cast %scan3A_299 : i32 to index
      %get3A_341 = arith.constant 128 : index
      %get3A_342 = tpu.vector_load %arg6[%get3A_340, %get3A_341] {strides = array<i32>} : memref<64x256xf32, #tpu.memory_space<vmem>>, vector<1x16xf32>,
      %get3A_343 = vector.shape_cast %get3A_342 : vector<1x16xf32> to vector<16xf32>
      %add3A_344 = arith.addf %add3A_262, %get3A_343 : vector<16xf32>
      %get3A_345 = arith.index_cast %scan3A_299 : i32 to index
      %get3A_346 = arith.constant 144 : index
      %get3A_347 = tpu.vector_load %arg6[%get3A_345, %get3A_346] {strides = array<i32>} : memref<64x256xf32, #tpu.memory_space<vmem>>, vector<1x16xf32>,
      %get3A_348 = vector.shape_cast %get3A_347 : vector<1x16xf32> to vector<16xf32>
      %add3A_349 = arith.addf %add3A_267, %get3A_348 : vector<16xf32>
      %get3A_350 = arith.index_cast %scan3A_299 : i32 to index
      %get3A_351 = arith.constant 160 : index
      %get3A_352 = tpu.vector_load %arg6[%get3A_350, %get3A_351] {strides = array<i32>} : memref<64x256xf32, #tpu.memory_space<vmem>>, vector<1x16xf32>,
      %get3A_353 = vector.shape_cast %get3A_352 : vector<1x16xf32> to vector<16xf32>
      %add3A_354 = arith.addf %add3A_272, %get3A_353 : vector<16xf32>
      %get3A_355 = arith.index_cast %scan3A_299 : i32 to index
      %get3A_356 = arith.constant 176 : index
      %get3A_357 = tpu.vector_load %arg6[%get3A_355, %get3A_356] {strides = array<i32>} : memref<64x256xf32, #tpu.memory_space<vmem>>, vector<1x16xf32>,
      %get3A_358 = vector.shape_cast %get3A_357 : vector<1x16xf32> to vector<16xf32>
      %add3A_359 = arith.addf %add3A_277, %get3A_358 : vector<16xf32>
      %get3A_360 = arith.index_cast %scan3A_299 : i32 to index
      %get3A_361 = arith.constant 192 : index
      %get3A_362 = tpu.vector_load %arg6[%get3A_360, %get3A_361] {strides = array<i32>} : memref<64x256xf32, #tpu.memory_space<vmem>>, vector<1x16xf32>,
      %get3A_363 = vector.shape_cast %get3A_362 : vector<1x16xf32> to vector<16xf32>
      %add3A_364 = arith.addf %add3A_282, %get3A_363 : vector<16xf32>
      %get3A_365 = arith.index_cast %scan3A_299 : i32 to index
      %get3A_366 = arith.constant 208 : index
      %get3A_367 = tpu.vector_load %arg6[%get3A_365, %get3A_366] {strides = array<i32>} : memref<64x256xf32, #tpu.memory_space<vmem>>, vector<1x16xf32>,
      %get3A_368 = vector.shape_cast %get3A_367 : vector<1x16xf32> to vector<16xf32>
      %add3A_369 = arith.addf %add3A_287, %get3A_368 : vector<16xf32>
      %get3A_370 = arith.index_cast %scan3A_299 : i32 to index
      %get3A_371 = arith.constant 224 : index
      %get3A_372 = tpu.vector_load %arg6[%get3A_370, %get3A_371] {strides = array<i32>} : memref<64x256xf32, #tpu.memory_space<vmem>>, vector<1x16xf32>,
      %get3A_373 = vector.shape_cast %get3A_372 : vector<1x16xf32> to vector<16xf32>
      %add3A_374 = arith.addf %add3A_292, %get3A_373 : vector<16xf32>
      %get3A_375 = arith.index_cast %scan3A_299 : i32 to index
      %get3A_376 = arith.constant 240 : index
      %get3A_377 = tpu.vector_load %arg6[%get3A_375, %get3A_376] {strides = array<i32>} : memref<64x256xf32, #tpu.memory_space<vmem>>, vector<1x16xf32>,
      %get3A_378 = vector.shape_cast %get3A_377 : vector<1x16xf32> to vector<16xf32>
      %add3A_379 = arith.addf %add3A_297, %get3A_378 : vector<16xf32>
      scf.yield %add3A_304, %add3A_309, %add3A_314, %add3A_319, %add3A_324, %add3A_329, %add3A_334, %add3A_339, %add3A_344, %add3A_349, %add3A_354, %add3A_359, %add3A_364, %add3A_369, %add3A_374, %add3A_379 : vector<16xf32>, vector<16xf32>, vector<16xf32>, vector<16xf32>, vector<16xf32>, vector<16xf32>, vector<16xf32>, vector<16xf32>, vector<16xf32>, vector<16xf32>, vector<16xf32>, vector<16xf32>, vector<16xf32>, vector<16xf32>, vector<16xf32>, vector<16xf32>
    }
    %scan3A_126 = arith.constant 64 : i32
    %dma_wait3A_127 = arith.constant 4032 : i32
    %dma_wait3A_128 = tpu.memref_slice %arg2[%select_n3A, %dma_wait3A_127, %mul3A_32] : memref<4x8192x2048xf32, #tpu.memory_space<hbm>> -> memref<1x64x256xf32, #tpu.memory_space<hbm>>
    %dma_wait3A_129 = tpu.memref_squeeze %dma_wait3A_128 : memref<1x64x256xf32, #tpu.memory_space<hbm>> -> memref<64x256xf32, #tpu.memory_space<hbm>>
    %dma_wait3A_130 = arith.constant 4032 : i32
    %dma_wait3A_131 = tpu.memref_slice %arg2[%select_n3A, %dma_wait3A_130, %mul3A_32] : memref<4x8192x2048xf32, #tpu.memory_space<hbm>> -> memref<1x64x256xf32, #tpu.memory_space<hbm>>
    %dma_wait3A_132 = tpu.memref_squeeze %dma_wait3A_131 : memref<1x64x256xf32, #tpu.memory_space<hbm>> -> memref<64x256xf32, #tpu.memory_space<hbm>>
    tpu.wait_dma2 semaphore(%arg12 : memref<!tpu.dma_semaphore, #tpu.memory_space<semaphore_mem>>) src(%dma_wait3A_132 : memref<64x256xf32, #tpu.memory_space<hbm>>) dst(%arg7 : memref<64x256xf32, #tpu.memory_space<vmem>>)
    %scan3A_133 = arith.constant 0 : i32
    %scan3A_134 = arith.constant 64 : i32
    %scan3A_135 = arith.addi %scan3A_133, %scan3A_134 : i32
    %scan3A_136 = arith.constant 2 : i32
    %scan3A_137:16 = scf.for %scan3A_202 = %scan3A_133 to %scan3A_135 step %scan3A_136 iter_args(%scan3A_203 = %scan3A_125#0, %scan3A_204 = %scan3A_125#1, %scan3A_205 = %scan3A_125#2, %scan3A_206 = %scan3A_125#3, %scan3A_207 = %scan3A_125#4, %scan3A_208 = %scan3A_125#5, %scan3A_209 = %scan3A_125#6, %scan3A_210 = %scan3A_125#7, %scan3A_211 = %scan3A_125#8, %scan3A_212 = %scan3A_125#9, %scan3A_213 = %scan3A_125#10, %scan3A_214 = %scan3A_125#11, %scan3A_215 = %scan3A_125#12, %scan3A_216 = %scan3A_125#13, %scan3A_217 = %scan3A_125#14, %scan3A_218 = %scan3A_125#15) -> (vector<16xf32>, vector<16xf32>, vector<16xf32>, vector<16xf32>, vector<16xf32>, vector<16xf32>, vector<16xf32>, vector<16xf32>, vector<16xf32>, vector<16xf32>, vector<16xf32>, vector<16xf32>, vector<16xf32>, vector<16xf32>, vector<16xf32>, vector<16xf32>)  : i32 {
      %get3A = arith.index_cast %scan3A_202 : i32 to index
      %get3A_219 = arith.constant 0 : index
      %get3A_220 = tpu.vector_load %arg7[%get3A, %get3A_219] {strides = array<i32>} : memref<64x256xf32, #tpu.memory_space<vmem>>, vector<1x16xf32>,
      %get3A_221 = vector.shape_cast %get3A_220 : vector<1x16xf32> to vector<16xf32>
      %add3A_222 = arith.addf %scan3A_203, %get3A_221 : vector<16xf32>
      %get3A_223 = arith.index_cast %scan3A_202 : i32 to index
      %get3A_224 = arith.constant 16 : index
      %get3A_225 = tpu.vector_load %arg7[%get3A_223, %get3A_224] {strides = array<i32>} : memref<64x256xf32, #tpu.memory_space<vmem>>, vector<1x16xf32>,
      %get3A_226 = vector.shape_cast %get3A_225 : vector<1x16xf32> to vector<16xf32>
      %add3A_227 = arith.addf %scan3A_204, %get3A_226 : vector<16xf32>
      %get3A_228 = arith.index_cast %scan3A_202 : i32 to index
      %get3A_229 = arith.constant 32 : index
      %get3A_230 = tpu.vector_load %arg7[%get3A_228, %get3A_229] {strides = array<i32>} : memref<64x256xf32, #tpu.memory_space<vmem>>, vector<1x16xf32>,
      %get3A_231 = vector.shape_cast %get3A_230 : vector<1x16xf32> to vector<16xf32>
      %add3A_232 = arith.addf %scan3A_205, %get3A_231 : vector<16xf32>
      %get3A_233 = arith.index_cast %scan3A_202 : i32 to index
      %get3A_234 = arith.constant 48 : index
      %get3A_235 = tpu.vector_load %arg7[%get3A_233, %get3A_234] {strides = array<i32>} : memref<64x256xf32, #tpu.memory_space<vmem>>, vector<1x16xf32>,
      %get3A_236 = vector.shape_cast %get3A_235 : vector<1x16xf32> to vector<16xf32>
      %add3A_237 = arith.addf %scan3A_206, %get3A_236 : vector<16xf32>
      %get3A_238 = arith.index_cast %scan3A_202 : i32 to index
      %get3A_239 = arith.constant 64 : index
      %get3A_240 = tpu.vector_load %arg7[%get3A_238, %get3A_239] {strides = array<i32>} : memref<64x256xf32, #tpu.memory_space<vmem>>, vector<1x16xf32>,
      %get3A_241 = vector.shape_cast %get3A_240 : vector<1x16xf32> to vector<16xf32>
      %add3A_242 = arith.addf %scan3A_207, %get3A_241 : vector<16xf32>
      %get3A_243 = arith.index_cast %scan3A_202 : i32 to index
      %get3A_244 = arith.constant 80 : index
      %get3A_245 = tpu.vector_load %arg7[%get3A_243, %get3A_244] {strides = array<i32>} : memref<64x256xf32, #tpu.memory_space<vmem>>, vector<1x16xf32>,
      %get3A_246 = vector.shape_cast %get3A_245 : vector<1x16xf32> to vector<16xf32>
      %add3A_247 = arith.addf %scan3A_208, %get3A_246 : vector<16xf32>
      %get3A_248 = arith.index_cast %scan3A_202 : i32 to index
      %get3A_249 = arith.constant 96 : index
      %get3A_250 = tpu.vector_load %arg7[%get3A_248, %get3A_249] {strides = array<i32>} : memref<64x256xf32, #tpu.memory_space<vmem>>, vector<1x16xf32>,
      %get3A_251 = vector.shape_cast %get3A_250 : vector<1x16xf32> to vector<16xf32>
      %add3A_252 = arith.addf %scan3A_209, %get3A_251 : vector<16xf32>
      %get3A_253 = arith.index_cast %scan3A_202 : i32 to index
      %get3A_254 = arith.constant 112 : index
      %get3A_255 = tpu.vector_load %arg7[%get3A_253, %get3A_254] {strides = array<i32>} : memref<64x256xf32, #tpu.memory_space<vmem>>, vector<1x16xf32>,
      %get3A_256 = vector.shape_cast %get3A_255 : vector<1x16xf32> to vector<16xf32>
      %add3A_257 = arith.addf %scan3A_210, %get3A_256 : vector<16xf32>
      %get3A_258 = arith.index_cast %scan3A_202 : i32 to index
      %get3A_259 = arith.constant 128 : index
      %get3A_260 = tpu.vector_load %arg7[%get3A_258, %get3A_259] {strides = array<i32>} : memref<64x256xf32, #tpu.memory_space<vmem>>, vector<1x16xf32>,
      %get3A_261 = vector.shape_cast %get3A_260 : vector<1x16xf32> to vector<16xf32>
      %add3A_262 = arith.addf %scan3A_211, %get3A_261 : vector<16xf32>
      %get3A_263 = arith.index_cast %scan3A_202 : i32 to index
      %get3A_264 = arith.constant 144 : index
      %get3A_265 = tpu.vector_load %arg7[%get3A_263, %get3A_264] {strides = array<i32>} : memref<64x256xf32, #tpu.memory_space<vmem>>, vector<1x16xf32>,
      %get3A_266 = vector.shape_cast %get3A_265 : vector<1x16xf32> to vector<16xf32>
      %add3A_267 = arith.addf %scan3A_212, %get3A_266 : vector<16xf32>
      %get3A_268 = arith.index_cast %scan3A_202 : i32 to index
      %get3A_269 = arith.constant 160 : index
      %get3A_270 = tpu.vector_load %arg7[%get3A_268, %get3A_269] {strides = array<i32>} : memref<64x256xf32, #tpu.memory_space<vmem>>, vector<1x16xf32>,
      %get3A_271 = vector.shape_cast %get3A_270 : vector<1x16xf32> to vector<16xf32>
      %add3A_272 = arith.addf %scan3A_213, %get3A_271 : vector<16xf32>
      %get3A_273 = arith.index_cast %scan3A_202 : i32 to index
      %get3A_274 = arith.constant 176 : index
      %get3A_275 = tpu.vector_load %arg7[%get3A_273, %get3A_274] {strides = array<i32>} : memref<64x256xf32, #tpu.memory_space<vmem>>, vector<1x16xf32>,
      %get3A_276 = vector.shape_cast %get3A_275 : vector<1x16xf32> to vector<16xf32>
      %add3A_277 = arith.addf %scan3A_214, %get3A_276 : vector<16xf32>
      %get3A_278 = arith.index_cast %scan3A_202 : i32 to index
      %get3A_279 = arith.constant 192 : index
      %get3A_280 = tpu.vector_load %arg7[%get3A_278, %get3A_279] {strides = array<i32>} : memref<64x256xf32, #tpu.memory_space<vmem>>, vector<1x16xf32>,
      %get3A_281 = vector.shape_cast %get3A_280 : vector<1x16xf32> to vector<16xf32>
      %add3A_282 = arith.addf %scan3A_215, %get3A_281 : vector<16xf32>
      %get3A_283 = arith.index_cast %scan3A_202 : i32 to index
      %get3A_284 = arith.constant 208 : index
      %get3A_285 = tpu.vector_load %arg7[%get3A_283, %get3A_284] {strides = array<i32>} : memref<64x256xf32, #tpu.memory_space<vmem>>, vector<1x16xf32>,
      %get3A_286 = vector.shape_cast %get3A_285 : vector<1x16xf32> to vector<16xf32>
      %add3A_287 = arith.addf %scan3A_216, %get3A_286 : vector<16xf32>
      %get3A_288 = arith.index_cast %scan3A_202 : i32 to index
      %get3A_289 = arith.constant 224 : index
      %get3A_290 = tpu.vector_load %arg7[%get3A_288, %get3A_289] {strides = array<i32>} : memref<64x256xf32, #tpu.memory_space<vmem>>, vector<1x16xf32>,
      %get3A_291 = vector.shape_cast %get3A_290 : vector<1x16xf32> to vector<16xf32>
      %add3A_292 = arith.addf %scan3A_217, %get3A_291 : vector<16xf32>
      %get3A_293 = arith.index_cast %scan3A_202 : i32 to index
      %get3A_294 = arith.constant 240 : index
      %get3A_295 = tpu.vector_load %arg7[%get3A_293, %get3A_294] {strides = array<i32>} : memref<64x256xf32, #tpu.memory_space<vmem>>, vector<1x16xf32>,
      %get3A_296 = vector.shape_cast %get3A_295 : vector<1x16xf32> to vector<16xf32>
      %add3A_297 = arith.addf %scan3A_218, %get3A_296 : vector<16xf32>
      %scan3A_298 = arith.constant 1 : i32
      %scan3A_299 = arith.addi %scan3A_202, %scan3A_298 : i32
      %get3A_300 = arith.index_cast %scan3A_299 : i32 to index
      %get3A_301 = arith.constant 0 : index
      %get3A_302 = tpu.vector_load %arg7[%get3A_300, %get3A_301] {strides = array<i32>} : memref<64x256xf32, #tpu.memory_space<vmem>>, vector<1x16xf32>,
      %get3A_303 = vector.shape_cast %get3A_302 : vector<1x16xf32> to vector<16xf32>
      %add3A_304 = arith.addf %add3A_222, %get3A_303 : vector<16xf32>
      %get3A_305 = arith.index_cast %scan3A_299 : i32 to index
      %get3A_306 = arith.constant 16 : index
      %get3A_307 = tpu.vector_load %arg7[%get3A_305, %get3A_306] {strides = array<i32>} : memref<64x256xf32, #tpu.memory_space<vmem>>, vector<1x16xf32>,
      %get3A_308 = vector.shape_cast %get3A_307 : vector<1x16xf32> to vector<16xf32>
      %add3A_309 = arith.addf %add3A_227, %get3A_308 : vector<16xf32>
      %get3A_310 = arith.index_cast %scan3A_299 : i32 to index
      %get3A_311 = arith.constant 32 : index
      %get3A_312 = tpu.vector_load %arg7[%get3A_310, %get3A_311] {strides = array<i32>} : memref<64x256xf32, #tpu.memory_space<vmem>>, vector<1x16xf32>,
      %get3A_313 = vector.shape_cast %get3A_312 : vector<1x16xf32> to vector<16xf32>
      %add3A_314 = arith.addf %add3A_232, %get3A_313 : vector<16xf32>
      %get3A_315 = arith.index_cast %scan3A_299 : i32 to index
      %get3A_316 = arith.constant 48 : index
      %get3A_317 = tpu.vector_load %arg7[%get3A_315, %get3A_316] {strides = array<i32>} : memref<64x256xf32, #tpu.memory_space<vmem>>, vector<1x16xf32>,
      %get3A_318 = vector.shape_cast %get3A_317 : vector<1x16xf32> to vector<16xf32>
      %add3A_319 = arith.addf %add3A_237, %get3A_318 : vector<16xf32>
      %get3A_320 = arith.index_cast %scan3A_299 : i32 to index
      %get3A_321 = arith.constant 64 : index
      %get3A_322 = tpu.vector_load %arg7[%get3A_320, %get3A_321] {strides = array<i32>} : memref<64x256xf32, #tpu.memory_space<vmem>>, vector<1x16xf32>,
      %get3A_323 = vector.shape_cast %get3A_322 : vector<1x16xf32> to vector<16xf32>
      %add3A_324 = arith.addf %add3A_242, %get3A_323 : vector<16xf32>
      %get3A_325 = arith.index_cast %scan3A_299 : i32 to index
      %get3A_326 = arith.constant 80 : index
      %get3A_327 = tpu.vector_load %arg7[%get3A_325, %get3A_326] {strides = array<i32>} : memref<64x256xf32, #tpu.memory_space<vmem>>, vector<1x16xf32>,
      %get3A_328 = vector.shape_cast %get3A_327 : vector<1x16xf32> to vector<16xf32>
      %add3A_329 = arith.addf %add3A_247, %get3A_328 : vector<16xf32>
      %get3A_330 = arith.index_cast %scan3A_299 : i32 to index
      %get3A_331 = arith.constant 96 : index
      %get3A_332 = tpu.vector_load %arg7[%get3A_330, %get3A_331] {strides = array<i32>} : memref<64x256xf32, #tpu.memory_space<vmem>>, vector<1x16xf32>,
      %get3A_333 = vector.shape_cast %get3A_332 : vector<1x16xf32> to vector<16xf32>
      %add3A_334 = arith.addf %add3A_252, %get3A_333 : vector<16xf32>
      %get3A_335 = arith.index_cast %scan3A_299 : i32 to index
      %get3A_336 = arith.constant 112 : index
      %get3A_337 = tpu.vector_load %arg7[%get3A_335, %get3A_336] {strides = array<i32>} : memref<64x256xf32, #tpu.memory_space<vmem>>, vector<1x16xf32>,
      %get3A_338 = vector.shape_cast %get3A_337 : vector<1x16xf32> to vector<16xf32>
      %add3A_339 = arith.addf %add3A_257, %get3A_338 : vector<16xf32>
      %get3A_340 = arith.index_cast %scan3A_299 : i32 to index
      %get3A_341 = arith.constant 128 : index
      %get3A_342 = tpu.vector_load %arg7[%get3A_340, %get3A_341] {strides = array<i32>} : memref<64x256xf32, #tpu.memory_space<vmem>>, vector<1x16xf32>,
      %get3A_343 = vector.shape_cast %get3A_342 : vector<1x16xf32> to vector<16xf32>
      %add3A_344 = arith.addf %add3A_262, %get3A_343 : vector<16xf32>
      %get3A_345 = arith.index_cast %scan3A_299 : i32 to index
      %get3A_346 = arith.constant 144 : index
      %get3A_347 = tpu.vector_load %arg7[%get3A_345, %get3A_346] {strides = array<i32>} : memref<64x256xf32, #tpu.memory_space<vmem>>, vector<1x16xf32>,
      %get3A_348 = vector.shape_cast %get3A_347 : vector<1x16xf32> to vector<16xf32>
      %add3A_349 = arith.addf %add3A_267, %get3A_348 : vector<16xf32>
      %get3A_350 = arith.index_cast %scan3A_299 : i32 to index
      %get3A_351 = arith.constant 160 : index
      %get3A_352 = tpu.vector_load %arg7[%get3A_350, %get3A_351] {strides = array<i32>} : memref<64x256xf32, #tpu.memory_space<vmem>>, vector<1x16xf32>,
      %get3A_353 = vector.shape_cast %get3A_352 : vector<1x16xf32> to vector<16xf32>
      %add3A_354 = arith.addf %add3A_272, %get3A_353 : vector<16xf32>
      %get3A_355 = arith.index_cast %scan3A_299 : i32 to index
      %get3A_356 = arith.constant 176 : index
      %get3A_357 = tpu.vector_load %arg7[%get3A_355, %get3A_356] {strides = array<i32>} : memref<64x256xf32, #tpu.memory_space<vmem>>, vector<1x16xf32>,
      %get3A_358 = vector.shape_cast %get3A_357 : vector<1x16xf32> to vector<16xf32>
      %add3A_359 = arith.addf %add3A_277, %get3A_358 : vector<16xf32>
      %get3A_360 = arith.index_cast %scan3A_299 : i32 to index
      %get3A_361 = arith.constant 192 : index
      %get3A_362 = tpu.vector_load %arg7[%get3A_360, %get3A_361] {strides = array<i32>} : memref<64x256xf32, #tpu.memory_space<vmem>>, vector<1x16xf32>,
      %get3A_363 = vector.shape_cast %get3A_362 : vector<1x16xf32> to vector<16xf32>
      %add3A_364 = arith.addf %add3A_282, %get3A_363 : vector<16xf32>
      %get3A_365 = arith.index_cast %scan3A_299 : i32 to index
      %get3A_366 = arith.constant 208 : index
      %get3A_367 = tpu.vector_load %arg7[%get3A_365, %get3A_366] {strides = array<i32>} : memref<64x256xf32, #tpu.memory_space<vmem>>, vector<1x16xf32>,
      %get3A_368 = vector.shape_cast %get3A_367 : vector<1x16xf32> to vector<16xf32>
      %add3A_369 = arith.addf %add3A_287, %get3A_368 : vector<16xf32>
      %get3A_370 = arith.index_cast %scan3A_299 : i32 to index
      %get3A_371 = arith.constant 224 : index
      %get3A_372 = tpu.vector_load %arg7[%get3A_370, %get3A_371] {strides = array<i32>} : memref<64x256xf32, #tpu.memory_space<vmem>>, vector<1x16xf32>,
      %get3A_373 = vector.shape_cast %get3A_372 : vector<1x16xf32> to vector<16xf32>
      %add3A_374 = arith.addf %add3A_292, %get3A_373 : vector<16xf32>
      %get3A_375 = arith.index_cast %scan3A_299 : i32 to index
      %get3A_376 = arith.constant 240 : index
      %get3A_377 = tpu.vector_load %arg7[%get3A_375, %get3A_376] {strides = array<i32>} : memref<64x256xf32, #tpu.memory_space<vmem>>, vector<1x16xf32>,
      %get3A_378 = vector.shape_cast %get3A_377 : vector<1x16xf32> to vector<16xf32>
      %add3A_379 = arith.addf %add3A_297, %get3A_378 : vector<16xf32>
      scf.yield %add3A_304, %add3A_309, %add3A_314, %add3A_319, %add3A_324, %add3A_329, %add3A_334, %add3A_339, %add3A_344, %add3A_349, %add3A_354, %add3A_359, %add3A_364, %add3A_369, %add3A_374, %add3A_379 : vector<16xf32>, vector<16xf32>, vector<16xf32>, vector<16xf32>, vector<16xf32>, vector<16xf32>, vector<16xf32>, vector<16xf32>, vector<16xf32>, vector<16xf32>, vector<16xf32>, vector<16xf32>, vector<16xf32>, vector<16xf32>, vector<16xf32>, vector<16xf32>
    }
    %scan3A_138 = arith.constant 64 : i32
    %swap3A = arith.constant 0 : index
    %swap3A_139 = tpu.vector_load %arg8[%swap3A] {strides = array<i32>} : memref<256xf32, #tpu.memory_space<vmem>>, vector<16xf32>,
    %swap3A_140 = vector.shape_cast %swap3A_139 : vector<16xf32> to vector<16xf32>
    %swap3A_141 = vector.shape_cast %scan3A_137#0 : vector<16xf32> to vector<16xf32>
    tpu.vector_store %arg8[%swap3A], %swap3A_141 {strides = array<i32>} : memref<256xf32, #tpu.memory_space<vmem>>, vector<16xf32>,
    %swap3A_142 = arith.constant 16 : index
    %swap3A_143 = tpu.vector_load %arg8[%swap3A_142] {strides = array<i32>} : memref<256xf32, #tpu.memory_space<vmem>>, vector<16xf32>,
    %swap3A_144 = vector.shape_cast %swap3A_143 : vector<16xf32> to vector<16xf32>
    %swap3A_145 = vector.shape_cast %scan3A_137#1 : vector<16xf32> to vector<16xf32>
    tpu.vector_store %arg8[%swap3A_142], %swap3A_145 {strides = array<i32>} : memref<256xf32, #tpu.memory_space<vmem>>, vector<16xf32>,
    %swap3A_146 = arith.constant 32 : index
    %swap3A_147 = tpu.vector_load %arg8[%swap3A_146] {strides = array<i32>} : memref<256xf32, #tpu.memory_space<vmem>>, vector<16xf32>,
    %swap3A_148 = vector.shape_cast %swap3A_147 : vector<16xf32> to vector<16xf32>
    %swap3A_149 = vector.shape_cast %scan3A_137#2 : vector<16xf32> to vector<16xf32>
    tpu.vector_store %arg8[%swap3A_146], %swap3A_149 {strides = array<i32>} : memref<256xf32, #tpu.memory_space<vmem>>, vector<16xf32>,
    %swap3A_150 = arith.constant 48 : index
    %swap3A_151 = tpu.vector_load %arg8[%swap3A_150] {strides = array<i32>} : memref<256xf32, #tpu.memory_space<vmem>>, vector<16xf32>,
    %swap3A_152 = vector.shape_cast %swap3A_151 : vector<16xf32> to vector<16xf32>
    %swap3A_153 = vector.shape_cast %scan3A_137#3 : vector<16xf32> to vector<16xf32>
    tpu.vector_store %arg8[%swap3A_150], %swap3A_153 {strides = array<i32>} : memref<256xf32, #tpu.memory_space<vmem>>, vector<16xf32>,
    %swap3A_154 = arith.constant 64 : index
    %swap3A_155 = tpu.vector_load %arg8[%swap3A_154] {strides = array<i32>} : memref<256xf32, #tpu.memory_space<vmem>>, vector<16xf32>,
    %swap3A_156 = vector.shape_cast %swap3A_155 : vector<16xf32> to vector<16xf32>
    %swap3A_157 = vector.shape_cast %scan3A_137#4 : vector<16xf32> to vector<16xf32>
    tpu.vector_store %arg8[%swap3A_154], %swap3A_157 {strides = array<i32>} : memref<256xf32, #tpu.memory_space<vmem>>, vector<16xf32>,
    %swap3A_158 = arith.constant 80 : index
    %swap3A_159 = tpu.vector_load %arg8[%swap3A_158] {strides = array<i32>} : memref<256xf32, #tpu.memory_space<vmem>>, vector<16xf32>,
    %swap3A_160 = vector.shape_cast %swap3A_159 : vector<16xf32> to vector<16xf32>
    %swap3A_161 = vector.shape_cast %scan3A_137#5 : vector<16xf32> to vector<16xf32>
    tpu.vector_store %arg8[%swap3A_158], %swap3A_161 {strides = array<i32>} : memref<256xf32, #tpu.memory_space<vmem>>, vector<16xf32>,
    %swap3A_162 = arith.constant 96 : index
    %swap3A_163 = tpu.vector_load %arg8[%swap3A_162] {strides = array<i32>} : memref<256xf32, #tpu.memory_space<vmem>>, vector<16xf32>,
    %swap3A_164 = vector.shape_cast %swap3A_163 : vector<16xf32> to vector<16xf32>
    %swap3A_165 = vector.shape_cast %scan3A_137#6 : vector<16xf32> to vector<16xf32>
    tpu.vector_store %arg8[%swap3A_162], %swap3A_165 {strides = array<i32>} : memref<256xf32, #tpu.memory_space<vmem>>, vector<16xf32>,
    %swap3A_166 = arith.constant 112 : index
    %swap3A_167 = tpu.vector_load %arg8[%swap3A_166] {strides = array<i32>} : memref<256xf32, #tpu.memory_space<vmem>>, vector<16xf32>,
    %swap3A_168 = vector.shape_cast %swap3A_167 : vector<16xf32> to vector<16xf32>
    %swap3A_169 = vector.shape_cast %scan3A_137#7 : vector<16xf32> to vector<16xf32>
    tpu.vector_store %arg8[%swap3A_166], %swap3A_169 {strides = array<i32>} : memref<256xf32, #tpu.memory_space<vmem>>, vector<16xf32>,
    %swap3A_170 = arith.constant 128 : index
    %swap3A_171 = tpu.vector_load %arg8[%swap3A_170] {strides = array<i32>} : memref<256xf32, #tpu.memory_space<vmem>>, vector<16xf32>,
    %swap3A_172 = vector.shape_cast %swap3A_171 : vector<16xf32> to vector<16xf32>
    %swap3A_173 = vector.shape_cast %scan3A_137#8 : vector<16xf32> to vector<16xf32>
    tpu.vector_store %arg8[%swap3A_170], %swap3A_173 {strides = array<i32>} : memref<256xf32, #tpu.memory_space<vmem>>, vector<16xf32>,
    %swap3A_174 = arith.constant 144 : index
    %swap3A_175 = tpu.vector_load %arg8[%swap3A_174] {strides = array<i32>} : memref<256xf32, #tpu.memory_space<vmem>>, vector<16xf32>,
    %swap3A_176 = vector.shape_cast %swap3A_175 : vector<16xf32> to vector<16xf32>
    %swap3A_177 = vector.shape_cast %scan3A_137#9 : vector<16xf32> to vector<16xf32>
    tpu.vector_store %arg8[%swap3A_174], %swap3A_177 {strides = array<i32>} : memref<256xf32, #tpu.memory_space<vmem>>, vector<16xf32>,
    %swap3A_178 = arith.constant 160 : index
    %swap3A_179 = tpu.vector_load %arg8[%swap3A_178] {strides = array<i32>} : memref<256xf32, #tpu.memory_space<vmem>>, vector<16xf32>,
    %swap3A_180 = vector.shape_cast %swap3A_179 : vector<16xf32> to vector<16xf32>
    %swap3A_181 = vector.shape_cast %scan3A_137#10 : vector<16xf32> to vector<16xf32>
    tpu.vector_store %arg8[%swap3A_178], %swap3A_181 {strides = array<i32>} : memref<256xf32, #tpu.memory_space<vmem>>, vector<16xf32>,
    %swap3A_182 = arith.constant 176 : index
    %swap3A_183 = tpu.vector_load %arg8[%swap3A_182] {strides = array<i32>} : memref<256xf32, #tpu.memory_space<vmem>>, vector<16xf32>,
    %swap3A_184 = vector.shape_cast %swap3A_183 : vector<16xf32> to vector<16xf32>
    %swap3A_185 = vector.shape_cast %scan3A_137#11 : vector<16xf32> to vector<16xf32>
    tpu.vector_store %arg8[%swap3A_182], %swap3A_185 {strides = array<i32>} : memref<256xf32, #tpu.memory_space<vmem>>, vector<16xf32>,
    %swap3A_186 = arith.constant 192 : index
    %swap3A_187 = tpu.vector_load %arg8[%swap3A_186] {strides = array<i32>} : memref<256xf32, #tpu.memory_space<vmem>>, vector<16xf32>,
    %swap3A_188 = vector.shape_cast %swap3A_187 : vector<16xf32> to vector<16xf32>
    %swap3A_189 = vector.shape_cast %scan3A_137#12 : vector<16xf32> to vector<16xf32>
    tpu.vector_store %arg8[%swap3A_186], %swap3A_189 {strides = array<i32>} : memref<256xf32, #tpu.memory_space<vmem>>, vector<16xf32>,
    %swap3A_190 = arith.constant 208 : index
    %swap3A_191 = tpu.vector_load %arg8[%swap3A_190] {strides = array<i32>} : memref<256xf32, #tpu.memory_space<vmem>>, vector<16xf32>,
    %swap3A_192 = vector.shape_cast %swap3A_191 : vector<16xf32> to vector<16xf32>
    %swap3A_193 = vector.shape_cast %scan3A_137#13 : vector<16xf32> to vector<16xf32>
    tpu.vector_store %arg8[%swap3A_190], %swap3A_193 {strides = array<i32>} : memref<256xf32, #tpu.memory_space<vmem>>, vector<16xf32>,
    %swap3A_194 = arith.constant 224 : index
    %swap3A_195 = tpu.vector_load %arg8[%swap3A_194] {strides = array<i32>} : memref<256xf32, #tpu.memory_space<vmem>>, vector<16xf32>,
    %swap3A_196 = vector.shape_cast %swap3A_195 : vector<16xf32> to vector<16xf32>
    %swap3A_197 = vector.shape_cast %scan3A_137#14 : vector<16xf32> to vector<16xf32>
    tpu.vector_store %arg8[%swap3A_194], %swap3A_197 {strides = array<i32>} : memref<256xf32, #tpu.memory_space<vmem>>, vector<16xf32>,
    %swap3A_198 = arith.constant 240 : index
    %swap3A_199 = tpu.vector_load %arg8[%swap3A_198] {strides = array<i32>} : memref<256xf32, #tpu.memory_space<vmem>>, vector<16xf32>,
    %swap3A_200 = vector.shape_cast %swap3A_199 : vector<16xf32> to vector<16xf32>
    %swap3A_201 = vector.shape_cast %scan3A_137#15 : vector<16xf32> to vector<16xf32>
    tpu.vector_store %arg8[%swap3A_198], %swap3A_201 {strides = array<i32>} : memref<256xf32, #tpu.memory_space<vmem>>, vector<16xf32>,
    "tpu.region"() ({
      %run_scoped3A = tpu.sem_alloc : memref<!tpu.dma_semaphore, #tpu.memory_space<semaphore_mem>>
      %dma_start3A_202 = tpu.memref_slice %arg3[%select_n3A, %mul3A_32] : memref<4x2048xf32, #tpu.memory_space<hbm>> -> memref<1x256xf32, #tpu.memory_space<hbm>>
      %dma_start3A_203 = tpu.memref_squeeze %dma_start3A_202 : memref<1x256xf32, #tpu.memory_space<hbm>> -> memref<256xf32, #tpu.memory_space<hbm>>
      %dma_start3A_204 = tpu.memref_slice %arg3[%select_n3A, %mul3A_32] : memref<4x2048xf32, #tpu.memory_space<hbm>> -> memref<1x256xf32, #tpu.memory_space<hbm>>
      %dma_start3A_205 = tpu.memref_squeeze %dma_start3A_204 : memref<1x256xf32, #tpu.memory_space<hbm>> -> memref<256xf32, #tpu.memory_space<hbm>>
      tpu.enqueue_dma source(%arg8 : memref<256xf32, #tpu.memory_space<vmem>>) target(%dma_start3A_205 : memref<256xf32, #tpu.memory_space<hbm>>) target_semaphore(%run_scoped3A : memref<!tpu.dma_semaphore, #tpu.memory_space<semaphore_mem>>)
      %dma_wait3A_206 = tpu.memref_slice %arg3[%select_n3A, %mul3A_32] : memref<4x2048xf32, #tpu.memory_space<hbm>> -> memref<1x256xf32, #tpu.memory_space<hbm>>
      %dma_wait3A_207 = tpu.memref_squeeze %dma_wait3A_206 : memref<1x256xf32, #tpu.memory_space<hbm>> -> memref<256xf32, #tpu.memory_space<hbm>>
      %dma_wait3A_208 = tpu.memref_slice %arg3[%select_n3A, %mul3A_32] : memref<4x2048xf32, #tpu.memory_space<hbm>> -> memref<1x256xf32, #tpu.memory_space<hbm>>
      %dma_wait3A_209 = tpu.memref_squeeze %dma_wait3A_208 : memref<1x256xf32, #tpu.memory_space<hbm>> -> memref<256xf32, #tpu.memory_space<hbm>>
      tpu.wait_dma2 semaphore(%run_scoped3A : memref<!tpu.dma_semaphore, #tpu.memory_space<semaphore_mem>>) src(%arg8 : memref<256xf32, #tpu.memory_space<vmem>>) dst(%dma_wait3A_209 : memref<256xf32, #tpu.memory_space<hbm>>)
      tpu.yield
    }) : () -> ()
    return
  }
}

module attributes {stable_mosaic.version = 14 : i64} {
  func.func @_finish_body(%arg0: memref<4x2048xf32, #tpu.memory_space<vmem>>, %arg1: memref<4x2048xf32, #tpu.memory_space<vmem>>, %arg2: memref<64x2048xf32, #tpu.memory_space<vmem>>, %arg3: memref<4x64xf32, #tpu.memory_space<vmem>>) attributes {dimension_semantics = [], scalar_prefetch = 0 : i64, scratch_operands = 0 : i64, tpu.core_type = #tpu.core_type<tc>} {
    %get3A = arith.constant 0 : index
    %get3A_0 = arith.constant 0 : index
    %get3A_1 = vector.load %arg0[%get3A, %get3A_0] : memref<4x2048xf32, #tpu.memory_space<vmem>>, vector<4x2048xf32>
    %get3A_2 = arith.constant 0 : index
    %get3A_3 = arith.constant 0 : index
    %get3A_4 = vector.load %arg1[%get3A_2, %get3A_3] : memref<4x2048xf32, #tpu.memory_space<vmem>>, vector<4x2048xf32>
    %add3A = arith.addf %get3A_1, %get3A_4 : vector<4x2048xf32>
    %mul3A = arith.constant 1.22070313E-4 : f32
    %mul3A_5 = vector.broadcast %mul3A : f32 to vector<4x2048xf32>
    %mul3A_6 = arith.mulf %add3A, %mul3A_5 : vector<4x2048xf32>
    %get3A_7 = arith.constant 0 : index
    %get3A_8 = arith.constant 0 : index
    %get3A_9 = vector.load %arg2[%get3A_7, %get3A_8] : memref<64x2048xf32, #tpu.memory_space<vmem>>, vector<64x2048xf32>
    %dot_general3A = arith.constant dense<0.000000e+00> : vector<4x64xf32>
    %dot_general3A_10 = tpu.matmul %mul3A_6, %get3A_9, %dot_general3A {dimension_numbers = #tpu.dot_dimension_numbers<[1], [1], [0], [0], [0, 0, 1, 0], [], []>, transpose_lhs_hint = false} : vector<4x2048xf32>, vector<64x2048xf32>, vector<4x64xf32> -> vector<4x64xf32>
    %reduce_max3A = arith.constant dense<0xFF800000> : vector<4xf32>
    %reduce_max3A_11 = vector.multi_reduction <maximumf>, %dot_general3A_10, %reduce_max3A [1] : vector<4x64xf32> to vector<4xf32>
    %broadcast_in_dim3A = vector.shape_cast %reduce_max3A_11 : vector<4xf32> to vector<4x1xf32>
    %sub3A = vector.broadcast %broadcast_in_dim3A : vector<4x1xf32> to vector<4x64xf32>
    %sub3A_12 = arith.subf %dot_general3A_10, %sub3A : vector<4x64xf32>
    %exp3A = math.exp %sub3A_12 : vector<4x64xf32>
    %reduce_sum3A = arith.constant dense<0.000000e+00> : vector<4xf32>
    %reduce_sum3A_13 = vector.multi_reduction <add>, %exp3A, %reduce_sum3A [1] : vector<4x64xf32> to vector<4xf32>
    %broadcast_in_dim3A_14 = vector.shape_cast %reduce_sum3A_13 : vector<4xf32> to vector<4x1xf32>
    %div3A = vector.broadcast %broadcast_in_dim3A_14 : vector<4x1xf32> to vector<4x64xf32>
    %div3A_15 = arith.divf %exp3A, %div3A : vector<4x64xf32>
    %swap3A = arith.constant 0 : index
    %swap3A_16 = arith.constant 0 : index
    %swap3A_17 = vector.load %arg3[%swap3A, %swap3A_16] : memref<4x64xf32, #tpu.memory_space<vmem>>, vector<4x64xf32>
    tpu.vector_store %arg3[%swap3A, %swap3A_16], %div3A_15 {strides = array<i32>} : memref<4x64xf32, #tpu.memory_space<vmem>>, vector<4x64xf32>,
    return
  }
}

module attributes {stable_mosaic.version = 14 : i64} {
  func.func @_tc_reduce_body(%arg0: i32, %arg1: memref<4x512x2048xf32, #tpu.memory_space<vmem>>, %arg2: memref<4x2048xf32, #tpu.memory_space<vmem>>) attributes {dimension_semantics = [#tpu.dimension_semantics<arbitrary>], iteration_bounds = array<i64: 8>, scalar_prefetch = 0 : i64, scratch_operands = 0 : i64, tpu.core_type = #tpu.core_type<tc>, window_params = [{transform_indices = @transform_0, window_bounds = array<i64: 4, 512, 2048>}, {pipeline_mode = #tpu.pipeline_mode<synchronous>, transform_indices = @transform_1, window_bounds = array<i64: 4, 2048>}]} {
    %eq3A = arith.constant 0 : i32
    %eq3A_0 = arith.cmpi eq, %arg0, %eq3A : i32
    %convert_element_type3A = arith.extui %eq3A_0 : i1 to i32
    %cond3A = arith.constant 0 : i32
    %cond3A_1 = arith.cmpi ne, %convert_element_type3A, %cond3A : i32
    scf.if %cond3A_1 {
      %broadcast_in_dim3A = arith.constant 0.000000e+00 : f32
      %broadcast_in_dim3A_11 = vector.broadcast %broadcast_in_dim3A : f32 to vector<4x2048xf32>
      %swap3A_12 = arith.constant 0 : index
      %swap3A_13 = arith.constant 0 : index
      %swap3A_14 = vector.load %arg2[%swap3A_12, %swap3A_13] : memref<4x2048xf32, #tpu.memory_space<vmem>>, vector<4x2048xf32>
      tpu.vector_store %arg2[%swap3A_12, %swap3A_13], %broadcast_in_dim3A_11 {strides = array<i32>} : memref<4x2048xf32, #tpu.memory_space<vmem>>, vector<4x2048xf32>,
    } else {
    }
    %get3A = arith.constant 0 : index
    %get3A_2 = arith.constant 0 : index
    %get3A_3 = vector.load %arg2[%get3A, %get3A_2] : memref<4x2048xf32, #tpu.memory_space<vmem>>, vector<4x2048xf32>
    %get3A_4 = arith.constant 0 : index
    %get3A_5 = arith.constant 0 : index
    %get3A_6 = arith.constant 0 : index
    %get3A_7 = vector.load %arg1[%get3A_4, %get3A_5, %get3A_6] : memref<4x512x2048xf32, #tpu.memory_space<vmem>>, vector<4x512x2048xf32>
    %reduce_sum3A = arith.constant dense<0.000000e+00> : vector<4x2048xf32>
    %reduce_sum3A_8 = vector.multi_reduction <add>, %get3A_7, %reduce_sum3A [1] : vector<4x512x2048xf32> to vector<4x2048xf32>
    %add3A = arith.addf %get3A_3, %reduce_sum3A_8 : vector<4x2048xf32>
    %swap3A = arith.constant 0 : index
    %swap3A_9 = arith.constant 0 : index
    %swap3A_10 = vector.load %arg2[%swap3A, %swap3A_9] : memref<4x2048xf32, #tpu.memory_space<vmem>>, vector<4x2048xf32>
    tpu.vector_store %arg2[%swap3A, %swap3A_9], %add3A {strides = array<i32>} : memref<4x2048xf32, #tpu.memory_space<vmem>>, vector<4x2048xf32>,
    return
  }
  func.func @transform_0(%arg0: i32) -> (i32, i32, i32) {
    %add3A = arith.constant 8 : i32
    %add3A_0 = arith.addi %add3A, %arg0 : i32
    %c0_i32 = arith.constant 0 : i32
    %c0_i32_1 = arith.constant 0 : i32
    %c0_i32_2 = arith.constant 0 : i32
    return %c0_i32, %add3A_0, %c0_i32_1 : i32, i32, i32
  }
  func.func @transform_1(%arg0: i32) -> (i32, i32) {
    %c0_i32 = arith.constant 0 : i32
    %c0_i32_0 = arith.constant 0 : i32
    %c0_i32_1 = arith.constant 0 : i32
    return %c0_i32, %c0_i32_0 : i32, i32
  }
}

</mosaic_0001>

<sc_bundles>
// kernel: kernel.5.cloned.1.call-start
scs
__scs_entry_jumppad:
0x0: {  	(pc) =	sbr.rel $0x88, $3  }
0x1: {  	(tag) =	ssettag $0x0;
	lr =	simm.s32 $0x1  }
0x2: {  	[smem:$0x3F9F] =	sst lr;
	_ =	strace $0xD0000000  }
0x3: {  	_ = 	snop  }
0x4: {  	_ = 	snop  }
0x5: {  	_ = 	snop  }
0x6: {  	_ = 	snop  }
0x7: {  	_ = 	snop  }
__scs_overlays_trampoline_lowered:
0x8: {  	[smem:$0x3FAE] =	sst s0  }
0x9: {  	[smem:$0x3FAF] =	sst s1  }
0xa: {  	[smem:$0x3FB0] =	sst s2  }
0xb: {  	[smem:$0x3FB1] =	sst s3  }
0xc: {  	[smem:$0x3FB2] =	sst s4  }
0xd: {  	[smem:$0x3FB3] =	sst s5  }
0xe: {  	[smem:$0x3FB4] =	sst s6  }
0xf: {  	[smem:$0x3FB5] =	sst s7  }
0x10: {  	[smem:$0x3FB6] =	sst s8  }
0x11: {  	[smem:$0x3FB7] =	sst s9;
	s0 =	simm.s32 @!p0 $0x0  }
0x12: {  	s1 =	sld [smem:$0x3F9D];
	s0 =	simm.s32 @p0 $0x1  }
0x13: {  	[smem:$0x3FB8] =	sst s0;
	s0 =	simm.s32 @!p1 $0x0  }
0x14: {  	s2 =	sld [smem:$0x3F9C];
	s0 =	simm.s32 @p1 $0x1  }
0x15: {  	[smem:$0x3FB9] =	sst s0;
	s0 =	simm.s32 @!p2 $0x0  }
0x16: {  	s3 =	sld [smem:$0x3FDB];
	s0 =	simm.s32 @p2 $0x1  }
0x17: {  	s4 =	simm.s32 $0x1BF5;
	[smem:$0x3FBB] =	sst s0  }
0x18: {  	s0 =	sld [smem:$0x3F9E];
	_ =	swait.ge [sflag:s4], $0x0  }
0x19: {  	s7 =	sld [smem:$0x3F9F]  }
0x1a: {  	s8 =	sadd.s32 $0xFFFFE003, lr  }
0x1b: {  	s9 =	sadd.s32 $0xFFFFFEF7, lr;
	s5 =	simm.s32 $0xFFFFFFFF;
	p2 =	slt.u32 s8, $0xFFFFF086  }
0x1c: {  	p1 =	slt.u32 s9, $0xF7A;
	s5 =	simm.s32 @!p2 $0x0  }
0x1d: {  	s5 =	simm.s32 @p1 $0x1;
	p0 =	seq.s32 s7, s2  }
0x1e: {  	s7 =	smul.u32 @!p0 $0xF7A, s2;
	p2 =	seq.s32 @!p0 s5, $0x0  }
0x1f: {  	s9 =	smul.u32 $0xF7A, s1;
	s8 =	simm.s32 @!p0 $0x1BF5;
	p2 =	por !p2, p0  }
0x20: {  	[sflag:s8] =	ssyncset.s32 @!p0 $0xFFFFF086;
	s6 =	sadd.s32 @!p0 s3, s7;
	s7 =	simm.s32 @!p0 $0x108  }
0x21: {  	s3 =	sadd.s32 s3, s9;
	s6 =	sadd.s32 @!p0 $0x88, s6;
	s7 =	simm.s32 @p2 $0x1082  }
0x22: {  	[simem:s7], [sflag:s8] =	dma.local @!p0 [hbm:s6], $0xF7A  }
0x23: {  	s9 =	sor.u32 $0xD0000000, s2;
	s6 =	simm.s32 $0x108;
	_ =	swait.ge @!p0 [sflag:s8], $0x0  }
0x24: {  	s3 =	sadd.s32 $0x88, s3;
	s6 =	simm.s32 @!p1 $0x1082;
	[sflag:s4] =	ssyncset.s32 $0xFFFFF086  }
0x25: {  	[simem:s6], [sflag:s4] =	dma.local [hbm:s3], $0xF7A  }
0x26: {  	[smem:$0x3F9F] =	sst s1;
	(tag) =	ssettag s2;
	_ =	strace s9  }
0x27: {  	s1 =	sld [smem:$0x3FAF]  }
0x28: {  	s2 =	sld [smem:$0x3FB0]  }
0x29: {  	s4 =	sld [smem:$0x3FB2]  }
0x2a: {  	p0 =	seq.s32 s5, $0x0;
	s5 =	sld [smem:$0x3FB3]  }
0x2b: {  	s6 =	sld [smem:$0x3FB4]  }
0x2c: {  	s7 =	sld [smem:$0x3FB5]  }
0x2d: {  	s3 =	simm.s32 $0x108;
	s8 =	sld [smem:$0x3FB6]  }
0x2e: {  	s3 =	simm.s32 @!p0 $0x1082;
	s9 =	sld [smem:$0x3FB7]  }
0x2f: {  	lr =	sadd.s32 s0, s3;
	s0 =	sld [smem:$0x3FAE]  }
0x30: {  	s3 =	sld [smem:$0x3FB1]  }
0x31: {  	[smem:$0x3FBA] =	sst s10  }
0x32: {  	s10 =	sld [smem:$0x3FB8];
	_ =	sdelay $0x3  }
0x33: {  	p0 =	seq.s32 s10, $0x1;
	s10 =	sld [smem:$0x3FBA];
	_ =	sdelay $0x3  }
0x34: {  	[smem:$0x3FBA] =	sst s10  }
0x35: {  	s10 =	sld [smem:$0x3FB9];
	_ =	sdelay $0x3  }
0x36: {  	p1 =	seq.s32 s10, $0x1;
	s10 =	sld [smem:$0x3FBA];
	_ =	sdelay $0x3  }
0x37: {  	[smem:$0x3FBA] =	sst s10  }
0x38: {  	s10 =	sld [smem:$0x3FBB]  }
0x39: {  	_ = 	snop;
	(pc) =	sbr.ind lr, $3  }
0x3a: {  	_ = 	snop  }
0x3b: {  	_ = 	snop  }
0x3c: {  	p2 =	seq.s32 s10, $0x1;
	s10 =	sld [smem:$0x3FBA]  }
0x3d: {  	_ =	shalt  }
0x3e: {  	_ =	shalt  }
0x3f: {  	_ =	shalt  }
0x40: {  	_ =	shalt  }
0x41: {  	_ =	shalt  }
0x42: {  	_ =	shalt  }
0x43: {  	_ =	shalt  }
0x44: {  	_ =	shalt  }
0x45: {  	_ =	shalt  }
0x46: {  	_ =	shalt  }
0x47: {  	_ =	shalt  }
0x48: {  	_ =	shalt  }
0x49: {  	_ =	shalt  }
0x4a: {  	_ =	shalt  }
0x4b: {  	_ =	shalt  }
0x4c: {  	_ =	shalt  }
0x4d: {  	_ =	shalt  }
0x4e: {  	_ =	shalt  }
0x4f: {  	_ =	shalt  }
0x50: {  	_ =	shalt  }
0x51: {  	_ =	shalt  }
0x52: {  	_ =	shalt  }
0x53: {  	_ =	shalt  }
0x54: {  	_ =	shalt  }
0x55: {  	_ =	shalt  }
0x56: {  	_ =	shalt  }
0x57: {  	_ =	shalt  }
0x58: {  	_ =	shalt  }
0x59: {  	_ =	shalt  }
0x5a: {  	_ =	shalt  }
0x5b: {  	_ =	shalt  }
0x5c: {  	_ =	shalt  }
0x5d: {  	_ =	shalt  }
0x5e: {  	_ =	shalt  }
0x5f: {  	_ =	shalt  }
0x60: {  	_ =	shalt  }
0x61: {  	_ =	shalt  }
0x62: {  	_ =	shalt  }
0x63: {  	_ =	shalt  }
0x64: {  	_ =	shalt  }
0x65: {  	_ =	shalt  }
0x66: {  	_ =	shalt  }
0x67: {  	_ =	shalt  }
0x68: {  	_ =	shalt  }
0x69: {  	_ =	shalt  }
0x6a: {  	_ =	shalt  }
0x6b: {  	_ =	shalt  }
0x6c: {  	_ =	shalt  }
0x6d: {  	_ =	shalt  }
0x6e: {  	_ =	shalt  }
0x6f: {  	_ =	shalt  }
0x70: {  	_ =	shalt  }
0x71: {  	_ =	shalt  }
0x72: {  	_ =	shalt  }
0x73: {  	_ =	shalt  }
0x74: {  	_ =	shalt  }
0x75: {  	_ =	shalt  }
0x76: {  	_ =	shalt  }
0x77: {  	_ =	shalt  }
0x78: {  	_ =	shalt  }
0x79: {  	_ =	shalt  }
0x7a: {  	_ =	shalt  }
0x7b: {  	_ =	shalt  }
0x7c: {  	_ =	shalt  }
0x7d: {  	_ =	shalt  }
0x7e: {  	_ =	shalt  }
0x7f: {  	_ =	shalt  }
0x80: {  	_ =	shalt  }
0x81: {  	_ =	shalt  }
0x82: {  	_ =	shalt  }
0x83: {  	_ =	shalt  }
0x84: {  	_ =	shalt  }
0x85: {  	_ =	shalt  }
0x86: {  	_ =	shalt  }
0x87: {  	_ =	shalt  }
.Lfunc_end0:
.L_simem_size_0:
called_computation_lowered:
.L_overlay_start_0:
0x88: {  	s2 =	sld [smem:$0x3FD9]  }
0x89: {  	s3 =	sld [smem:$0x3FFE];
	_ =	sdelay $0x1  }
0x8a: {  	s1 =	srdreg.scid  }
0x8b: {  	s0 =	sand.u32 $0x1, s1  }
0x8c: {  	s17 =	sshll.u32 s0, $0xA;
	s2 =	sadd.s32 s3, s2  }
0x8d: {  	s2 =	sadd.s32 s2, s17  }
0x8e: {  	[smem:$0x3FC6] =	sst s2  }
0x8f: {  	_ = 	snop  }
0x90: {  	s2 =	sld [smem:$0x3FC9];
	(tm) =	ssettm $0x1  }
0x91: {  	s18 =	sld [smem:$0x3FFB];
	_ =	sdelay $0x3  }
0x92: {  	_ =	strace s18  }
0x93: {  	s3 =	sld [smem:$0x3FFC];
	_ =	sdelay $0x3  }
0x94: {  	_ =	strace s3  }
0x95: {  	s3 =	sld [smem:$0x3FFD];
	_ =	sdelay $0x3  }
0x96: {  	_ =	strace s3  }
0x97: {  	_ =	strace $0x8FFFFFFF  }
0x98: {  	s19 =	sld [smem:$0x3FDB];
	_ =	sdelay $0x1  }
0x99: {  	s4 =	simm.s32 $_scs_section_size  }
0x9a: {  	s5 =	simm.s32 $_size__tile_overlayer_lowered;
	s6 =	simm.s32 $_tile_overlayer_lowered  }
0x9b: {  	s22 =	simm.s32 $0x1BFF;
	s21 =	sshll.u32 s6, $0x1;
	s3 =	sadd.s32 s4, s19  }
0x9c: {  	s7 =	simm.s32 $0x0;
	s20 =	sshll.u32 s5, $0x1;
	s5 =	sadd.s32 s21, s3  }
0x9d: {  	[timem:s7], [sflag:s22] =	dma.local [hbm:s5], s20  }
0x9e: {  	_ =	swait.ge [sflag:s22], s20  }
0x9f: {  	s4 =	ssub.s32 $0x0, s20;
	[sflag:s22] =	ssyncset.done $0x0  }
0xa0: {  	[sflag:s22] =	ssyncadd.s32 s4;
	_ =	sdelay $0x1  }
0xa1: {  	s23 =	simm.s32 $0x1B8B  }
0xa2: {  	_ =	swait.ge [sflag:s23], $0x1  }
0xa3: {  	[sflag:s23] =	ssyncset.done $0x0  }
0xa4: {  	s25 =	simm.s32 $0x1B8E;
	s24 =	sld [smem:$0x3FFE];
	[sflag:s23] =	ssyncadd.s32 $0xFFFFFFFF  }
0xa5: {  	s26 =	simm.s32 $execute0_lowered;
	[smem:$0x3FD2] =	sst s25  }
0xa6: {  	s5 =	sshll.u32 s26, $0x1;
	_ =	strace $0x80000046;
	[dreg:$0x1] =	wrdreg $0xFFFFFFFF  }
0xa7: {  	s28 =	simm.s32 $_size_execute0_lowered;
	s3 =	sadd.s32 s3, s5;
	[dreg:$0x0] =	wrdreg $0x0  }
0xa8: {  	s5 =	sshll.u32 s28, $0x1;
	[dreg:$0x2] =	wrdreg s3  }
0xa9: {  	[dreg:$0x3] =	wrdreg s5  }
0xaa: {  	[dreg:$0x4] =	wrdreg $0xC0  }
0xab: {  	_ =	task [dreg:s7], $0x5FFFF  }
0xac: {  	[dreg:$0x1] =	wrdreg $0xFFFFFFFF  }
0xad: {  	[dreg:$0x0] =	wrdreg $0x60  }
0xae: {  	[dreg:$0x2] =	wrdreg s2  }
0xaf: {  	[dreg:$0x3] =	wrdreg s24  }
0xb0: {  	[dreg:$0x4] =	wrdreg $0x9  }
0xb1: {  	_ =	task.clear_ibuf [dreg:s7], $0x5FFFF;
	_ =	strace $0x90000046  }
0xb2: {  	s29 =	simm.s32 $0x9;
	_ =	strace $0x80000048  }
0xb3: {  	_ =	swait.ge [sflag:s29], $0x1  }
0xb4: {  	[sflag:s29] =	ssyncadd.s32 $0xFFFFFFFF  }
0xb5: {  	_ =	strace $0x90000048  }
0xb6: {  	_ =	sfence  }
0xb7: {  	s30 =	sld [smem:$0x0];
	_ =	sdelay $0x2  }
0xb8: {  	s31 =	sshll.u32 s1, $0xD;
	s1 =	sshrl.u32 s1, $0x2  }
0xb9: {  	s3 =	sand.u32 $0x4000, s31;
	s1 =	sadd.s32 s1, s30  }
0xba: {  	s0 =	sor.u32 s3, s0;
	s1 =	sshll.u32 s1, $0x11  }
0xbb: {  	s0 =	sor.u32 s1, s0  }
0xbc: {  	s0 =	sadd.s32 $0x8F2B, s0  }
0xbd: {  	[sflag:s0] =	ssyncadd.remote.s32 $0x1  }
0xbe: {  	_ =	sfence.sel $0xFFFF  }
0xbf: {  	[dreg:$0x0] =	wrdreg $0xFFFFFFFF;
	(pc) =	sbr.abs _section_cstart, $3  }
0xc0: {  	[dreg:$0x1] =	wrdreg $0xFFFFFFFF  }
0xc1: {  	_ =	task.clear_ibuf [dreg:s7], $0x2FFFF;
	_ =	strace $0x9FFFFFFF  }
0xc2: {  	(tm) =	ssettm $0x7FFFFFFF  }
0xc3: {  	_ =	shalt  }
tec
execute0_lowered:
.L_overlay_start_1:
0x0: {  	(tag) =	ssettag $0x1  }
0x1: {  	s2 =	rddreg [dreg:$0x0];
	s5 =	stileid.u32  }
0x2: {  	s0 =	rddreg [dreg:$0x1];
	s1 =	srdreg.scid;
	s14 =	simm.s32 $0x800  }
0x3: {  	s15 =	simm.s32 $0x4000;
	s16 =	simm.s32 $0x8000;
	s17 =	simm.s32 $0xC000  }
0x4: {  	s18 =	simm.s32 $0x1;
	s19 =	simm.s32 $0x2;
	s20 =	simm.s32 $0x3  }
0x5: {  	s21 =	simm.s32 $0x4;
	s24 =	simm.s32 $0x10000;
	s25 =	simm.s32 $0x5  }
0x6: {  	s26 =	simm.s32 $0x0;
	s3 =	sshll.u32 s5, $0x1;
	s1 =	sand.u32 $0x1, s1  }
0x7: {  	s5 =	sshrl.u32 s5, $0x2;
	s4 =	sand.u32 $0x6, s3;
	s3 =	simm.s32 $0x0  }
0x8: {  	s29 =	sshll.u32 s5, $0x18;
	s30 =	sshll.u32 s5, $0x4;
	s6 =	sor.u32 s1, s4  }
0x9: {  	[smem:$0x7FF] =	sst s3;
	s1 =	ssub.s32 $0x2, s1;
	s0 =	sadd.s32 s30, s0  }
0xa: {  	s7 =	sshll.u32 s6, $0xB;
	_ =	strace $0x80000047;
	s31 =	sshrl.u32 s1, $0x1  }
0xb: {  	s12 =	sshll.u32 s6, $0x7;
	s11 =	sor.u32 s29, s7;
	s1 =	ssub.s32 s1, s31  }
0xc: {  	s0 =	sadd.s32 s12, s0;
	s7 =	sshrl.u32 s11, $0x3;
	s8 =	sor.u32 $0x80000, s11  }
0xd: {  	s9 =	sor.u32 $0xA0000, s11;
	s10 =	sor.u32 $0xC0000, s11;
	s11 =	sor.u32 $0xE0000, s11  }
0xe: {  	s12 =	sadd.s32 $0x800, s0;
	s13 =	smax.u32 s1, $0x1;
	s4 =	sadd.s32 s2, s7  }
0xf: {  	s5 =	sadd.s32 $0x4000, s4;
	s6 =	sadd.s32 $0x8000, s4;
	s7 =	sadd.s32 $0xC000, s4  }
.LBB2_1:
0x10: {  	[tilespmem:s3], [sflag:$0x1] =	stream.strided.gather [hbm4b:s4+s14], $0x4000, s15, s14, $0x38;
	[tilespmem:$0x10100] =	vst v63  }
0x11: {  	v0 =	vimm.f32 $0.0e+00  }
0x12: {  	v1 =	vimm.f32 $0.0e+00;
	v2 =	vimm.f32 $0.0e+00;
	v3 =	vimm.f32 $0.0e+00;
	[tilespmem:s15], [sflag:$0x2] =	stream.strided.gather [hbm4b:s5+s14], $0x4000, s15, s14, $0x38;
	[tilespmem:$0x10100] =	vst v63  }
0x13: {  	v4 =	vimm.f32 $0.0e+00;
	v5 =	vimm.f32 $0.0e+00;
	v20 =	vimm.f32 $0.0e+00  }
0x14: {  	v26 =	vimm.f32 $0.0e+00;
	v6 =	vimm.f32 $0.0e+00;
	v7 =	vimm.f32 $0.0e+00;
	[tilespmem:s16], [sflag:$0x3] =	stream.strided.gather [hbm4b:s6+s14], $0x4000, s15, s14, $0x38;
	[tilespmem:$0x10100] =	vst v63  }
0x15: {  	v8 =	vimm.f32 $0.0e+00;
	v9 =	vimm.f32 $0.0e+00;
	v10 =	vimm.f32 $0.0e+00;
	s28 =	simm.s32 $0x0  }
0x16: {  	v11 =	vimm.f32 $0.0e+00;
	v12 =	vimm.f32 $0.0e+00;
	v13 =	vimm.f32 $0.0e+00;
	[tilespmem:s17], [sflag:$0x4] =	stream.strided.gather [hbm4b:s7+s14], $0x4000, s15, s14, $0x38;
	[tilespmem:$0x10100] =	vst v63  }
.LBB2_2:
0x17: {  	_ =	swait.ge [sflag:s18], $0x4000;
	s0 =	simm.s32 $0x0  }
0x18: {  	[sflag:s18] =	ssyncset.done $0x0;
	s1 =	sand.u32 $0x3800, s0;
	s0 =	sand.u32 $0x300, s0  }
0x19: {  	[sflag:s18] =	ssyncadd.s32 $0xFFFFC000;
	s30 =	sor.u32 s0, s1  }
0x1a: {  	v14 =	vld [tilespmem:s30+$0x80]  }
0x1b: {  	v15 =	vld [tilespmem:s30+$0x90]  }
0x1c: {  	v22 =	vld [tilespmem:s30+$0xA0]  }
0x1d: {  	v24 =	vld [tilespmem:s30+$0xB0]  }
0x1e: {  	v28 =	vld [tilespmem:s30+$0xC0]  }
0x1f: {  	v31 =	vld [tilespmem:s30+$0xD0]  }
0x20: {  	v32 =	vld [tilespmem:s30+$0xE0]  }
0x21: {  	v33 =	vld [tilespmem:s30+$0xF0]  }
0x22: {  	v21 =	vld [tilespmem:s30+$0x480]  }
0x23: {  	v23 =	vld [tilespmem:s30+$0x490]  }
0x24: {  	v16 =	vld [tilespmem:s30+$0x4A0]  }
0x25: {  	v17 =	vld [tilespmem:s30+$0x4B0]  }
0x26: {  	v18 =	vld [tilespmem:s30+$0x4C0]  }
0x27: {  	v25 =	vld [tilespmem:s30+$0x0]  }
0x28: {  	v27 =	vld [tilespmem:s30+$0x10]  }
0x29: {  	v29 =	vld [tilespmem:s30+$0x20]  }
0x2a: {  	v30 =	vld [tilespmem:s30+$0x30]  }
0x2b: {  	v34 =	vld [tilespmem:s30+$0x40]  }
0x2c: {  	v36 =	vld [tilespmem:s30+$0x60]  }
0x2d: {  	v19 =	vld [tilespmem:s30+$0x4D0]  }
0x2e: {  	v35 =	vld [tilespmem:s30+$0x50]  }
0x2f: {  	v37 =	vld [tilespmem:s30+$0x400];
	v13 =	vadd.f32 v25, v13;
	v12 =	vadd.f32 v27, v12  }
0x30: {  	v25 =	vld [tilespmem:s30+$0x70];
	v27 =	vadd.f32 v29, v11;
	v30 =	vadd.f32 v30, v10  }
0x31: {  	v38 =	vld [tilespmem:s30+$0x410];
	v9 =	vadd.f32 v34, v9;
	v7 =	vadd.f32 v36, v7  }
0x32: {  	v29 =	vld [tilespmem:s30+$0x420];
	v10 =	vadd.f32 v14, v13;
	v11 =	vadd.f32 v15, v12  }
0x33: {  	v13 =	vadd.f32 v24, v30;
	v14 =	vadd.f32 v35, v8;
	v30 =	vld [tilespmem:s30+$0x430]  }
0x34: {  	v12 =	vadd.f32 v22, v27;
	v27 =	vld [tilespmem:s30+$0x450];
	v8 =	vadd.f32 v28, v9  }
0x35: {  	v28 =	vld [tilespmem:s30+$0x460];
	v9 =	vadd.f32 v31, v14;
	v6 =	vadd.f32 v25, v6  }
0x36: {  	v14 =	vadd.f32 v32, v7;
	v32 =	vadd.f32 v37, v26;
	v25 =	vld [tilespmem:s30+$0x440]  }
0x37: {  	s29 =	simm.s32 $0x0;
	s31 =	simm.s32 $0x100;
	s1 =	simm.s32 $0x200;
	v31 =	vld [tilespmem:s30+$0x470];
	v15 =	vadd.f32 v33, v6;
	v33 =	vadd.f32 v38, v20  }
.LBB2_3:
0x38: {  	s0 =	sand.u32 $0x3800, s1;
	s22 =	sand.u32 $0x300, s31;
	v5 =	vadd.f32 v29, v5;
	v4 =	vadd.f32 v30, v4;
	v6 =	vld [tilespmem:s30+$0x4E0]  }
0x39: {  	v7 =	vadd.f32 v21, v32;
	v20 =	vadd.f32 v23, v33;
	v21 =	vld [tilespmem:s30+$0x4F0];
	s30 =	sor.u32 s22, s0  }
0x3a: {  	v22 =	vld [tilespmem:s30+$0x80];
	v5 =	vadd.f32 v16, v5;
	v4 =	vadd.f32 v17, v4  }
0x3b: {  	v3 =	vadd.f32 v25, v3;
	v2 =	vadd.f32 v27, v2;
	v24 =	vld [tilespmem:s30+$0x90]  }
0x3c: {  	v1 =	vadd.f32 v28, v1;
	v25 =	vld [tilespmem:s30+$0xA0];
	v0 =	vadd.f32 v31, v0  }
0x3d: {  	v3 =	vadd.f32 v18, v3;
	v2 =	vadd.f32 v19, v2;
	v26 =	vld [tilespmem:s30+$0xB0]  }
0x3e: {  	v1 =	vadd.f32 v6, v1;
	v28 =	vld [tilespmem:s30+$0xC0];
	v0 =	vadd.f32 v21, v0  }
0x3f: {  	v6 =	vld [tilespmem:s30+$0xD0]  }
0x40: {  	v31 =	vld [tilespmem:s30+$0xE0]  }
0x41: {  	v32 =	vld [tilespmem:s30+$0xF0]  }
0x42: {  	v21 =	vld [tilespmem:s30+$0x480]  }
0x43: {  	v23 =	vld [tilespmem:s30+$0x490]  }
0x44: {  	v16 =	vld [tilespmem:s30+$0x4A0]  }
0x45: {  	v17 =	vld [tilespmem:s30+$0x4B0]  }
0x46: {  	v18 =	vld [tilespmem:s30+$0x4C0]  }
0x47: {  	v19 =	vld [tilespmem:s30+$0x4D0]  }
0x48: {  	v27 =	vld [tilespmem:s30+$0x0]  }
0x49: {  	v29 =	vld [tilespmem:s30+$0x10]  }
0x4a: {  	v30 =	vld [tilespmem:s30+$0x20]  }
0x4b: {  	v33 =	vld [tilespmem:s30+$0x30]  }
0x4c: {  	v34 =	vld [tilespmem:s30+$0x40]  }
0x4d: {  	v35 =	vld [tilespmem:s30+$0x50]  }
0x4e: {  	v36 =	vld [tilespmem:s30+$0x60]  }
0x4f: {  	v10 =	vadd.f32 v27, v10;
	v11 =	vadd.f32 v29, v11;
	v27 =	vld [tilespmem:s30+$0x70]  }
0x50: {  	v12 =	vadd.f32 v30, v12;
	v13 =	vadd.f32 v33, v13;
	v33 =	vld [tilespmem:s30+$0x400]  }
0x51: {  	s29 =	sadd.s32 $0x2, s29;
	v10 =	vadd.f32 v22, v10;
	v11 =	vadd.f32 v24, v11;
	v37 =	vld [tilespmem:s30+$0x410]  }
0x52: {  	p0 =	slt.u32 s29, $0x3E;
	v12 =	vadd.f32 v25, v12;
	v29 =	vld [tilespmem:s30+$0x420];
	v13 =	vadd.f32 v26, v13  }
.Ltmp0:
0x53: {  	v8 =	vadd.f32 v34, v8;
	v9 =	vadd.f32 v35, v9;
	v30 =	vld [tilespmem:s30+$0x430];
	(pc) =	sbr.rel @p0 .LBB2_3-.Ltmp0, $4  }
0x54: {  	v14 =	vadd.f32 v36, v14;
	v15 =	vadd.f32 v27, v15;
	v25 =	vld [tilespmem:s30+$0x440]  }
0x55: {  	v8 =	vadd.f32 v28, v8;
	v9 =	vadd.f32 v6, v9;
	v27 =	vld [tilespmem:s30+$0x450]  }
0x56: {  	v14 =	vadd.f32 v31, v14;
	v28 =	vld [tilespmem:s30+$0x460];
	v15 =	vadd.f32 v32, v15  }
0x57: {  	s31 =	sadd.s32 $0x100, s31;
	s1 =	sadd.s32 $0x200, s1;
	v32 =	vadd.f32 v33, v7;
	v33 =	vadd.f32 v37, v20;
	v31 =	vld [tilespmem:s30+$0x470]  }
0x58: {  	s29 =	sshll.u32 s28, $0x13  }
0x59: {  	s0 =	sadd.s32 s8, s29  }
0x5a: {  	s0 =	sshrl.u32 s0, $0x3  }
0x5b: {  	v34 =	vld [tilespmem:s30+$0x4E0];
	s1 =	simm.s32 $0x0;
	s0 =	sadd.s32 s2, s0  }
0x5c: {  	v35 =	vld [tilespmem:s30+$0x4F0];
	[tilespmem:s1], [sflag:$0x1] =	stream.strided.gather [hbm4b:s0+s14], $0x4000, s15, s14, $0x38  }
0x5d: {  	_ =	swait.ge [sflag:s19], $0x4000  }
0x5e: {  	s23 =	sand.u32 $0x3800, s1;
	s1 =	sand.u32 $0x300, s1;
	[sflag:s19] =	ssyncset.done $0x0  }
0x5f: {  	s30 =	sor.u32 s1, s23;
	[sflag:s19] =	ssyncadd.s32 $0xFFFFC000  }
0x60: {  	v36 =	vld [tilespmem:s30+$0x4080]  }
0x61: {  	v37 =	vld [tilespmem:s30+$0x4090]  }
0x62: {  	v38 =	vld [tilespmem:s30+$0x40A0]  }
0x63: {  	v39 =	vld [tilespmem:s30+$0x40B0]  }
0x64: {  	v40 =	vld [tilespmem:s30+$0x40C0]  }
0x65: {  	v41 =	vld [tilespmem:s30+$0x40D0]  }
0x66: {  	v42 =	vld [tilespmem:s30+$0x40E0]  }
0x67: {  	v43 =	vld [tilespmem:s30+$0x40F0]  }
0x68: {  	v24 =	vld [tilespmem:s30+$0x4480]  }
0x69: {  	v26 =	vld [tilespmem:s30+$0x4490]  }
0x6a: {  	v20 =	vld [tilespmem:s30+$0x44A0]  }
0x6b: {  	v22 =	vld [tilespmem:s30+$0x44B0]  }
0x6c: {  	v5 =	vadd.f32 v29, v5;
	v29 =	vld [tilespmem:s30+$0x4000]  }
0x6d: {  	v4 =	vadd.f32 v30, v4;
	v30 =	vld [tilespmem:s30+$0x4010]  }
0x6e: {  	v3 =	vadd.f32 v25, v3;
	v62 =	vld [tilespmem:s30+$0x4020]  }
0x6f: {  	v17 =	vadd.f32 v17, v4;
	v0 =	vadd.f32 v31, v0;
	v25 =	vld [tilespmem:s30+$0x4030]  }
0x70: {  	v4 =	vadd.f32 v27, v2;
	v2 =	vadd.f32 v18, v3;
	v18 =	vld [tilespmem:s30+$0x4050]  }
0x71: {  	v16 =	vadd.f32 v16, v5;
	v5 =	vadd.f32 v35, v0;
	v0 =	vld [tilespmem:s30+$0x4060]  }
0x72: {  	v1 =	vadd.f32 v28, v1;
	v3 =	vadd.f32 v19, v4;
	v19 =	vld [tilespmem:s30+$0x4070]  }
0x73: {  	v21 =	vadd.f32 v21, v32;
	v63 =	vld [tilespmem:s30+$0x4410]  }
0x74: {  	v23 =	vadd.f32 v23, v33;
	v4 =	vadd.f32 v34, v1;
	v6 =	vld [tilespmem:s30+$0x44C0]  }
0x75: {  	v7 =	vld [tilespmem:s30+$0x44D0];
	v1 =	vadd.f32 v29, v10;
	v11 =	vadd.f32 v30, v11  }
0x76: {  	v27 =	vld [tilespmem:s30+$0x4040];
	v12 =	vadd.f32 v62, v12;
	v13 =	vadd.f32 v25, v13  }
0x77: {  	v31 =	vld [tilespmem:s30+$0x4420];
	v9 =	vadd.f32 v18, v9;
	v0 =	vadd.f32 v0, v14  }
0x78: {  	v25 =	vld [tilespmem:s30+$0x4400];
	v14 =	vadd.f32 v19, v15;
	v15 =	vadd.f32 v63, v23  }
0x79: {  	v32 =	vld [tilespmem:s30+$0x4430];
	v10 =	vadd.f32 v36, v1;
	v11 =	vadd.f32 v37, v11  }
0x7a: {  	v28 =	vld [tilespmem:s30+$0x4440];
	v12 =	vadd.f32 v38, v12;
	v13 =	vadd.f32 v39, v13  }
0x7b: {  	v33 =	vld [tilespmem:s30+$0x4470];
	v1 =	vadd.f32 v27, v8;
	v9 =	vadd.f32 v41, v9  }
0x7c: {  	v29 =	vld [tilespmem:s30+$0x4450];
	v18 =	vadd.f32 v42, v0;
	v19 =	vadd.f32 v43, v14  }
0x7d: {  	s31 =	simm.s32 $0x0;
	s0 =	simm.s32 $0x200;
	s1 =	simm.s32 $0x100;
	v30 =	vld [tilespmem:s30+$0x4460];
	v8 =	vadd.f32 v40, v1;
	v14 =	vadd.f32 v25, v21  }
.LBB2_5:
0x7e: {  	s22 =	sand.u32 $0x3800, s0;
	s23 =	sand.u32 $0x300, s1;
	v0 =	vadd.f32 v31, v16;
	v1 =	vadd.f32 v32, v17;
	v21 =	vld [tilespmem:s30+$0x44E0]  }
0x7f: {  	v14 =	vadd.f32 v24, v14;
	v15 =	vadd.f32 v26, v15;
	v23 =	vld [tilespmem:s30+$0x44F0];
	s30 =	sor.u32 s23, s22  }
0x80: {  	v25 =	vld [tilespmem:s30+$0x4080];
	v16 =	vadd.f32 v20, v0;
	v17 =	vadd.f32 v22, v1  }
0x81: {  	v1 =	vadd.f32 v28, v2;
	v3 =	vadd.f32 v29, v3;
	v0 =	vld [tilespmem:s30+$0x4090]  }
0x82: {  	v4 =	vadd.f32 v30, v4;
	v27 =	vld [tilespmem:s30+$0x40A0];
	v5 =	vadd.f32 v33, v5  }
0x83: {  	v2 =	vadd.f32 v6, v1;
	v3 =	vadd.f32 v7, v3;
	v28 =	vld [tilespmem:s30+$0x40B0]  }
0x84: {  	v4 =	vadd.f32 v21, v4;
	v1 =	vld [tilespmem:s30+$0x40C0];
	v5 =	vadd.f32 v23, v5  }
0x85: {  	v21 =	vld [tilespmem:s30+$0x40D0]  }
0x86: {  	v23 =	vld [tilespmem:s30+$0x40E0]  }
0x87: {  	v33 =	vld [tilespmem:s30+$0x40F0]  }
0x88: {  	v24 =	vld [tilespmem:s30+$0x4480]  }
0x89: {  	v26 =	vld [tilespmem:s30+$0x4490]  }
0x8a: {  	v20 =	vld [tilespmem:s30+$0x44A0]  }
0x8b: {  	v22 =	vld [tilespmem:s30+$0x44B0]  }
0x8c: {  	v6 =	vld [tilespmem:s30+$0x44C0]  }
0x8d: {  	v7 =	vld [tilespmem:s30+$0x44D0]  }
0x8e: {  	v29 =	vld [tilespmem:s30+$0x4000]  }
0x8f: {  	v30 =	vld [tilespmem:s30+$0x4010]  }
0x90: {  	v31 =	vld [tilespmem:s30+$0x4020]  }
0x91: {  	v32 =	vld [tilespmem:s30+$0x4030]  }
0x92: {  	v34 =	vld [tilespmem:s30+$0x4040]  }
0x93: {  	v35 =	vld [tilespmem:s30+$0x4050]  }
0x94: {  	v36 =	vld [tilespmem:s30+$0x4060]  }
0x95: {  	v10 =	vadd.f32 v29, v10;
	v11 =	vadd.f32 v30, v11;
	v29 =	vld [tilespmem:s30+$0x4070]  }
0x96: {  	v12 =	vadd.f32 v31, v12;
	v13 =	vadd.f32 v32, v13;
	v37 =	vld [tilespmem:s30+$0x4400]  }
0x97: {  	s31 =	sadd.s32 $0x2, s31;
	v10 =	vadd.f32 v25, v10;
	v11 =	vadd.f32 v0, v11;
	v38 =	vld [tilespmem:s30+$0x4410]  }
0x98: {  	p0 =	slt.u32 s31, $0x3E;
	v12 =	vadd.f32 v27, v12;
	v31 =	vld [tilespmem:s30+$0x4420];
	v13 =	vadd.f32 v28, v13  }
.Ltmp1:
0x99: {  	v0 =	vadd.f32 v34, v8;
	v9 =	vadd.f32 v35, v9;
	v32 =	vld [tilespmem:s30+$0x4430];
	(pc) =	sbr.rel @p0 .LBB2_5-.Ltmp1, $4  }
0x9a: {  	v18 =	vadd.f32 v36, v18;
	v19 =	vadd.f32 v29, v19;
	v28 =	vld [tilespmem:s30+$0x4440]  }
0x9b: {  	v8 =	vadd.f32 v1, v0;
	v9 =	vadd.f32 v21, v9;
	v29 =	vld [tilespmem:s30+$0x4450]  }
0x9c: {  	v18 =	vadd.f32 v23, v18;
	v30 =	vld [tilespmem:s30+$0x4460];
	v19 =	vadd.f32 v33, v19  }
0x9d: {  	s1 =	sadd.s32 $0x100, s1;
	s0 =	sadd.s32 $0x200, s0;
	v14 =	vadd.f32 v37, v14;
	v15 =	vadd.f32 v38, v15;
	v33 =	vld [tilespmem:s30+$0x4470]  }
0x9e: {  	s0 =	sadd.s32 s9, s29  }
0x9f: {  	s0 =	sshrl.u32 s0, $0x3  }
0xa0: {  	v34 =	vld [tilespmem:s30+$0x44E0];
	s0 =	sadd.s32 s2, s0  }
0xa1: {  	v35 =	vld [tilespmem:s30+$0x44F0];
	[tilespmem:s15], [sflag:$0x2] =	stream.strided.gather [hbm4b:s0+s14], $0x4000, s15, s14, $0x38  }
0xa2: {  	s23 =	simm.s32 $0x0;
	_ =	swait.ge [sflag:s20], $0x4000  }
0xa3: {  	s1 =	sand.u32 $0x3800, s23;
	s0 =	sand.u32 $0x300, s23;
	[sflag:s20] =	ssyncset.done $0x0  }
0xa4: {  	s30 =	sor.u32 s0, s1;
	[sflag:s20] =	ssyncadd.s32 $0xFFFFC000  }
0xa5: {  	v36 =	vld [tilespmem:s30+$0x8080]  }
0xa6: {  	v37 =	vld [tilespmem:s30+$0x8090]  }
0xa7: {  	v38 =	vld [tilespmem:s30+$0x80A0]  }
0xa8: {  	v39 =	vld [tilespmem:s30+$0x80B0]  }
0xa9: {  	v40 =	vld [tilespmem:s30+$0x80C0]  }
0xaa: {  	v41 =	vld [tilespmem:s30+$0x80D0]  }
0xab: {  	v42 =	vld [tilespmem:s30+$0x80E0]  }
0xac: {  	v43 =	vld [tilespmem:s30+$0x80F0]  }
0xad: {  	v25 =	vld [tilespmem:s30+$0x8480]  }
0xae: {  	v27 =	vld [tilespmem:s30+$0x8490]  }
0xaf: {  	v21 =	vld [tilespmem:s30+$0x84A0]  }
0xb0: {  	v23 =	vld [tilespmem:s30+$0x84B0]  }
0xb1: {  	v16 =	vadd.f32 v31, v16;
	v31 =	vld [tilespmem:s30+$0x8000]  }
0xb2: {  	v17 =	vadd.f32 v32, v17;
	v44 =	vadd.f32 v26, v15;
	v26 =	vld [tilespmem:s30+$0x8010]  }
0xb3: {  	v24 =	vadd.f32 v24, v14;
	v14 =	vadd.f32 v20, v16;
	v16 =	vld [tilespmem:s30+$0x8020]  }
0xb4: {  	v15 =	vadd.f32 v22, v17;
	v17 =	vld [tilespmem:s30+$0x8030]  }
0xb5: {  	v20 =	vld [tilespmem:s30+$0x8040]  }
0xb6: {  	v2 =	vadd.f32 v28, v2;
	v3 =	vadd.f32 v29, v3;
	v22 =	vld [tilespmem:s30+$0x8050]  }
0xb7: {  	v4 =	vadd.f32 v30, v4;
	v5 =	vadd.f32 v33, v5;
	v28 =	vld [tilespmem:s30+$0x8060]  }
0xb8: {  	v2 =	vadd.f32 v6, v2;
	v3 =	vadd.f32 v7, v3;
	v63 =	vld [tilespmem:s30+$0x8410]  }
0xb9: {  	v4 =	vadd.f32 v34, v4;
	v5 =	vadd.f32 v35, v5;
	v0 =	vld [tilespmem:s30+$0x84C0]  }
0xba: {  	v1 =	vld [tilespmem:s30+$0x84D0];
	v6 =	vadd.f32 v31, v10;
	v7 =	vadd.f32 v26, v11  }
0xbb: {  	v26 =	vld [tilespmem:s30+$0x8070];
	v10 =	vadd.f32 v16, v12;
	v11 =	vadd.f32 v17, v13  }
0xbc: {  	v29 =	vld [tilespmem:s30+$0x8420];
	v8 =	vadd.f32 v20, v8;
	v9 =	vadd.f32 v22, v9  }
0xbd: {  	v31 =	vld [tilespmem:s30+$0x8400];
	v16 =	vadd.f32 v28, v18;
	v33 =	vadd.f32 v63, v44  }
0xbe: {  	v30 =	vld [tilespmem:s30+$0x8430];
	v6 =	vadd.f32 v36, v6;
	v7 =	vadd.f32 v37, v7  }
0xbf: {  	v12 =	vld [tilespmem:s30+$0x8440];
	v10 =	vadd.f32 v38, v10;
	v11 =	vadd.f32 v39, v11  }
0xc0: {  	v13 =	vld [tilespmem:s30+$0x8450];
	v8 =	vadd.f32 v40, v8;
	v17 =	vadd.f32 v26, v19  }
0xc1: {  	v9 =	vadd.f32 v41, v9;
	v16 =	vadd.f32 v42, v16;
	v26 =	vld [tilespmem:s30+$0x8460]  }
0xc2: {  	s31 =	simm.s32 $0x0;
	s1 =	simm.s32 $0x100;
	s0 =	simm.s32 $0x200;
	v32 =	vadd.f32 v31, v24;
	v31 =	vld [tilespmem:s30+$0x8470];
	v17 =	vadd.f32 v43, v17  }
.LBB2_7:
0xc3: {  	s22 =	sand.u32 $0x3800, s0;
	s23 =	sand.u32 $0x300, s1;
	v14 =	vadd.f32 v29, v14;
	v15 =	vadd.f32 v30, v15;
	v18 =	vld [tilespmem:s30+$0x84E0]  }
0xc4: {  	v19 =	vadd.f32 v25, v32;
	v20 =	vadd.f32 v27, v33;
	v22 =	vld [tilespmem:s30+$0x84F0];
	s30 =	sor.u32 s23, s22  }
0xc5: {  	v24 =	vld [tilespmem:s30+$0x8080];
	v14 =	vadd.f32 v21, v14;
	v15 =	vadd.f32 v23, v15  }
0xc6: {  	v2 =	vadd.f32 v12, v2;
	v3 =	vadd.f32 v13, v3;
	v28 =	vld [tilespmem:s30+$0x8090]  }
0xc7: {  	v4 =	vadd.f32 v26, v4;
	v12 =	vld [tilespmem:s30+$0x80A0];
	v5 =	vadd.f32 v31, v5  }
0xc8: {  	v2 =	vadd.f32 v0, v2;
	v3 =	vadd.f32 v1, v3;
	v13 =	vld [tilespmem:s30+$0x80B0]  }
0xc9: {  	v4 =	vadd.f32 v18, v4;
	v26 =	vld [tilespmem:s30+$0x80C0];
	v5 =	vadd.f32 v22, v5  }
0xca: {  	v18 =	vld [tilespmem:s30+$0x80D0]  }
0xcb: {  	v22 =	vld [tilespmem:s30+$0x80E0]  }
0xcc: {  	v31 =	vld [tilespmem:s30+$0x80F0]  }
0xcd: {  	v25 =	vld [tilespmem:s30+$0x8480]  }
0xce: {  	v27 =	vld [tilespmem:s30+$0x8490]  }
0xcf: {  	v21 =	vld [tilespmem:s30+$0x84A0]  }
0xd0: {  	v23 =	vld [tilespmem:s30+$0x84B0]  }
0xd1: {  	v0 =	vld [tilespmem:s30+$0x84C0]  }
0xd2: {  	v1 =	vld [tilespmem:s30+$0x84D0]  }
0xd3: {  	v29 =	vld [tilespmem:s30+$0x8000]  }
0xd4: {  	v30 =	vld [tilespmem:s30+$0x8010]  }
0xd5: {  	v32 =	vld [tilespmem:s30+$0x8020]  }
0xd6: {  	v33 =	vld [tilespmem:s30+$0x8030]  }
0xd7: {  	v34 =	vld [tilespmem:s30+$0x8040]  }
0xd8: {  	v35 =	vld [tilespmem:s30+$0x8050]  }
0xd9: {  	v36 =	vld [tilespmem:s30+$0x8060]  }
0xda: {  	v6 =	vadd.f32 v29, v6;
	v7 =	vadd.f32 v30, v7;
	v37 =	vld [tilespmem:s30+$0x8070]  }
0xdb: {  	v10 =	vadd.f32 v32, v10;
	v11 =	vadd.f32 v33, v11;
	v32 =	vld [tilespmem:s30+$0x8400]  }
0xdc: {  	s31 =	sadd.s32 $0x2, s31;
	v6 =	vadd.f32 v24, v6;
	v7 =	vadd.f32 v28, v7;
	v33 =	vld [tilespmem:s30+$0x8410]  }
0xdd: {  	p0 =	slt.u32 s31, $0x3E;
	v10 =	vadd.f32 v12, v10;
	v29 =	vld [tilespmem:s30+$0x8420];
	v11 =	vadd.f32 v13, v11  }
.Ltmp2:
0xde: {  	v8 =	vadd.f32 v34, v8;
	v9 =	vadd.f32 v35, v9;
	v30 =	vld [tilespmem:s30+$0x8430];
	(pc) =	sbr.rel @p0 .LBB2_7-.Ltmp2, $4  }
0xdf: {  	v16 =	vadd.f32 v36, v16;
	v17 =	vadd.f32 v37, v17;
	v12 =	vld [tilespmem:s30+$0x8440]  }
0xe0: {  	v8 =	vadd.f32 v26, v8;
	v9 =	vadd.f32 v18, v9;
	v13 =	vld [tilespmem:s30+$0x8450]  }
0xe1: {  	v16 =	vadd.f32 v22, v16;
	v26 =	vld [tilespmem:s30+$0x8460];
	v17 =	vadd.f32 v31, v17  }
0xe2: {  	s1 =	sadd.s32 $0x100, s1;
	s0 =	sadd.s32 $0x200, s0;
	v32 =	vadd.f32 v32, v19;
	v33 =	vadd.f32 v33, v20;
	v31 =	vld [tilespmem:s30+$0x8470]  }
0xe3: {  	s0 =	sadd.s32 s10, s29  }
0xe4: {  	s0 =	sshrl.u32 s0, $0x3  }
0xe5: {  	v34 =	vld [tilespmem:s30+$0x84E0];
	s0 =	sadd.s32 s2, s0  }
0xe6: {  	v35 =	vld [tilespmem:s30+$0x84F0];
	[tilespmem:s16], [sflag:$0x3] =	stream.strided.gather [hbm4b:s0+s14], $0x4000, s15, s14, $0x38  }
0xe7: {  	s23 =	simm.s32 $0x0;
	_ =	swait.ge [sflag:s21], $0x4000  }
0xe8: {  	s1 =	sand.u32 $0x3800, s23;
	s0 =	sand.u32 $0x300, s23;
	[sflag:s21] =	ssyncset.done $0x0  }
0xe9: {  	s30 =	sor.u32 s0, s1;
	[sflag:s21] =	ssyncadd.s32 $0xFFFFC000  }
0xea: {  	v36 =	vld [tilespmem:s30+$0xC080]  }
0xeb: {  	v37 =	vld [tilespmem:s30+$0xC090]  }
0xec: {  	v38 =	vld [tilespmem:s30+$0xC0A0]  }
0xed: {  	v39 =	vld [tilespmem:s30+$0xC0B0]  }
0xee: {  	v40 =	vld [tilespmem:s30+$0xC0C0]  }
0xef: {  	v41 =	vld [tilespmem:s30+$0xC0D0]  }
0xf0: {  	v42 =	vld [tilespmem:s30+$0xC0E0]  }
0xf1: {  	v43 =	vld [tilespmem:s30+$0xC0F0]  }
0xf2: {  	v20 =	vld [tilespmem:s30+$0xC480]  }
0xf3: {  	v28 =	vld [tilespmem:s30+$0xC490]  }
0xf4: {  	v22 =	vld [tilespmem:s30+$0xC4A0]  }
0xf5: {  	v24 =	vld [tilespmem:s30+$0xC4B0]  }
0xf6: {  	v18 =	vld [tilespmem:s30+$0xC4C0]  }
0xf7: {  	v19 =	vld [tilespmem:s30+$0xC4D0]  }
0xf8: {  	v14 =	vadd.f32 v29, v14;
	v15 =	vadd.f32 v30, v15;
	v29 =	vld [tilespmem:s30+$0xC000]  }
0xf9: {  	v25 =	vadd.f32 v25, v32;
	v27 =	vadd.f32 v27, v33;
	v30 =	vld [tilespmem:s30+$0xC010]  }
0xfa: {  	v2 =	vadd.f32 v12, v2;
	v14 =	vadd.f32 v21, v14;
	v21 =	vld [tilespmem:s30+$0xC020]  }
0xfb: {  	v15 =	vadd.f32 v23, v15;
	v3 =	vadd.f32 v13, v3;
	v12 =	vld [tilespmem:s30+$0xC030]  }
0xfc: {  	v4 =	vadd.f32 v26, v4;
	v5 =	vadd.f32 v31, v5;
	v23 =	vld [tilespmem:s30+$0xC040]  }
0xfd: {  	v0 =	vadd.f32 v0, v2;
	v1 =	vadd.f32 v1, v3;
	v26 =	vld [tilespmem:s30+$0xC050]  }
0xfe: {  	v2 =	vadd.f32 v34, v4;
	v3 =	vadd.f32 v35, v5;
	v31 =	vld [tilespmem:s30+$0xC060]  }
0xff: {  	v4 =	vadd.f32 v29, v6;
	v5 =	vadd.f32 v30, v7;
	v6 =	vld [tilespmem:s30+$0xC070]  }
0x100: {  	v7 =	vadd.f32 v21, v10;
	v10 =	vadd.f32 v12, v11;
	v29 =	vld [tilespmem:s30+$0xC400]  }
0x101: {  	v30 =	vld [tilespmem:s30+$0xC410];
	v13 =	vadd.f32 v36, v4;
	v12 =	vadd.f32 v37, v5  }
0x102: {  	v4 =	vld [tilespmem:s30+$0xC420];
	v11 =	vadd.f32 v38, v7;
	v7 =	vadd.f32 v23, v8  }
0x103: {  	v10 =	vadd.f32 v39, v10;
	v8 =	vadd.f32 v26, v9;
	v5 =	vld [tilespmem:s30+$0xC430]  }
0x104: {  	v21 =	vld [tilespmem:s30+$0xC460];
	v23 =	vadd.f32 v31, v16;
	v9 =	vadd.f32 v40, v7  }
0x105: {  	v16 =	vld [tilespmem:s30+$0xC440];
	v8 =	vadd.f32 v41, v8;
	v6 =	vadd.f32 v6, v17  }
0x106: {  	v7 =	vadd.f32 v42, v23;
	v17 =	vld [tilespmem:s30+$0xC450];
	v25 =	vadd.f32 v29, v25  }
0x107: {  	s31 =	simm.s32 $0x0;
	s1 =	simm.s32 $0x100;
	s0 =	simm.s32 $0x200;
	v23 =	vld [tilespmem:s30+$0xC470];
	v27 =	vadd.f32 v30, v27;
	v6 =	vadd.f32 v43, v6  }
.LBB2_9:
0x108: {  	s22 =	sand.u32 $0x3800, s0;
	s23 =	sand.u32 $0x300, s1;
	v4 =	vadd.f32 v4, v14;
	v5 =	vadd.f32 v5, v15;
	v26 =	vld [tilespmem:s30+$0xC4E0]  }
0x109: {  	v25 =	vadd.f32 v20, v25;
	v27 =	vadd.f32 v28, v27;
	v20 =	vld [tilespmem:s30+$0xC4F0];
	s30 =	sor.u32 s23, s22  }
0x10a: {  	v29 =	vld [tilespmem:s30+$0xC080];
	v14 =	vadd.f32 v22, v4;
	v15 =	vadd.f32 v24, v5  }
0x10b: {  	v0 =	vadd.f32 v16, v0;
	v1 =	vadd.f32 v17, v1;
	v4 =	vld [tilespmem:s30+$0xC090]  }
0x10c: {  	v2 =	vadd.f32 v21, v2;
	v5 =	vld [tilespmem:s30+$0xC0A0];
	v3 =	vadd.f32 v23, v3  }
0x10d: {  	v0 =	vadd.f32 v18, v0;
	v1 =	vadd.f32 v19, v1;
	v16 =	vld [tilespmem:s30+$0xC0B0]  }
0x10e: {  	v2 =	vadd.f32 v26, v2;
	v21 =	vld [tilespmem:s30+$0xC0C0];
	v3 =	vadd.f32 v20, v3  }
0x10f: {  	v23 =	vld [tilespmem:s30+$0xC0D0]  }
0x110: {  	v26 =	vld [tilespmem:s30+$0xC0E0]  }
0x111: {  	v30 =	vld [tilespmem:s30+$0xC0F0]  }
0x112: {  	v20 =	vld [tilespmem:s30+$0xC480]  }
0x113: {  	v28 =	vld [tilespmem:s30+$0xC490]  }
0x114: {  	v22 =	vld [tilespmem:s30+$0xC4A0]  }
0x115: {  	v24 =	vld [tilespmem:s30+$0xC4B0]  }
0x116: {  	v18 =	vld [tilespmem:s30+$0xC4C0]  }
0x117: {  	v19 =	vld [tilespmem:s30+$0xC4D0]  }
0x118: {  	v17 =	vld [tilespmem:s30+$0xC000]  }
0x119: {  	v31 =	vld [tilespmem:s30+$0xC010]  }
0x11a: {  	v32 =	vld [tilespmem:s30+$0xC020]  }
0x11b: {  	v33 =	vld [tilespmem:s30+$0xC030]  }
0x11c: {  	v34 =	vld [tilespmem:s30+$0xC040]  }
0x11d: {  	v35 =	vld [tilespmem:s30+$0xC050]  }
0x11e: {  	v36 =	vld [tilespmem:s30+$0xC060]  }
0x11f: {  	v13 =	vadd.f32 v17, v13;
	v12 =	vadd.f32 v31, v12;
	v17 =	vld [tilespmem:s30+$0xC070]  }
0x120: {  	v11 =	vadd.f32 v32, v11;
	v10 =	vadd.f32 v33, v10;
	v31 =	vld [tilespmem:s30+$0xC400]  }
0x121: {  	s31 =	sadd.s32 $0x2, s31;
	v13 =	vadd.f32 v29, v13;
	v12 =	vadd.f32 v4, v12;
	v32 =	vld [tilespmem:s30+$0xC410]  }
0x122: {  	p0 =	slt.u32 s31, $0x3E;
	v11 =	vadd.f32 v5, v11;
	v4 =	vld [tilespmem:s30+$0xC420];
	v10 =	vadd.f32 v16, v10  }
.Ltmp3:
0x123: {  	v9 =	vadd.f32 v34, v9;
	v8 =	vadd.f32 v35, v8;
	v5 =	vld [tilespmem:s30+$0xC430];
	(pc) =	sbr.rel @p0 .LBB2_9-.Ltmp3, $4  }
0x124: {  	v7 =	vadd.f32 v36, v7;
	v6 =	vadd.f32 v17, v6;
	v16 =	vld [tilespmem:s30+$0xC440]  }
0x125: {  	v9 =	vadd.f32 v21, v9;
	v8 =	vadd.f32 v23, v8;
	v17 =	vld [tilespmem:s30+$0xC450]  }
0x126: {  	v7 =	vadd.f32 v26, v7;
	v21 =	vld [tilespmem:s30+$0xC460];
	v6 =	vadd.f32 v30, v6  }
0x127: {  	s1 =	sadd.s32 $0x100, s1;
	s0 =	sadd.s32 $0x200, s0;
	v25 =	vadd.f32 v31, v25;
	v27 =	vadd.f32 v32, v27;
	v23 =	vld [tilespmem:s30+$0xC470]  }
0x128: {  	v4 =	vadd.f32 v4, v14;
	v14 =	vadd.f32 v5, v15;
	v15 =	vld [tilespmem:s30+$0xC4E0];
	s28 =	sadd.s32 $0x1, s28  }
0x129: {  	v26 =	vadd.f32 v20, v25;
	v20 =	vadd.f32 v28, v27;
	v25 =	vld [tilespmem:s30+$0xC4F0];
	p0 =	sne.s32 s28, $0xF  }
.Ltmp4:
0x12a: {  	v0 =	vadd.f32 v16, v0;
	v5 =	vadd.f32 v22, v4;
	(pc) =	sbr.rel @p0 .LBB2_2-.Ltmp4, $4  }
0x12b: {  	s0 =	sadd.s32 s11, s29;
	v4 =	vadd.f32 v24, v14;
	v1 =	vadd.f32 v17, v1  }
0x12c: {  	s0 =	sshrl.u32 s0, $0x3;
	v14 =	vadd.f32 v21, v2;
	v63 =	vadd.f32 v23, v3  }
0x12d: {  	s0 =	sadd.s32 s2, s0;
	v3 =	vadd.f32 v18, v0;
	v2 =	vadd.f32 v19, v1  }
0x12e: {  	[tilespmem:s17], [sflag:$0x4] =	stream.strided.gather [hbm4b:s0+s14], $0x4000, s15, s14, $0x38;
	v1 =	vadd.f32 v15, v14;
	v0 =	vadd.f32 v25, v63;
	[tilespmem:$0x10100] =	vst v63  }
0x12f: {  	_ =	swait.ge [sflag:s18], $0x4000;
	s0 =	simm.s32 $0x0  }
0x130: {  	[sflag:s18] =	ssyncset.done $0x0;
	s1 =	sand.u32 $0x3800, s0;
	s0 =	sand.u32 $0x300, s0  }
0x131: {  	[sflag:s18] =	ssyncadd.s32 $0xFFFFC000;
	s28 =	sor.u32 s0, s1  }
0x132: {  	v16 =	vld [tilespmem:s28+$0x80]  }
0x133: {  	v17 =	vld [tilespmem:s28+$0x90]  }
0x134: {  	v21 =	vld [tilespmem:s28+$0xA0]  }
0x135: {  	v22 =	vld [tilespmem:s28+$0xB0]  }
0x136: {  	v24 =	vld [tilespmem:s28+$0xC0]  }
0x137: {  	v29 =	vld [tilespmem:s28+$0xD0]  }
0x138: {  	v32 =	vld [tilespmem:s28+$0xE0]  }
0x139: {  	v33 =	vld [tilespmem:s28+$0xF0]  }
0x13a: {  	v23 =	vld [tilespmem:s28+$0x480]  }
0x13b: {  	v25 =	vld [tilespmem:s28+$0x490]  }
0x13c: {  	v14 =	vld [tilespmem:s28+$0x4A0]  }
0x13d: {  	v15 =	vld [tilespmem:s28+$0x4B0]  }
0x13e: {  	v18 =	vld [tilespmem:s28+$0x4C0]  }
0x13f: {  	v27 =	vld [tilespmem:s28+$0x0]  }
0x140: {  	v28 =	vld [tilespmem:s28+$0x10]  }
0x141: {  	v30 =	vld [tilespmem:s28+$0x20]  }
0x142: {  	v31 =	vld [tilespmem:s28+$0x30]  }
0x143: {  	v34 =	vld [tilespmem:s28+$0x40]  }
0x144: {  	v36 =	vld [tilespmem:s28+$0x60]  }
0x145: {  	v19 =	vld [tilespmem:s28+$0x4D0]  }
0x146: {  	v35 =	vld [tilespmem:s28+$0x50]  }
0x147: {  	v37 =	vld [tilespmem:s28+$0x400];
	v13 =	vadd.f32 v27, v13;
	v12 =	vadd.f32 v28, v12  }
0x148: {  	v27 =	vld [tilespmem:s28+$0x70];
	v28 =	vadd.f32 v30, v11;
	v31 =	vadd.f32 v31, v10  }
0x149: {  	v38 =	vld [tilespmem:s28+$0x410];
	v9 =	vadd.f32 v34, v9;
	v7 =	vadd.f32 v36, v7  }
0x14a: {  	v30 =	vld [tilespmem:s28+$0x420];
	v10 =	vadd.f32 v16, v13;
	v11 =	vadd.f32 v17, v12  }
0x14b: {  	v13 =	vadd.f32 v22, v31;
	v16 =	vadd.f32 v35, v8;
	v31 =	vld [tilespmem:s28+$0x430]  }
0x14c: {  	v12 =	vadd.f32 v21, v28;
	v28 =	vld [tilespmem:s28+$0x450];
	v8 =	vadd.f32 v24, v9  }
0x14d: {  	v9 =	vadd.f32 v29, v16;
	v29 =	vld [tilespmem:s28+$0x460];
	v6 =	vadd.f32 v27, v6  }
0x14e: {  	v16 =	vadd.f32 v32, v7;
	v32 =	vadd.f32 v37, v26;
	v27 =	vld [tilespmem:s28+$0x440]  }
0x14f: {  	s29 =	simm.s32 $0x0;
	s1 =	simm.s32 $0x100;
	s0 =	simm.s32 $0x200;
	v26 =	vld [tilespmem:s28+$0x470];
	v17 =	vadd.f32 v33, v6;
	v33 =	vadd.f32 v38, v20  }
.LBB2_12:
0x150: {  	s22 =	sand.u32 $0x3800, s0;
	s23 =	sand.u32 $0x300, s1;
	v5 =	vadd.f32 v30, v5;
	v4 =	vadd.f32 v31, v4;
	v6 =	vld [tilespmem:s28+$0x4E0]  }
0x151: {  	v7 =	vadd.f32 v23, v32;
	v20 =	vadd.f32 v25, v33;
	v21 =	vld [tilespmem:s28+$0x4F0];
	s28 =	sor.u32 s23, s22  }
0x152: {  	v22 =	vld [tilespmem:s28+$0x80];
	v5 =	vadd.f32 v14, v5;
	v4 =	vadd.f32 v15, v4  }
0x153: {  	v3 =	vadd.f32 v27, v3;
	v2 =	vadd.f32 v28, v2;
	v24 =	vld [tilespmem:s28+$0x90]  }
0x154: {  	v1 =	vadd.f32 v29, v1;
	v27 =	vld [tilespmem:s28+$0xA0];
	v0 =	vadd.f32 v26, v0  }
0x155: {  	v3 =	vadd.f32 v18, v3;
	v2 =	vadd.f32 v19, v2;
	v26 =	vld [tilespmem:s28+$0xB0]  }
0x156: {  	v1 =	vadd.f32 v6, v1;
	v29 =	vld [tilespmem:s28+$0xC0];
	v0 =	vadd.f32 v21, v0  }
0x157: {  	v6 =	vld [tilespmem:s28+$0xD0]  }
0x158: {  	v21 =	vld [tilespmem:s28+$0xE0]  }
0x159: {  	v32 =	vld [tilespmem:s28+$0xF0]  }
0x15a: {  	v23 =	vld [tilespmem:s28+$0x480]  }
0x15b: {  	v25 =	vld [tilespmem:s28+$0x490]  }
0x15c: {  	v14 =	vld [tilespmem:s28+$0x4A0]  }
0x15d: {  	v15 =	vld [tilespmem:s28+$0x4B0]  }
0x15e: {  	v18 =	vld [tilespmem:s28+$0x4C0]  }
0x15f: {  	v19 =	vld [tilespmem:s28+$0x4D0]  }
0x160: {  	v28 =	vld [tilespmem:s28+$0x0]  }
0x161: {  	v30 =	vld [tilespmem:s28+$0x10]  }
0x162: {  	v31 =	vld [tilespmem:s28+$0x20]  }
0x163: {  	v33 =	vld [tilespmem:s28+$0x30]  }
0x164: {  	v34 =	vld [tilespmem:s28+$0x40]  }
0x165: {  	v35 =	vld [tilespmem:s28+$0x50]  }
0x166: {  	v36 =	vld [tilespmem:s28+$0x60]  }
0x167: {  	v10 =	vadd.f32 v28, v10;
	v11 =	vadd.f32 v30, v11;
	v28 =	vld [tilespmem:s28+$0x70]  }
0x168: {  	v12 =	vadd.f32 v31, v12;
	v13 =	vadd.f32 v33, v13;
	v33 =	vld [tilespmem:s28+$0x400]  }
0x169: {  	s29 =	sadd.s32 $0x2, s29;
	v10 =	vadd.f32 v22, v10;
	v11 =	vadd.f32 v24, v11;
	v37 =	vld [tilespmem:s28+$0x410]  }
0x16a: {  	p0 =	slt.u32 s29, $0x3E;
	v12 =	vadd.f32 v27, v12;
	v30 =	vld [tilespmem:s28+$0x420];
	v13 =	vadd.f32 v26, v13  }
.Ltmp5:
0x16b: {  	v8 =	vadd.f32 v34, v8;
	v9 =	vadd.f32 v35, v9;
	v31 =	vld [tilespmem:s28+$0x430];
	(pc) =	sbr.rel @p0 .LBB2_12-.Ltmp5, $4  }
0x16c: {  	v16 =	vadd.f32 v36, v16;
	v17 =	vadd.f32 v28, v17;
	v27 =	vld [tilespmem:s28+$0x440]  }
0x16d: {  	v8 =	vadd.f32 v29, v8;
	v9 =	vadd.f32 v6, v9;
	v28 =	vld [tilespmem:s28+$0x450]  }
0x16e: {  	v16 =	vadd.f32 v21, v16;
	v29 =	vld [tilespmem:s28+$0x460];
	v17 =	vadd.f32 v32, v17  }
0x16f: {  	s1 =	sadd.s32 $0x100, s1;
	s0 =	sadd.s32 $0x200, s0;
	v32 =	vadd.f32 v33, v7;
	v33 =	vadd.f32 v37, v20;
	v26 =	vld [tilespmem:s28+$0x470]  }
0x170: {  	v34 =	vld [tilespmem:s28+$0x4E0]  }
0x171: {  	v35 =	vld [tilespmem:s28+$0x4F0];
	_ =	swait.ge [sflag:s19], $0x4000;
	s0 =	simm.s32 $0x0  }
0x172: {  	[sflag:s19] =	ssyncset.done $0x0;
	s1 =	sand.u32 $0x3800, s0;
	s0 =	sand.u32 $0x300, s0  }
0x173: {  	[sflag:s19] =	ssyncadd.s32 $0xFFFFC000;
	s28 =	sor.u32 s0, s1  }
0x174: {  	v36 =	vld [tilespmem:s28+$0x4080]  }
0x175: {  	v37 =	vld [tilespmem:s28+$0x4090]  }
0x176: {  	v38 =	vld [tilespmem:s28+$0x40A0]  }
0x177: {  	v39 =	vld [tilespmem:s28+$0x40B0]  }
0x178: {  	v40 =	vld [tilespmem:s28+$0x40C0]  }
0x179: {  	v41 =	vld [tilespmem:s28+$0x40D0]  }
0x17a: {  	v42 =	vld [tilespmem:s28+$0x40E0]  }
0x17b: {  	v43 =	vld [tilespmem:s28+$0x40F0]  }
0x17c: {  	v22 =	vld [tilespmem:s28+$0x4480]  }
0x17d: {  	v24 =	vld [tilespmem:s28+$0x4490]  }
0x17e: {  	v20 =	vld [tilespmem:s28+$0x44A0]  }
0x17f: {  	v21 =	vld [tilespmem:s28+$0x44B0]  }
0x180: {  	v6 =	vld [tilespmem:s28+$0x44C0]  }
0x181: {  	v5 =	vadd.f32 v30, v5;
	v30 =	vld [tilespmem:s28+$0x4000]  }
0x182: {  	v4 =	vadd.f32 v31, v4;
	v31 =	vld [tilespmem:s28+$0x4010]  }
0x183: {  	v23 =	vadd.f32 v23, v32;
	v3 =	vadd.f32 v27, v3;
	v62 =	vld [tilespmem:s28+$0x4020]  }
0x184: {  	v25 =	vadd.f32 v25, v33;
	v15 =	vadd.f32 v15, v4;
	v27 =	vld [tilespmem:s28+$0x4030]  }
0x185: {  	v4 =	vadd.f32 v28, v2;
	v2 =	vadd.f32 v18, v3;
	v18 =	vld [tilespmem:s28+$0x4050]  }
0x186: {  	v1 =	vadd.f32 v29, v1;
	v63 =	vld [tilespmem:s28+$0x4410];
	v0 =	vadd.f32 v26, v0  }
0x187: {  	v14 =	vadd.f32 v14, v5;
	v3 =	vadd.f32 v19, v4;
	v19 =	vld [tilespmem:s28+$0x4070]  }
0x188: {  	v7 =	vld [tilespmem:s28+$0x44D0];
	v4 =	vadd.f32 v34, v1;
	v5 =	vadd.f32 v35, v0  }
0x189: {  	v26 =	vld [tilespmem:s28+$0x4040];
	v1 =	vadd.f32 v30, v10;
	v11 =	vadd.f32 v31, v11  }
0x18a: {  	v0 =	vld [tilespmem:s28+$0x4060];
	v12 =	vadd.f32 v62, v12;
	v13 =	vadd.f32 v27, v13  }
0x18b: {  	v29 =	vld [tilespmem:s28+$0x4420];
	v9 =	vadd.f32 v18, v9;
	v33 =	vadd.f32 v63, v25  }
0x18c: {  	v31 =	vld [tilespmem:s28+$0x4400];
	v17 =	vadd.f32 v19, v17;
	v10 =	vadd.f32 v36, v1  }
0x18d: {  	v30 =	vld [tilespmem:s28+$0x4430];
	v11 =	vadd.f32 v37, v11;
	v12 =	vadd.f32 v38, v12  }
0x18e: {  	v28 =	vld [tilespmem:s28+$0x4460];
	v13 =	vadd.f32 v39, v13;
	v1 =	vadd.f32 v26, v8  }
0x18f: {  	v27 =	vld [tilespmem:s28+$0x4450];
	v9 =	vadd.f32 v41, v9;
	v0 =	vadd.f32 v0, v16  }
0x190: {  	v26 =	vld [tilespmem:s28+$0x4440];
	v17 =	vadd.f32 v43, v17;
	v8 =	vadd.f32 v40, v1  }
0x191: {  	s29 =	simm.s32 $0x0;
	s1 =	simm.s32 $0x100;
	s0 =	simm.s32 $0x200;
	v16 =	vadd.f32 v42, v0;
	v32 =	vadd.f32 v31, v23;
	v31 =	vld [tilespmem:s28+$0x4470]  }
.LBB2_14:
0x192: {  	s22 =	sand.u32 $0x3800, s0;
	s23 =	sand.u32 $0x300, s1;
	v0 =	vadd.f32 v29, v14;
	v1 =	vadd.f32 v30, v15;
	v18 =	vld [tilespmem:s28+$0x44E0]  }
0x193: {  	v19 =	vadd.f32 v22, v32;
	v23 =	vadd.f32 v24, v33;
	v22 =	vld [tilespmem:s28+$0x44F0];
	s28 =	sor.u32 s23, s22  }
0x194: {  	v25 =	vld [tilespmem:s28+$0x4080];
	v14 =	vadd.f32 v20, v0;
	v15 =	vadd.f32 v21, v1  }
0x195: {  	v1 =	vadd.f32 v26, v2;
	v3 =	vadd.f32 v27, v3;
	v0 =	vld [tilespmem:s28+$0x4090]  }
0x196: {  	v4 =	vadd.f32 v28, v4;
	v26 =	vld [tilespmem:s28+$0x40A0];
	v5 =	vadd.f32 v31, v5  }
0x197: {  	v2 =	vadd.f32 v6, v1;
	v3 =	vadd.f32 v7, v3;
	v27 =	vld [tilespmem:s28+$0x40B0]  }
0x198: {  	v4 =	vadd.f32 v18, v4;
	v1 =	vld [tilespmem:s28+$0x40C0];
	v5 =	vadd.f32 v22, v5  }
0x199: {  	v18 =	vld [tilespmem:s28+$0x40D0]  }
0x19a: {  	v31 =	vld [tilespmem:s28+$0x40E0]  }
0x19b: {  	v32 =	vld [tilespmem:s28+$0x40F0]  }
0x19c: {  	v22 =	vld [tilespmem:s28+$0x4480]  }
0x19d: {  	v24 =	vld [tilespmem:s28+$0x4490]  }
0x19e: {  	v20 =	vld [tilespmem:s28+$0x44A0]  }
0x19f: {  	v21 =	vld [tilespmem:s28+$0x44B0]  }
0x1a0: {  	v6 =	vld [tilespmem:s28+$0x44C0]  }
0x1a1: {  	v7 =	vld [tilespmem:s28+$0x44D0]  }
0x1a2: {  	v28 =	vld [tilespmem:s28+$0x4000]  }
0x1a3: {  	v29 =	vld [tilespmem:s28+$0x4010]  }
0x1a4: {  	v30 =	vld [tilespmem:s28+$0x4020]  }
0x1a5: {  	v33 =	vld [tilespmem:s28+$0x4030]  }
0x1a6: {  	v34 =	vld [tilespmem:s28+$0x4040]  }
0x1a7: {  	v35 =	vld [tilespmem:s28+$0x4050]  }
0x1a8: {  	v36 =	vld [tilespmem:s28+$0x4060]  }
0x1a9: {  	v10 =	vadd.f32 v28, v10;
	v11 =	vadd.f32 v29, v11;
	v28 =	vld [tilespmem:s28+$0x4070]  }
0x1aa: {  	v12 =	vadd.f32 v30, v12;
	v13 =	vadd.f32 v33, v13;
	v33 =	vld [tilespmem:s28+$0x4400]  }
0x1ab: {  	s29 =	sadd.s32 $0x2, s29;
	v10 =	vadd.f32 v25, v10;
	v11 =	vadd.f32 v0, v11;
	v37 =	vld [tilespmem:s28+$0x4410]  }
0x1ac: {  	p0 =	slt.u32 s29, $0x3E;
	v12 =	vadd.f32 v26, v12;
	v29 =	vld [tilespmem:s28+$0x4420];
	v13 =	vadd.f32 v27, v13  }
.Ltmp6:
0x1ad: {  	v0 =	vadd.f32 v34, v8;
	v9 =	vadd.f32 v35, v9;
	v30 =	vld [tilespmem:s28+$0x4430];
	(pc) =	sbr.rel @p0 .LBB2_14-.Ltmp6, $4  }
0x1ae: {  	v16 =	vadd.f32 v36, v16;
	v17 =	vadd.f32 v28, v17;
	v26 =	vld [tilespmem:s28+$0x4440]  }
0x1af: {  	v8 =	vadd.f32 v1, v0;
	v9 =	vadd.f32 v18, v9;
	v27 =	vld [tilespmem:s28+$0x4450]  }
0x1b0: {  	v16 =	vadd.f32 v31, v16;
	v28 =	vld [tilespmem:s28+$0x4460];
	v17 =	vadd.f32 v32, v17  }
0x1b1: {  	s1 =	sadd.s32 $0x100, s1;
	s0 =	sadd.s32 $0x200, s0;
	v32 =	vadd.f32 v33, v19;
	v33 =	vadd.f32 v37, v23;
	v31 =	vld [tilespmem:s28+$0x4470]  }
0x1b2: {  	v34 =	vld [tilespmem:s28+$0x44E0]  }
0x1b3: {  	v35 =	vld [tilespmem:s28+$0x44F0];
	_ =	swait.ge [sflag:s20], $0x4000;
	s0 =	simm.s32 $0x0  }
0x1b4: {  	[sflag:s20] =	ssyncset.done $0x0;
	s1 =	sand.u32 $0x3800, s0;
	s0 =	sand.u32 $0x300, s0  }
0x1b5: {  	[sflag:s20] =	ssyncadd.s32 $0xFFFFC000;
	s28 =	sor.u32 s0, s1  }
0x1b6: {  	v36 =	vld [tilespmem:s28+$0x8080]  }
0x1b7: {  	v37 =	vld [tilespmem:s28+$0x8090]  }
0x1b8: {  	v38 =	vld [tilespmem:s28+$0x80A0]  }
0x1b9: {  	v39 =	vld [tilespmem:s28+$0x80B0]  }
0x1ba: {  	v40 =	vld [tilespmem:s28+$0x80C0]  }
0x1bb: {  	v41 =	vld [tilespmem:s28+$0x80D0]  }
0x1bc: {  	v42 =	vld [tilespmem:s28+$0x80E0]  }
0x1bd: {  	v43 =	vld [tilespmem:s28+$0x80F0]  }
0x1be: {  	v23 =	vld [tilespmem:s28+$0x8480]  }
0x1bf: {  	v25 =	vld [tilespmem:s28+$0x8490]  }
0x1c0: {  	v18 =	vld [tilespmem:s28+$0x84A0]  }
0x1c1: {  	v19 =	vld [tilespmem:s28+$0x84B0]  }
0x1c2: {  	v14 =	vadd.f32 v29, v14;
	v29 =	vld [tilespmem:s28+$0x8000]  }
0x1c3: {  	v15 =	vadd.f32 v30, v15;
	v30 =	vld [tilespmem:s28+$0x8010]  }
0x1c4: {  	v14 =	vadd.f32 v20, v14;
	v20 =	vld [tilespmem:s28+$0x8020]  }
0x1c5: {  	v15 =	vadd.f32 v21, v15;
	v21 =	vld [tilespmem:s28+$0x8030]  }
0x1c6: {  	v22 =	vadd.f32 v22, v32;
	v2 =	vadd.f32 v26, v2;
	v26 =	vld [tilespmem:s28+$0x8040]  }
0x1c7: {  	v24 =	vadd.f32 v24, v33;
	v3 =	vadd.f32 v27, v3;
	v27 =	vld [tilespmem:s28+$0x8050]  }
0x1c8: {  	v4 =	vadd.f32 v28, v4;
	v28 =	vld [tilespmem:s28+$0x8060];
	v5 =	vadd.f32 v31, v5  }
0x1c9: {  	v2 =	vadd.f32 v6, v2;
	v3 =	vadd.f32 v7, v3;
	v31 =	vld [tilespmem:s28+$0x8070]  }
0x1ca: {  	v0 =	vld [tilespmem:s28+$0x84C0];
	v4 =	vadd.f32 v34, v4;
	v5 =	vadd.f32 v35, v5  }
0x1cb: {  	v1 =	vld [tilespmem:s28+$0x84D0];
	v6 =	vadd.f32 v29, v10;
	v7 =	vadd.f32 v30, v11  }
0x1cc: {  	v10 =	vadd.f32 v20, v12;
	v11 =	vadd.f32 v21, v13;
	v20 =	vld [tilespmem:s28+$0x8400]  }
0x1cd: {  	v21 =	vld [tilespmem:s28+$0x8410];
	v8 =	vadd.f32 v26, v8;
	v9 =	vadd.f32 v27, v9  }
0x1ce: {  	v29 =	vld [tilespmem:s28+$0x8420];
	v12 =	vadd.f32 v28, v16;
	v13 =	vadd.f32 v31, v17  }
0x1cf: {  	v30 =	vld [tilespmem:s28+$0x8430];
	v6 =	vadd.f32 v36, v6;
	v7 =	vadd.f32 v37, v7  }
0x1d0: {  	v26 =	vld [tilespmem:s28+$0x8440];
	v10 =	vadd.f32 v38, v10;
	v11 =	vadd.f32 v39, v11  }
0x1d1: {  	v27 =	vld [tilespmem:s28+$0x8450];
	v8 =	vadd.f32 v40, v8;
	v9 =	vadd.f32 v41, v9  }
0x1d2: {  	v28 =	vld [tilespmem:s28+$0x8460];
	v12 =	vadd.f32 v42, v12;
	v13 =	vadd.f32 v43, v13  }
0x1d3: {  	s29 =	simm.s32 $0x0;
	s1 =	simm.s32 $0x100;
	s0 =	simm.s32 $0x200;
	v31 =	vld [tilespmem:s28+$0x8470];
	v32 =	vadd.f32 v20, v22;
	v33 =	vadd.f32 v21, v24  }
.LBB2_16:
0x1d4: {  	s22 =	sand.u32 $0x3800, s0;
	s23 =	sand.u32 $0x300, s1;
	v14 =	vadd.f32 v29, v14;
	v15 =	vadd.f32 v30, v15;
	v16 =	vld [tilespmem:s28+$0x84E0]  }
0x1d5: {  	v17 =	vadd.f32 v23, v32;
	v20 =	vadd.f32 v25, v33;
	v21 =	vld [tilespmem:s28+$0x84F0];
	s28 =	sor.u32 s23, s22  }
0x1d6: {  	v22 =	vld [tilespmem:s28+$0x8080];
	v14 =	vadd.f32 v18, v14;
	v15 =	vadd.f32 v19, v15  }
0x1d7: {  	v2 =	vadd.f32 v26, v2;
	v3 =	vadd.f32 v27, v3;
	v24 =	vld [tilespmem:s28+$0x8090]  }
0x1d8: {  	v4 =	vadd.f32 v28, v4;
	v26 =	vld [tilespmem:s28+$0x80A0];
	v5 =	vadd.f32 v31, v5  }
0x1d9: {  	v2 =	vadd.f32 v0, v2;
	v3 =	vadd.f32 v1, v3;
	v27 =	vld [tilespmem:s28+$0x80B0]  }
0x1da: {  	v4 =	vadd.f32 v16, v4;
	v28 =	vld [tilespmem:s28+$0x80C0];
	v5 =	vadd.f32 v21, v5  }
0x1db: {  	v16 =	vld [tilespmem:s28+$0x80D0]  }
0x1dc: {  	v21 =	vld [tilespmem:s28+$0x80E0]  }
0x1dd: {  	v31 =	vld [tilespmem:s28+$0x80F0]  }
0x1de: {  	v23 =	vld [tilespmem:s28+$0x8480]  }
0x1df: {  	v25 =	vld [tilespmem:s28+$0x8490]  }
0x1e0: {  	v18 =	vld [tilespmem:s28+$0x84A0]  }
0x1e1: {  	v19 =	vld [tilespmem:s28+$0x84B0]  }
0x1e2: {  	v0 =	vld [tilespmem:s28+$0x84C0]  }
0x1e3: {  	v1 =	vld [tilespmem:s28+$0x84D0]  }
0x1e4: {  	v29 =	vld [tilespmem:s28+$0x8000]  }
0x1e5: {  	v30 =	vld [tilespmem:s28+$0x8010]  }
0x1e6: {  	v32 =	vld [tilespmem:s28+$0x8020]  }
0x1e7: {  	v33 =	vld [tilespmem:s28+$0x8030]  }
0x1e8: {  	v34 =	vld [tilespmem:s28+$0x8040]  }
0x1e9: {  	v35 =	vld [tilespmem:s28+$0x8050]  }
0x1ea: {  	v36 =	vld [tilespmem:s28+$0x8060]  }
0x1eb: {  	v6 =	vadd.f32 v29, v6;
	v7 =	vadd.f32 v30, v7;
	v37 =	vld [tilespmem:s28+$0x8070]  }
0x1ec: {  	v10 =	vadd.f32 v32, v10;
	v11 =	vadd.f32 v33, v11;
	v32 =	vld [tilespmem:s28+$0x8400]  }
0x1ed: {  	s29 =	sadd.s32 $0x2, s29;
	v6 =	vadd.f32 v22, v6;
	v7 =	vadd.f32 v24, v7;
	v33 =	vld [tilespmem:s28+$0x8410]  }
0x1ee: {  	p0 =	slt.u32 s29, $0x3E;
	v10 =	vadd.f32 v26, v10;
	v29 =	vld [tilespmem:s28+$0x8420];
	v11 =	vadd.f32 v27, v11  }
.Ltmp7:
0x1ef: {  	v8 =	vadd.f32 v34, v8;
	v9 =	vadd.f32 v35, v9;
	v30 =	vld [tilespmem:s28+$0x8430];
	(pc) =	sbr.rel @p0 .LBB2_16-.Ltmp7, $4  }
0x1f0: {  	v12 =	vadd.f32 v36, v12;
	v13 =	vadd.f32 v37, v13;
	v26 =	vld [tilespmem:s28+$0x8440]  }
0x1f1: {  	v8 =	vadd.f32 v28, v8;
	v9 =	vadd.f32 v16, v9;
	v27 =	vld [tilespmem:s28+$0x8450]  }
0x1f2: {  	v12 =	vadd.f32 v21, v12;
	v28 =	vld [tilespmem:s28+$0x8460];
	v13 =	vadd.f32 v31, v13  }
0x1f3: {  	s1 =	sadd.s32 $0x100, s1;
	s0 =	sadd.s32 $0x200, s0;
	v32 =	vadd.f32 v32, v17;
	v33 =	vadd.f32 v33, v20;
	v31 =	vld [tilespmem:s28+$0x8470]  }
0x1f4: {  	v34 =	vld [tilespmem:s28+$0x84E0]  }
0x1f5: {  	v35 =	vld [tilespmem:s28+$0x84F0];
	_ =	swait.ge [sflag:s21], $0x4000;
	s0 =	simm.s32 $0x0  }
0x1f6: {  	[sflag:s21] =	ssyncset.done $0x0;
	s1 =	sand.u32 $0x3800, s0;
	s0 =	sand.u32 $0x300, s0  }
0x1f7: {  	[sflag:s21] =	ssyncadd.s32 $0xFFFFC000;
	s28 =	sor.u32 s0, s1  }
0x1f8: {  	v36 =	vld [tilespmem:s28+$0xC080]  }
0x1f9: {  	v37 =	vld [tilespmem:s28+$0xC090]  }
0x1fa: {  	v38 =	vld [tilespmem:s28+$0xC0A0]  }
0x1fb: {  	v39 =	vld [tilespmem:s28+$0xC0B0]  }
0x1fc: {  	v40 =	vld [tilespmem:s28+$0xC0C0]  }
0x1fd: {  	v41 =	vld [tilespmem:s28+$0xC0D0]  }
0x1fe: {  	v42 =	vld [tilespmem:s28+$0xC0E0]  }
0x1ff: {  	v43 =	vld [tilespmem:s28+$0xC0F0]  }
0x200: {  	v24 =	vld [tilespmem:s28+$0xC480]  }
0x201: {  	v22 =	vld [tilespmem:s28+$0xC490]  }
0x202: {  	v21 =	vld [tilespmem:s28+$0xC4A0]  }
0x203: {  	v20 =	vld [tilespmem:s28+$0xC4B0]  }
0x204: {  	v14 =	vadd.f32 v29, v14;
	v61 =	vld [tilespmem:s28+$0xC000]  }
0x205: {  	v32 =	vadd.f32 v23, v32;
	v23 =	vld [tilespmem:s28+$0xC010]  }
0x206: {  	v29 =	vadd.f32 v30, v15;
	v15 =	vadd.f32 v18, v14;
	v18 =	vld [tilespmem:s28+$0xC020]  }
0x207: {  	v2 =	vadd.f32 v26, v2;
	v26 =	vld [tilespmem:s28+$0xC030]  }
0x208: {  	v14 =	vadd.f32 v19, v29;
	v19 =	vadd.f32 v27, v3;
	v27 =	vld [tilespmem:s28+$0xC040]  }
0x209: {  	v4 =	vadd.f32 v28, v4;
	v28 =	vld [tilespmem:s28+$0xC050]  }
0x20a: {  	v25 =	vadd.f32 v25, v33;
	v29 =	vld [tilespmem:s28+$0xC060];
	v5 =	vadd.f32 v31, v5  }
0x20b: {  	v3 =	vadd.f32 v0, v2;
	v62 =	vld [tilespmem:s28+$0xC070];
	v1 =	vadd.f32 v1, v19  }
0x20c: {  	v17 =	vld [tilespmem:s28+$0xC4C0];
	v2 =	vadd.f32 v34, v4;
	v0 =	vadd.f32 v35, v5  }
0x20d: {  	v16 =	vld [tilespmem:s28+$0xC4D0];
	v4 =	vadd.f32 v61, v6;
	v5 =	vadd.f32 v23, v7  }
0x20e: {  	v63 =	vld [tilespmem:s28+$0xC410];
	v6 =	vadd.f32 v18, v10;
	v7 =	vadd.f32 v26, v11  }
0x20f: {  	v19 =	vld [tilespmem:s28+$0xC420];
	v8 =	vadd.f32 v27, v8;
	v10 =	vadd.f32 v28, v9  }
0x210: {  	v26 =	vld [tilespmem:s28+$0xC400];
	v11 =	vadd.f32 v29, v12;
	v27 =	vadd.f32 v62, v13  }
0x211: {  	v23 =	vld [tilespmem:s28+$0xC430];
	v4 =	vadd.f32 v36, v4;
	v5 =	vadd.f32 v37, v5  }
0x212: {  	v13 =	vld [tilespmem:s28+$0xC440];
	v6 =	vadd.f32 v38, v6;
	v7 =	vadd.f32 v39, v7  }
0x213: {  	v12 =	vld [tilespmem:s28+$0xC450];
	v9 =	vadd.f32 v40, v8;
	v10 =	vadd.f32 v41, v10  }
0x214: {  	v18 =	vld [tilespmem:s28+$0xC460];
	v11 =	vadd.f32 v42, v11;
	v8 =	vadd.f32 v43, v27  }
0x215: {  	s29 =	simm.s32 $0x0;
	s1 =	simm.s32 $0x100;
	s0 =	simm.s32 $0x200;
	v27 =	vadd.f32 v26, v32;
	v26 =	vadd.f32 v63, v25;
	v25 =	vld [tilespmem:s28+$0xC470]  }
.LBB2_18:
0x216: {  	s22 =	sand.u32 $0x3800, s0;
	s23 =	sand.u32 $0x300, s1;
	v15 =	vadd.f32 v19, v15;
	v14 =	vadd.f32 v23, v14;
	v19 =	vld [tilespmem:s28+$0xC4E0]  }
0x217: {  	v27 =	vadd.f32 v24, v27;
	v26 =	vadd.f32 v22, v26;
	v22 =	vld [tilespmem:s28+$0xC4F0];
	s28 =	sor.u32 s23, s22  }
0x218: {  	v23 =	vld [tilespmem:s28+$0xC080];
	v15 =	vadd.f32 v21, v15;
	v14 =	vadd.f32 v20, v14  }
0x219: {  	v3 =	vadd.f32 v13, v3;
	v1 =	vadd.f32 v12, v1;
	v28 =	vld [tilespmem:s28+$0xC090]  }
0x21a: {  	v2 =	vadd.f32 v18, v2;
	v12 =	vld [tilespmem:s28+$0xC0A0];
	v0 =	vadd.f32 v25, v0  }
0x21b: {  	v3 =	vadd.f32 v17, v3;
	v1 =	vadd.f32 v16, v1;
	v13 =	vld [tilespmem:s28+$0xC0B0]  }
0x21c: {  	v2 =	vadd.f32 v19, v2;
	v18 =	vld [tilespmem:s28+$0xC0C0];
	v0 =	vadd.f32 v22, v0  }
0x21d: {  	v25 =	vld [tilespmem:s28+$0xC0D0]  }
0x21e: {  	v29 =	vld [tilespmem:s28+$0xC0E0]  }
0x21f: {  	v30 =	vld [tilespmem:s28+$0xC0F0]  }
0x220: {  	v24 =	vld [tilespmem:s28+$0xC480]  }
0x221: {  	v22 =	vld [tilespmem:s28+$0xC490]  }
0x222: {  	v21 =	vld [tilespmem:s28+$0xC4A0]  }
0x223: {  	v20 =	vld [tilespmem:s28+$0xC4B0]  }
0x224: {  	v17 =	vld [tilespmem:s28+$0xC4C0]  }
0x225: {  	v16 =	vld [tilespmem:s28+$0xC4D0]  }
0x226: {  	v19 =	vld [tilespmem:s28+$0xC000]  }
0x227: {  	v31 =	vld [tilespmem:s28+$0xC010]  }
0x228: {  	v32 =	vld [tilespmem:s28+$0xC020]  }
0x229: {  	v33 =	vld [tilespmem:s28+$0xC030]  }
0x22a: {  	v34 =	vld [tilespmem:s28+$0xC040]  }
0x22b: {  	v35 =	vld [tilespmem:s28+$0xC050]  }
0x22c: {  	v36 =	vld [tilespmem:s28+$0xC060]  }
0x22d: {  	v4 =	vadd.f32 v19, v4;
	v5 =	vadd.f32 v31, v5;
	v31 =	vld [tilespmem:s28+$0xC070]  }
0x22e: {  	v6 =	vadd.f32 v32, v6;
	v7 =	vadd.f32 v33, v7;
	v32 =	vld [tilespmem:s28+$0xC400]  }
0x22f: {  	s29 =	sadd.s32 $0x2, s29;
	v4 =	vadd.f32 v23, v4;
	v5 =	vadd.f32 v28, v5;
	v33 =	vld [tilespmem:s28+$0xC410]  }
0x230: {  	p0 =	slt.u32 s29, $0x3E;
	v6 =	vadd.f32 v12, v6;
	v19 =	vld [tilespmem:s28+$0xC420];
	v7 =	vadd.f32 v13, v7  }
.Ltmp8:
0x231: {  	v9 =	vadd.f32 v34, v9;
	v10 =	vadd.f32 v35, v10;
	v23 =	vld [tilespmem:s28+$0xC430];
	(pc) =	sbr.rel @p0 .LBB2_18-.Ltmp8, $4  }
0x232: {  	v11 =	vadd.f32 v36, v11;
	v8 =	vadd.f32 v31, v8;
	v13 =	vld [tilespmem:s28+$0xC440]  }
0x233: {  	v9 =	vadd.f32 v18, v9;
	v10 =	vadd.f32 v25, v10;
	v12 =	vld [tilespmem:s28+$0xC450]  }
0x234: {  	v11 =	vadd.f32 v29, v11;
	v18 =	vld [tilespmem:s28+$0xC460];
	v8 =	vadd.f32 v30, v8  }
0x235: {  	s1 =	sadd.s32 $0x100, s1;
	s0 =	sadd.s32 $0x200, s0;
	v27 =	vadd.f32 v32, v27;
	v26 =	vadd.f32 v33, v26;
	v25 =	vld [tilespmem:s28+$0xC470]  }
0x236: {  	v28 =	vld [tilespmem:s28+$0xC4E0]  }
0x237: {  	v29 =	vld [tilespmem:s28+$0xC4F0];
	[tilespmem:$0x10000] =	vst v4  }
0x238: {  	[tilespmem:$0x10010] =	vst v5  }
0x239: {  	[tilespmem:$0x10020] =	vst v6  }
0x23a: {  	[tilespmem:$0x10030] =	vst v7  }
0x23b: {  	[tilespmem:$0x10040] =	vst v9  }
0x23c: {  	[tilespmem:$0x10050] =	vst v10  }
0x23d: {  	v59 =	vadd.f32 v19, v15;
	[tilespmem:$0x10060] =	vst v11;
	v60 =	vadd.f32 v24, v27  }
0x23e: {  	v61 =	vadd.f32 v23, v14;
	[tilespmem:$0x10070] =	vst v8;
	v62 =	vadd.f32 v22, v26  }
0x23f: {  	v3 =	vadd.f32 v13, v3;
	v4 =	vadd.f32 v21, v59;
	[tilespmem:$0x10080] =	vst v60  }
0x240: {  	v63 =	vadd.f32 v20, v61;
	v1 =	vadd.f32 v12, v1;
	[tilespmem:$0x10090] =	vst v62  }
0x241: {  	v2 =	vadd.f32 v18, v2;
	v3 =	vadd.f32 v17, v3;
	[tilespmem:$0x100A0] =	vst v4  }
0x242: {  	v0 =	vadd.f32 v25, v0;
	v1 =	vadd.f32 v16, v1;
	[tilespmem:$0x100B0] =	vst v63  }
0x243: {  	v2 =	vadd.f32 v28, v2;
	[tilespmem:$0x100C0] =	vst v3  }
0x244: {  	s26 =	sadd.s32 $0x1, s26;
	v0 =	vadd.f32 v29, v0;
	[tilespmem:$0x100D0] =	vst v1  }
0x245: {  	p0 =	sne.s32 s26, s13;
	[tilespmem:$0x100E0] =	vst v2  }
.Ltmp9:
0x246: {  	s0 =	simm.s32 $0x80;
	s1 =	simm.s32 $0x200;
	[tilespmem:$0x100F0] =	vst v0;
	(pc) =	sbr.rel @p0 .LBB2_1-.Ltmp9, $4  }
0x247: {  	[hbm4b:s12+s0] =	stream.strided.scatter [tilespmem:s24], [sflag:$0x5], $0x100, s1, s0, $0x38;
	[tilespmem:$0x10100] =	vst v63  }
0x248: {  	_ =	swait.ge [sflag:s25], $0x100  }
0x249: {  	[sflag:s25] =	ssyncset.done $0x0  }
0x24a: {  	[sflag:s25] =	ssyncadd.s32 $0xFFFFFF00  }
0x24b: {  	_ =	sfence.sel $0x180000  }
0x24c: {  	[bflag:$0x0] =	sbarrier.arrive $0xFFFF  }
0x24d: {  	_ =	strace $0x90000047  }
0x24e: {  	s0 =	stileid.u32;
	[bflag:$0x2] =	sbarrier.arrive $0xFFFF  }
0x24f: {  	p0 =	sne.s32 s0, $0x0;
	s0 =	rddreg [dreg:$0x2]  }
0x250: {  	s0 =	sadd.s32 @!p0 $0x100000, s0  }
0x251: {  	[sflag:s0] =	ssyncadd.tile.s32 @!p0 $0x1;
	_ =	shalt  }
.Lfunc_end2:
_tile_overlayer_lowered:
.L_overlay_start_2:
0x252: {  	(tag) =	ssettag $0x2  }
0x253: {  	s0 =	rddreg [dreg:$0x0];
	s2 =	stileid.u32  }
0x254: {  	s1 =	rddreg [dreg:$0x1];
	p0 =	sne.s32 s2, $0x0  }
0x255: {  	s3 =	rddreg [dreg:$0x2];
	[bflag:$0x3] =	sbarrier.arrive $0xFFFF;
	s2 =	simm.s32 @!p0 $0x1C05  }
0x256: {  	[timem:s3], [sflag:s2] =	dma.local @!p0 [hbm:s0], s1  }
0x257: {  	s0 =	simm.s32 @!p0 $0x5  }
0x258: {  	_ =	swait.ge @!p0 [sflag:s0], s1  }
0x259: {  	s1 =	ssub.s32 @!p0 $0x0, s1;
	[sflag:s0] =	ssyncset.done @!p0 $0x0  }
0x25a: {  	[sflag:s0] =	ssyncadd.s32 @!p0 s1  }
0x25b: {  	[bflag:$0x3] =	sbarrier.arrive $0xFFFF  }
0x25c: {  	_ =	shalt  }

</sc_bundles>
